<compile_context>
chip_gen: v7x
topology: tpu7x:2x2x1
jax: 0.10.2.dev20260603
libtpu: 0.0.44.dev20260713+nightly
codegen_flags: <defaults>
</compile_context>

<pallas_src>
import functools

import jax
import jax.numpy as jnp
from jax import lax
from jax.experimental import pallas as pl
from jax.experimental.pallas import tpu as pltpu
from jax.experimental.pallas import tpu_sc as plsc

_B, _N, _NT, _M, _K, _H = 1, 10000, 2, 32, 32, 50
_RMIN, _RMAX = 0.5, 6.0
_INV_DR = 1.0 / (_RMAX - _RMIN)
_LANES = 128
_NP = 10240
_GRID = _NP // _LANES
_NSLOT = _NT * _M
_E = _NSLOT * _NP
_NW = 32
_EW = _E // _NW
_CR = _NP // _LANES
_N1P = 10240
_SLICE = _N1P // 16


def _dense_body(d_ref, aux_ref, j_ref, w1s_ref, w2bd_ref, w2bdb_ref,
                w1bs_ref, par2_ref, par_ref, ef_ref, g_ref, idx_ref, et_ref,
                feat_ref):
    f32 = jnp.float32
    i = pl.program_id(0)
    dx = d_ref[0]
    dy = d_ref[1]
    dz = d_ref[2]
    r2 = dx * dx + dy * dy + dz * dz + 1e-12
    r = jnp.sqrt(r2)
    u = (r - _RMIN) * _INV_DR
    x = jnp.clip(2.0 * u - 1.0, -1.0, 1.0)
    inside = jnp.logical_and(r > _RMIN, r < _RMAX)
    insf = inside.astype(f32)
    uc = jnp.clip(u, 0.0, 1.0)
    fc = jnp.where(r < _RMAX, 0.5 * (jnp.cos(jnp.pi * uc) + 1.0), 0.0)

    rows = lax.broadcasted_iota(jnp.int32, (_NSLOT, _LANES), 0)
    mloc = jnp.bitwise_and(rows, _M - 1)
    nn0 = jnp.broadcast_to(aux_ref[1:2, :], (_NSLOT, _LANES))
    nn1 = jnp.broadcast_to(aux_ref[2:3, :], (_NSLOT, _LANES))
    nnb = jnp.where(rows < _M, nn0, nn1)
    vm = (mloc < nnb).astype(f32)
    w = fc * vm

    tkm1 = None
    tk = jnp.ones_like(x)
    for k in range(_K):
        wt = w * tk
        feat_ref[k:k + 1, :] = jnp.sum(wt[0:_M, :], axis=0, keepdims=True)
        feat_ref[_K + k:_K + k + 1, :] = jnp.sum(wt[_M:, :], axis=0,
                                                 keepdims=True)
        tn = x if k == 0 else 2.0 * x * tk - tkm1
        tkm1, tk = tk, tn

    mean_c = jnp.broadcast_to(par_ref[:, 8:9], (_NSLOT, _LANES))
    scale_c = jnp.broadcast_to(par_ref[:, 9:10], (_NSLOT, _LANES))
    fs = (feat_ref[...] - mean_c) * scale_c
    it = aux_ref[0:1, :]

    rows2 = lax.broadcasted_iota(jnp.int32, (2 * _NSLOT, _LANES), 0)
    trow = (rows2 >= _NSLOT).astype(jnp.int32)
    itb = jnp.broadcast_to(it, (2 * _NSLOT, _LANES))
    msk = (itb == trow).astype(f32)
    b1c = jnp.broadcast_to(par2_ref[:, 0:1], (2 * _NSLOT, _LANES))
    b2c = jnp.broadcast_to(par2_ref[:, 1:2], (2 * _NSLOT, _LANES))
    w3c = jnp.broadcast_to(par2_ref[:, 2:3], (2 * _NSLOT, _LANES))
    z1 = jnp.dot(w1s_ref[...], fs, preferred_element_type=f32) + b1c
    h1 = jnp.tanh(z1)
    z2 = jnp.dot(w2bd_ref[...], h1, preferred_element_type=f32) + b2c
    th2 = jnp.tanh(z2)
    h2 = th2 + h1
    dh2 = w3c * msk
    b3a = jnp.broadcast_to(par2_ref[0:1, 3:4], (1, _LANES))
    b3b = jnp.broadcast_to(par2_ref[1:2, 3:4], (1, _LANES))
    ei = (jnp.sum(dh2 * h2, axis=0, keepdims=True) +
          jnp.where(it == 0, b3a, b3b))
    dz2 = dh2 * (1.0 - th2 * th2)
    dh1 = dh2 + jnp.dot(w2bdb_ref[...], dz2, preferred_element_type=f32)
    dz1 = dh1 * (1.0 - h1 * h1)
    dfs = jnp.dot(w1bs_ref[...], dz1, preferred_element_type=f32)
    dft = dfs * scale_c

    col = lax.broadcasted_iota(jnp.int32, (1, _LANES), 1)
    valid = ((i * _LANES + col) < _N).astype(f32)
    ei = ei * valid

    pacc = jnp.zeros((_NSLOT, _LANES), f32)
    dacc = jnp.zeros((_NSLOT, _LANES), f32)
    tkm1 = None
    tk = jnp.ones_like(x)
    dtkm1 = None
    dtk = jnp.zeros_like(x)
    for k in range(_K):
        s0 = jnp.broadcast_to(dft[k:k + 1, :], (_NSLOT, _LANES))
        s1 = jnp.broadcast_to(dft[_K + k:_K + k + 1, :], (_NSLOT, _LANES))
        sb = jnp.where(rows < _M, s0, s1)
        pacc = pacc + sb * tk
        dacc = dacc + sb * dtk
        if k == 0:
            tn = x
            dtn = jnp.ones_like(x)
        else:
            tn = 2.0 * x * tk - tkm1
            dtn = 2.0 * tk + 2.0 * x * dtk - dtkm1
        tkm1, tk = tk, tn
        dtkm1, dtk = dtk, dtn

    fcp = jnp.where(inside, -0.5 * jnp.pi * jnp.sin(jnp.pi * uc) * _INV_DR,
                    0.0)
    dedr = dacc * (2.0 * _INV_DR) * insf * fc + pacc * fcp
    gs = dedr * vm / r
    gx = gs * dx
    gy = gs * dy
    gz = gs * dz
    g_ref[0, :, :] = gx
    g_ref[1, :, :] = gy
    g_ref[2, :, :] = gz
    sgx = jnp.sum(gx, axis=0, keepdims=True)
    sgy = jnp.sum(gy, axis=0, keepdims=True)
    sgz = jnp.sum(gz, axis=0, keepdims=True)
    dump = _N + jnp.broadcast_to(col, (_NSLOT, _LANES))
    idx_ref[...] = jnp.where(vm > 0.0, j_ref[...], dump)
    ef_ref[0:1, :] = ei
    ef_ref[1:2, :] = sgx
    ef_ref[2:3, :] = sgy
    ef_ref[3:4, :] = sgz
    ef_ref[4:8, :] = jnp.zeros((4, _LANES), f32)

    @pl.when(i == 0)
    def _():
        et_ref[...] = jnp.zeros((8, _LANES), f32)

    et_ref[0:1, :] = et_ref[0:1, :] + ei


def _dense_call(dxt, aux, jt, w1s, w2bd, w2bdb, w1bs, par2, par):
    return pl.pallas_call(
        _dense_body,
        grid=(_GRID,),
        in_specs=[
            pl.BlockSpec((3, _NSLOT, _LANES), lambda i: (0, 0, i)),
            pl.BlockSpec((8, _LANES), lambda i: (0, i)),
            pl.BlockSpec((_NSLOT, _LANES), lambda i: (0, i)),
            pl.BlockSpec((128, 64), lambda i: (0, 0)),
            pl.BlockSpec((128, 128), lambda i: (0, 0)),
            pl.BlockSpec((128, 128), lambda i: (0, 0)),
            pl.BlockSpec((64, 128), lambda i: (0, 0)),
            pl.BlockSpec((128, 8), lambda i: (0, 0)),
            pl.BlockSpec((64, _LANES), lambda i: (0, 0)),
        ],
        out_specs=[
            pl.BlockSpec((8, _LANES), lambda i: (0, i)),
            pl.BlockSpec((3, _NSLOT, _LANES), lambda i: (0, 0, i)),
            pl.BlockSpec((_NSLOT, _LANES), lambda i: (0, i)),
            pl.BlockSpec((8, _LANES), lambda i: (0, 0)),
        ],
        out_shape=[
            jax.ShapeDtypeStruct((8, _NP), jnp.float32),
            jax.ShapeDtypeStruct((3, _NSLOT, _NP), jnp.float32),
            jax.ShapeDtypeStruct((_NSLOT, _NP), jnp.int32),
            jax.ShapeDtypeStruct((8, _LANES), jnp.float32),
        ],
        scratch_shapes=[pltpu.VMEM((_NSLOT, _LANES), jnp.float32)],
    )(dxt, aux, jt, w1s, w2bd, w2bdb, w1bs, par2, par)


_PD = 8


_RW = _NSLOT // _NW


def _scatter_body(g_hbm, idx_hbm, out_hbm, idxv, gv0, gv1, gv2, zb,
                  acc0, acc1, acc2, sem):
    c = lax.axis_index("c")
    s = lax.axis_index("s")
    wid = c * 16 + s
    row = wid * _RW
    z16 = jnp.zeros((16,), jnp.float32)

    pltpu.sync_copy(idx_hbm.at[pl.ds(row, _RW)], idxv)
    pltpu.sync_copy(g_hbm.at[pl.ds(0 * _NSLOT + row, _RW)], gv0)
    pltpu.sync_copy(g_hbm.at[pl.ds(1 * _NSLOT + row, _RW)], gv1)
    pltpu.sync_copy(g_hbm.at[pl.ds(2 * _NSLOT + row, _RW)], gv2)

    def zloop(i, carry):
        zb[pl.ds(16 * i, 16)] = z16
        return carry

    lax.fori_loop(0, _SLICE // 16, zloop, 0)
    zoff = s * _SLICE
    pltpu.sync_copy(zb, acc0.at[pl.ds(zoff, _SLICE)])
    pltpu.sync_copy(zb, acc1.at[pl.ds(zoff, _SLICE)])
    pltpu.sync_copy(zb, acc2.at[pl.ds(zoff, _SLICE)])
    plsc.subcore_barrier()

    for r in range(_RW):
        def fire(o, r=r):
            off = o * _LANES
            iv = idxv.at[r, pl.ds(off, _LANES)]
            pltpu.async_copy(gv0.at[r, pl.ds(off, _LANES)], acc0.at[iv],
                             sem, add=True)
            pltpu.async_copy(gv1.at[r, pl.ds(off, _LANES)], acc1.at[iv],
                             sem, add=True)
            pltpu.async_copy(gv2.at[r, pl.ds(off, _LANES)], acc2.at[iv],
                             sem, add=True)

        def drain(o, r=r):
            off = o * _LANES
            iv = idxv.at[r, pl.ds(off, _LANES)]
            pltpu.make_async_copy(gv0.at[r, pl.ds(off, _LANES)],
                                  acc0.at[iv], sem).wait()
            pltpu.make_async_copy(gv1.at[r, pl.ds(off, _LANES)],
                                  acc1.at[iv], sem).wait()
            pltpu.make_async_copy(gv2.at[r, pl.ds(off, _LANES)],
                                  acc2.at[iv], sem).wait()

        def inner(o, carry):
            fire(o)

            @pl.when(o >= _PD)
            def _():
                drain(o - _PD)

            return carry

        lax.fori_loop(0, _CR, inner, 0)

        def dloop(o, carry):
            drain(o)
            return carry

        lax.fori_loop(_CR - _PD, _CR, dloop, 0)
    plsc.subcore_barrier()

    pltpu.sync_copy(acc0.at[pl.ds(zoff, _SLICE)],
                    out_hbm.at[pl.ds(c * 3 * _N1P + 0 * _N1P + zoff, _SLICE)])
    pltpu.sync_copy(acc1.at[pl.ds(zoff, _SLICE)],
                    out_hbm.at[pl.ds(c * 3 * _N1P + 1 * _N1P + zoff, _SLICE)])
    pltpu.sync_copy(acc2.at[pl.ds(zoff, _SLICE)],
                    out_hbm.at[pl.ds(c * 3 * _N1P + 2 * _N1P + zoff, _SLICE)])


def _scatter_call(g2d, idx2d):
    mesh = plsc.VectorSubcoreMesh(core_axis_name="c", subcore_axis_name="s")
    f = functools.partial(
        pl.kernel,
        mesh=mesh,
        out_type=jax.ShapeDtypeStruct((2 * 3 * _N1P,), jnp.float32),
        scratch_types=[
            pltpu.VMEM((_RW, _NP), jnp.int32),
            pltpu.VMEM((_RW, _NP), jnp.float32),
            pltpu.VMEM((_RW, _NP), jnp.float32),
            pltpu.VMEM((_RW, _NP), jnp.float32),
            pltpu.VMEM((_SLICE,), jnp.float32),
            pltpu.VMEM_SHARED((_N1P,), jnp.float32),
            pltpu.VMEM_SHARED((_N1P,), jnp.float32),
            pltpu.VMEM_SHARED((_N1P,), jnp.float32),
            pltpu.SemaphoreType.DMA,
        ],
    )(_scatter_body)
    return f(g2d, idx2d)


def kernel(list_neigh, Imagetype_map, atom_type, ImageDR, num_neigh, nghost,
           scaler_scale, scaler_mean, W1, b1, W2, b2, W3, b3, ener_shift):
    f32 = jnp.float32
    pad = _NP - _N

    dxyz = ImageDR[0, :, :, 1:4].astype(f32)
    dxt = jnp.transpose(dxyz, (2, 1, 0))
    dxt = jnp.pad(dxt, ((0, 0), (0, 0), (0, pad)))

    aux = jnp.zeros((8, _NP), jnp.int32)
    aux = aux.at[0, :_N].set(Imagetype_map)
    aux = aux.at[1, :_N].set(num_neigh[0, :, 0])
    aux = aux.at[2, :_N].set(num_neigh[0, :, 1])

    jt = jnp.pad(jnp.transpose(list_neigh[0].reshape(_N, _NSLOT), (1, 0)),
                 ((0, 0), (0, pad)))

    hp = 64 - _H
    w1p = jnp.pad(W1, ((0, 0), (0, 0), (0, hp)))
    b1p = jnp.pad(b1, ((0, 0), (0, hp)))
    w2p = jnp.pad(W2, ((0, 0), (0, hp), (0, hp)))
    b2p = jnp.pad(b2, ((0, 0), (0, hp)))
    w3p = jnp.pad(W3[..., 0], ((0, 0), (0, hp)))
    b3s = b3[:, 0] + ener_shift[:, 0]

    par = jnp.zeros((64, _LANES), f32)
    par = par.at[:, 8].set(scaler_mean).at[:, 9].set(scaler_scale)

    w1f = jnp.transpose(w1p, (0, 2, 1))
    w2f = jnp.transpose(w2p, (0, 2, 1))
    w1s = jnp.concatenate([w1f[0], w1f[1]], axis=0)
    w2bd = (jnp.zeros((128, 128), f32)
            .at[:64, :64].set(w2f[0]).at[64:, 64:].set(w2f[1]))
    w2bdb = (jnp.zeros((128, 128), f32)
             .at[:64, :64].set(w2p[0]).at[64:, 64:].set(w2p[1]))
    w1bs = jnp.concatenate([w1p[0], w1p[1]], axis=1)
    par2 = jnp.zeros((128, 8), f32)
    par2 = par2.at[:64, 0].set(b1p[0]).at[64:, 0].set(b1p[1])
    par2 = par2.at[:64, 1].set(b2p[0]).at[64:, 1].set(b2p[1])
    par2 = par2.at[:64, 2].set(w3p[0]).at[64:, 2].set(w3p[1])
    par2 = par2.at[0, 3].set(b3s[0]).at[1, 3].set(b3s[1])

    ef, g, idx, et = _dense_call(dxt, aux, jt, w1s, w2bd, w2bdb, w1bs, par2,
                                 par)

    facc = _scatter_call(g.reshape(3 * _NSLOT, _NP), idx).reshape(2, 3, _N1P)

    fsc = (facc[0] + facc[1])[:, :_N]
    force = jnp.transpose(ef[1:4, :_N] - fsc, (1, 0))[None]
    etot = jnp.sum(et[0, :]).reshape(1, 1)
    ei_out = ef[0:1, :_N]
    return etot, ei_out, force

# --- scband reference (transcript-rebuilt; emitter-appended) ---
"""Pipeline reference for scband-cheby-net-88433376625309 (READ-ONLY COPY).

The authoritative reference and input builder live on the scoring server;
editing this copy changes nothing except your own understanding.
"""

import jax, jax.numpy as jnp
import numpy as np

B = 1
N = 10000
NT = 2
M = 32
K = 32
NFEAT = NT * K
H = 50
RMIN = 0.5
RMAX = 6.0


def setup_inputs(seed: int = 0):
    key = jax.random.key(seed)
    ks = jax.random.split(key, 16)
    list_neigh = jax.random.randint(ks[0], (B, N, NT, M), 0, N, dtype=jnp.int32)
    Imagetype_map = jax.random.randint(ks[1], (N,), 0, NT, dtype=jnp.int32)
    atom_type = jnp.arange(NT, dtype=jnp.int32)
    dxyz = jax.random.uniform(ks[2], (B, N, NT * M, 3), minval=-4.0, maxval=4.0)
    r = jnp.sqrt(jnp.sum(dxyz ** 2, axis=-1, keepdims=True))
    ImageDR = jnp.concatenate([r, dxyz], axis=-1).astype(jnp.float32)
    num_neigh = jax.random.randint(ks[3], (B, N, NT), 0, M + 1, dtype=jnp.int32)
    scaler_scale = jax.random.uniform(ks[4], (NFEAT,), minval=0.5, maxval=1.5)
    scaler_mean = jax.random.normal(ks[5], (NFEAT,)) * 0.1
    W1 = jax.random.normal(ks[6], (NT, NFEAT, H)) * 0.1
    b1 = jnp.zeros((NT, H), dtype=jnp.float32)
    W2 = jax.random.normal(ks[7], (NT, H, H)) * 0.1
    b2 = jnp.zeros((NT, H), dtype=jnp.float32)
    W3 = jax.random.normal(ks[8], (NT, H, 1)) * 0.1
    b3 = jnp.zeros((NT, 1), dtype=jnp.float32)
    ener_shift = jnp.array([[-3.0], [-5.0]], dtype=jnp.float32)
    return {"list_neigh": list_neigh, "Imagetype_map": Imagetype_map, "atom_type": atom_type,
            "ImageDR": ImageDR, "num_neigh": num_neigh, "nghost": 0,
            "scaler_scale": scaler_scale, "scaler_mean": scaler_mean,
            "W1": W1, "b1": b1, "W2": W2, "b2": b2, "W3": W3, "b3": b3,
            "ener_shift": ener_shift}


def _cheby(x, order):
    T = [jnp.ones_like(x), x]
    for _ in range(2, order):
        T.append(2.0 * x * T[-1] - T[-2])
    return jnp.stack(T[:order], axis=-1)


def _descriptor(dxyz, num_neigh):
    r = jnp.sqrt(jnp.sum(dxyz ** 2, axis=-1) + 1e-12)
    slot = jnp.arange(M)
    vmask = (slot[None, None, None, :] < num_neigh[..., None]).astype(dxyz.dtype)
    u = (r - RMIN) / (RMAX - RMIN)
    x = jnp.clip(2.0 * u - 1.0, -1.0, 1.0)
    fc = jnp.where(r < RMAX, 0.5 * (jnp.cos(jnp.pi * jnp.clip(u, 0.0, 1.0)) + 1.0), 0.0)
    w = fc * vmask
    feat = jnp.sum(_cheby(x, K) * w[..., None], axis=3)
    return feat.reshape(dxyz.shape[0], dxyz.shape[1], NFEAT), vmask


def _energy(dxyz, num_neigh, Imagetype_map, scaler_scale, scaler_mean, W1, b1, W2, b2, W3, b3, ener_shift):
    feat, _ = _descriptor(dxyz, num_neigh)
    fs = (feat - scaler_mean) * scaler_scale
    Ei = jnp.zeros(fs.shape[:2] + (1,), dtype=fs.dtype)
    for t in range(NT):
        h1 = jnp.tanh(fs @ W1[t] + b1[t])
        h2 = jnp.tanh(h1 @ W2[t] + b2[t]) + h1
        e = h2 @ W3[t] + b3[t] + ener_shift[t]
        mask_t = (Imagetype_map == t).astype(fs.dtype)[None, :, None]
        Ei = Ei + mask_t * e
    Etot = jnp.sum(Ei, axis=1)
    return Etot, Ei


def reference(list_neigh, Imagetype_map, atom_type, ImageDR, num_neigh, nghost,
              scaler_scale, scaler_mean, W1, b1, W2, b2, W3, b3, ener_shift):
    dxyz = ImageDR[..., 1:4].reshape(B, N, NT, M, 3)

    def efn(d):
        Etot, Ei = _energy(d, num_neigh, Imagetype_map, scaler_scale, scaler_mean,
                           W1, b1, W2, b2, W3, b3, ener_shift)
        return jnp.sum(Etot), (Etot, Ei)

    (_, (Etot, Ei)), g = jax.value_and_grad(efn, has_aux=True)(dxyz)
    _, vmask = _descriptor(dxyz, num_neigh)
    g = g * vmask[..., None]
    F_center = jnp.sum(g, axis=(2, 3))
    jidx = list_neigh.reshape(B, N * NT * M)
    gflat = g.reshape(B, N * NT * M, 3)
    vflat = vmask.reshape(B, N * NT * M) > 0
    idx = jnp.where(vflat, jidx, N)
    F_sc = jnp.zeros((B, N + 1, 3), dtype=g.dtype).at[jnp.arange(B)[:, None], idx].add(gflat)[:, :N]
    Force = F_center - F_sc
    return Etot, Ei[..., 0], Force

if __name__ == "__main__":
    import jax
    _d = setup_inputs()
    print(jax.jit(kernel)(*tuple(_d.values())))

</pallas_src>

<mosaic_0001>
#map = affine_map<(d0, d1) -> (0, 0)>
#map1 = affine_map<(d0, d1) -> (0)>
module attributes {stable_mosaic.version = 14 : i64} {
  func.func @_scatter_body(%arg0: i32, %arg1: i32, %arg2: memref<192x10240xf32, #tpu.memory_space<hbm>>, %arg3: memref<64x10240xi32, #tpu.memory_space<hbm>>, %arg4: memref<61440xf32, #tpu.memory_space<hbm>>, %arg5: memref<2x10240xi32, #tpu.memory_space<vmem>>, %arg6: memref<2x10240xf32, #tpu.memory_space<vmem>>, %arg7: memref<2x10240xf32, #tpu.memory_space<vmem>>, %arg8: memref<2x10240xf32, #tpu.memory_space<vmem>>, %arg9: memref<640xf32, #tpu.memory_space<vmem>>, %arg10: memref<10240xf32, #tpu.memory_space<vmem_shared>>, %arg11: memref<10240xf32, #tpu.memory_space<vmem_shared>>, %arg12: memref<10240xf32, #tpu.memory_space<vmem_shared>>, %arg13: memref<!tpu.dma_semaphore, #tpu.memory_space<semaphore_mem>>) attributes {dimension_semantics = [#tpu.dimension_semantics<core_parallel>, #tpu.dimension_semantics<subcore_parallel>], iteration_bounds = array<i64: 2, 16>, scalar_prefetch = 0 : i64, scratch_operands = 9 : i64, tpu.core_type = #tpu.core_type<sc_vector_subcore>, window_params = [{transform_indices = #map}, {transform_indices = #map}, {transform_indices = #map1}]} {
    %mul3A = arith.constant 16 : i32
    %mul3A_0 = arith.muli %arg0, %mul3A : i32
    %add3A = arith.addi %mul3A_0, %arg1 : i32
    %mul3A_1 = arith.constant 2 : i32
    %mul3A_2 = arith.muli %add3A, %mul3A_1 : i32
    %broadcast_in_dim3A = arith.constant 0.000000e+00 : f32
    %broadcast_in_dim3A_3 = vector.broadcast %broadcast_in_dim3A : f32 to vector<16xf32>
    "tpu.region"() ({
      %run_scoped3A = tpu.sem_alloc : memref<!tpu.dma_semaphore, #tpu.memory_space<semaphore_mem>>
      %dma_start3A = arith.constant 0 : i32
      %dma_start3A_63 = tpu.memref_slice %arg3[%mul3A_2, %dma_start3A] : memref<64x10240xi32, #tpu.memory_space<hbm>> -> memref<2x10240xi32, #tpu.memory_space<hbm>>
      %dma_start3A_64 = arith.constant 0 : i32
      %dma_start3A_65 = tpu.memref_slice %arg3[%mul3A_2, %dma_start3A_64] : memref<64x10240xi32, #tpu.memory_space<hbm>> -> memref<2x10240xi32, #tpu.memory_space<hbm>>
      tpu.enqueue_dma source(%dma_start3A_65 : memref<2x10240xi32, #tpu.memory_space<hbm>>) target(%arg5 : memref<2x10240xi32, #tpu.memory_space<vmem>>) target_semaphore(%run_scoped3A : memref<!tpu.dma_semaphore, #tpu.memory_space<semaphore_mem>>)
      %dma_wait3A = arith.constant 0 : i32
      %dma_wait3A_66 = tpu.memref_slice %arg3[%mul3A_2, %dma_wait3A] : memref<64x10240xi32, #tpu.memory_space<hbm>> -> memref<2x10240xi32, #tpu.memory_space<hbm>>
      %dma_wait3A_67 = arith.constant 0 : i32
      %dma_wait3A_68 = tpu.memref_slice %arg3[%mul3A_2, %dma_wait3A_67] : memref<64x10240xi32, #tpu.memory_space<hbm>> -> memref<2x10240xi32, #tpu.memory_space<hbm>>
      tpu.wait_dma2 semaphore(%run_scoped3A : memref<!tpu.dma_semaphore, #tpu.memory_space<semaphore_mem>>) src(%dma_wait3A_68 : memref<2x10240xi32, #tpu.memory_space<hbm>>) dst(%arg5 : memref<2x10240xi32, #tpu.memory_space<vmem>>)
      tpu.yield
    }) : () -> ()
    %add3A_4 = arith.constant 0 : i32
    %add3A_5 = arith.addi %add3A_4, %mul3A_2 : i32
    "tpu.region"() ({
      %run_scoped3A = tpu.sem_alloc : memref<!tpu.dma_semaphore, #tpu.memory_space<semaphore_mem>>
      %dma_start3A = arith.constant 0 : i32
      %dma_start3A_63 = tpu.memref_slice %arg2[%add3A_5, %dma_start3A] : memref<192x10240xf32, #tpu.memory_space<hbm>> -> memref<2x10240xf32, #tpu.memory_space<hbm>>
      %dma_start3A_64 = arith.constant 0 : i32
      %dma_start3A_65 = tpu.memref_slice %arg2[%add3A_5, %dma_start3A_64] : memref<192x10240xf32, #tpu.memory_space<hbm>> -> memref<2x10240xf32, #tpu.memory_space<hbm>>
      tpu.enqueue_dma source(%dma_start3A_65 : memref<2x10240xf32, #tpu.memory_space<hbm>>) target(%arg6 : memref<2x10240xf32, #tpu.memory_space<vmem>>) target_semaphore(%run_scoped3A : memref<!tpu.dma_semaphore, #tpu.memory_space<semaphore_mem>>)
      %dma_wait3A = arith.constant 0 : i32
      %dma_wait3A_66 = tpu.memref_slice %arg2[%add3A_5, %dma_wait3A] : memref<192x10240xf32, #tpu.memory_space<hbm>> -> memref<2x10240xf32, #tpu.memory_space<hbm>>
      %dma_wait3A_67 = arith.constant 0 : i32
      %dma_wait3A_68 = tpu.memref_slice %arg2[%add3A_5, %dma_wait3A_67] : memref<192x10240xf32, #tpu.memory_space<hbm>> -> memref<2x10240xf32, #tpu.memory_space<hbm>>
      tpu.wait_dma2 semaphore(%run_scoped3A : memref<!tpu.dma_semaphore, #tpu.memory_space<semaphore_mem>>) src(%dma_wait3A_68 : memref<2x10240xf32, #tpu.memory_space<hbm>>) dst(%arg6 : memref<2x10240xf32, #tpu.memory_space<vmem>>)
      tpu.yield
    }) : () -> ()
    %add3A_6 = arith.constant 64 : i32
    %add3A_7 = arith.addi %add3A_6, %mul3A_2 : i32
    "tpu.region"() ({
      %run_scoped3A = tpu.sem_alloc : memref<!tpu.dma_semaphore, #tpu.memory_space<semaphore_mem>>
      %dma_start3A = arith.constant 0 : i32
      %dma_start3A_63 = tpu.memref_slice %arg2[%add3A_7, %dma_start3A] : memref<192x10240xf32, #tpu.memory_space<hbm>> -> memref<2x10240xf32, #tpu.memory_space<hbm>>
      %dma_start3A_64 = arith.constant 0 : i32
      %dma_start3A_65 = tpu.memref_slice %arg2[%add3A_7, %dma_start3A_64] : memref<192x10240xf32, #tpu.memory_space<hbm>> -> memref<2x10240xf32, #tpu.memory_space<hbm>>
      tpu.enqueue_dma source(%dma_start3A_65 : memref<2x10240xf32, #tpu.memory_space<hbm>>) target(%arg7 : memref<2x10240xf32, #tpu.memory_space<vmem>>) target_semaphore(%run_scoped3A : memref<!tpu.dma_semaphore, #tpu.memory_space<semaphore_mem>>)
      %dma_wait3A = arith.constant 0 : i32
      %dma_wait3A_66 = tpu.memref_slice %arg2[%add3A_7, %dma_wait3A] : memref<192x10240xf32, #tpu.memory_space<hbm>> -> memref<2x10240xf32, #tpu.memory_space<hbm>>
      %dma_wait3A_67 = arith.constant 0 : i32
      %dma_wait3A_68 = tpu.memref_slice %arg2[%add3A_7, %dma_wait3A_67] : memref<192x10240xf32, #tpu.memory_space<hbm>> -> memref<2x10240xf32, #tpu.memory_space<hbm>>
      tpu.wait_dma2 semaphore(%run_scoped3A : memref<!tpu.dma_semaphore, #tpu.memory_space<semaphore_mem>>) src(%dma_wait3A_68 : memref<2x10240xf32, #tpu.memory_space<hbm>>) dst(%arg7 : memref<2x10240xf32, #tpu.memory_space<vmem>>)
      tpu.yield
    }) : () -> ()
    %add3A_8 = arith.constant 128 : i32
    %add3A_9 = arith.addi %add3A_8, %mul3A_2 : i32
    "tpu.region"() ({
      %run_scoped3A = tpu.sem_alloc : memref<!tpu.dma_semaphore, #tpu.memory_space<semaphore_mem>>
      %dma_start3A = arith.constant 0 : i32
      %dma_start3A_63 = tpu.memref_slice %arg2[%add3A_9, %dma_start3A] : memref<192x10240xf32, #tpu.memory_space<hbm>> -> memref<2x10240xf32, #tpu.memory_space<hbm>>
      %dma_start3A_64 = arith.constant 0 : i32
      %dma_start3A_65 = tpu.memref_slice %arg2[%add3A_9, %dma_start3A_64] : memref<192x10240xf32, #tpu.memory_space<hbm>> -> memref<2x10240xf32, #tpu.memory_space<hbm>>
      tpu.enqueue_dma source(%dma_start3A_65 : memref<2x10240xf32, #tpu.memory_space<hbm>>) target(%arg8 : memref<2x10240xf32, #tpu.memory_space<vmem>>) target_semaphore(%run_scoped3A : memref<!tpu.dma_semaphore, #tpu.memory_space<semaphore_mem>>)
      %dma_wait3A = arith.constant 0 : i32
      %dma_wait3A_66 = tpu.memref_slice %arg2[%add3A_9, %dma_wait3A] : memref<192x10240xf32, #tpu.memory_space<hbm>> -> memref<2x10240xf32, #tpu.memory_space<hbm>>
      %dma_wait3A_67 = arith.constant 0 : i32
      %dma_wait3A_68 = tpu.memref_slice %arg2[%add3A_9, %dma_wait3A_67] : memref<192x10240xf32, #tpu.memory_space<hbm>> -> memref<2x10240xf32, #tpu.memory_space<hbm>>
      tpu.wait_dma2 semaphore(%run_scoped3A : memref<!tpu.dma_semaphore, #tpu.memory_space<semaphore_mem>>) src(%dma_wait3A_68 : memref<2x10240xf32, #tpu.memory_space<hbm>>) dst(%arg8 : memref<2x10240xf32, #tpu.memory_space<vmem>>)
      tpu.yield
    }) : () -> ()
    %scan3A = arith.constant 0 : i32
    %scan3A_10 = arith.constant 0 : i32
    %scan3A_11 = arith.constant 40 : i32
    %scan3A_12 = arith.addi %scan3A_10, %scan3A_11 : i32
    %scan3A_13 = arith.constant 1 : i32
    scf.for %scan3A_63 = %scan3A_10 to %scan3A_12 step %scan3A_13  : i32 {
      %mul3A_64 = arith.constant 16 : i32
      %mul3A_65 = arith.muli %mul3A_64, %scan3A_63 : i32
      %swap3A = arith.index_cast %mul3A_65 : i32 to index
      %swap3A_66 = tpu.vector_load %arg9[%swap3A] {strides = array<i32>} : memref<640xf32, #tpu.memory_space<vmem>>, vector<16xf32>,
      %swap3A_67 = vector.shape_cast %swap3A_66 : vector<16xf32> to vector<16xf32>
      %swap3A_68 = vector.shape_cast %broadcast_in_dim3A_3 : vector<16xf32> to vector<16xf32>
      tpu.vector_store %arg9[%swap3A], %swap3A_68 {strides = array<i32>} : memref<640xf32, #tpu.memory_space<vmem>>, vector<16xf32>,
    }
    %scan3A_14 = arith.constant 40 : i32
    %mul3A_15 = arith.constant 640 : i32
    %mul3A_16 = arith.muli %arg1, %mul3A_15 : i32
    "tpu.region"() ({
      %run_scoped3A = tpu.sem_alloc : memref<!tpu.dma_semaphore, #tpu.memory_space<semaphore_mem>>
      %dma_start3A = tpu.memref_slice %arg10[%mul3A_16] : memref<10240xf32, #tpu.memory_space<vmem_shared>> -> memref<640xf32, #tpu.memory_space<vmem_shared>>
      %dma_start3A_63 = tpu.memref_slice %arg10[%mul3A_16] : memref<10240xf32, #tpu.memory_space<vmem_shared>> -> memref<640xf32, #tpu.memory_space<vmem_shared>>
      tpu.enqueue_dma source(%arg9 : memref<640xf32, #tpu.memory_space<vmem>>) target(%dma_start3A_63 : memref<640xf32, #tpu.memory_space<vmem_shared>>) target_semaphore(%run_scoped3A : memref<!tpu.dma_semaphore, #tpu.memory_space<semaphore_mem>>)
      %dma_wait3A = tpu.memref_slice %arg10[%mul3A_16] : memref<10240xf32, #tpu.memory_space<vmem_shared>> -> memref<640xf32, #tpu.memory_space<vmem_shared>>
      %dma_wait3A_64 = tpu.memref_slice %arg10[%mul3A_16] : memref<10240xf32, #tpu.memory_space<vmem_shared>> -> memref<640xf32, #tpu.memory_space<vmem_shared>>
      tpu.wait_dma2 semaphore(%run_scoped3A : memref<!tpu.dma_semaphore, #tpu.memory_space<semaphore_mem>>) src(%arg9 : memref<640xf32, #tpu.memory_space<vmem>>) dst(%dma_wait3A_64 : memref<640xf32, #tpu.memory_space<vmem_shared>>)
      tpu.yield
    }) : () -> ()
    "tpu.region"() ({
      %run_scoped3A = tpu.sem_alloc : memref<!tpu.dma_semaphore, #tpu.memory_space<semaphore_mem>>
      %dma_start3A = tpu.memref_slice %arg11[%mul3A_16] : memref<10240xf32, #tpu.memory_space<vmem_shared>> -> memref<640xf32, #tpu.memory_space<vmem_shared>>
      %dma_start3A_63 = tpu.memref_slice %arg11[%mul3A_16] : memref<10240xf32, #tpu.memory_space<vmem_shared>> -> memref<640xf32, #tpu.memory_space<vmem_shared>>
      tpu.enqueue_dma source(%arg9 : memref<640xf32, #tpu.memory_space<vmem>>) target(%dma_start3A_63 : memref<640xf32, #tpu.memory_space<vmem_shared>>) target_semaphore(%run_scoped3A : memref<!tpu.dma_semaphore, #tpu.memory_space<semaphore_mem>>)
      %dma_wait3A = tpu.memref_slice %arg11[%mul3A_16] : memref<10240xf32, #tpu.memory_space<vmem_shared>> -> memref<640xf32, #tpu.memory_space<vmem_shared>>
      %dma_wait3A_64 = tpu.memref_slice %arg11[%mul3A_16] : memref<10240xf32, #tpu.memory_space<vmem_shared>> -> memref<640xf32, #tpu.memory_space<vmem_shared>>
      tpu.wait_dma2 semaphore(%run_scoped3A : memref<!tpu.dma_semaphore, #tpu.memory_space<semaphore_mem>>) src(%arg9 : memref<640xf32, #tpu.memory_space<vmem>>) dst(%dma_wait3A_64 : memref<640xf32, #tpu.memory_space<vmem_shared>>)
      tpu.yield
    }) : () -> ()
    "tpu.region"() ({
      %run_scoped3A = tpu.sem_alloc : memref<!tpu.dma_semaphore, #tpu.memory_space<semaphore_mem>>
      %dma_start3A = tpu.memref_slice %arg12[%mul3A_16] : memref<10240xf32, #tpu.memory_space<vmem_shared>> -> memref<640xf32, #tpu.memory_space<vmem_shared>>
      %dma_start3A_63 = tpu.memref_slice %arg12[%mul3A_16] : memref<10240xf32, #tpu.memory_space<vmem_shared>> -> memref<640xf32, #tpu.memory_space<vmem_shared>>
      tpu.enqueue_dma source(%arg9 : memref<640xf32, #tpu.memory_space<vmem>>) target(%dma_start3A_63 : memref<640xf32, #tpu.memory_space<vmem_shared>>) target_semaphore(%run_scoped3A : memref<!tpu.dma_semaphore, #tpu.memory_space<semaphore_mem>>)
      %dma_wait3A = tpu.memref_slice %arg12[%mul3A_16] : memref<10240xf32, #tpu.memory_space<vmem_shared>> -> memref<640xf32, #tpu.memory_space<vmem_shared>>
      %dma_wait3A_64 = tpu.memref_slice %arg12[%mul3A_16] : memref<10240xf32, #tpu.memory_space<vmem_shared>> -> memref<640xf32, #tpu.memory_space<vmem_shared>>
      tpu.wait_dma2 semaphore(%run_scoped3A : memref<!tpu.dma_semaphore, #tpu.memory_space<semaphore_mem>>) src(%arg9 : memref<640xf32, #tpu.memory_space<vmem>>) dst(%dma_wait3A_64 : memref<640xf32, #tpu.memory_space<vmem_shared>>)
      tpu.yield
    }) : () -> ()
    %barrier3A = arith.constant 0 : index
    tpu.barrier barrier_id(%barrier3A)
    %scan3A_17 = arith.constant 0 : i32
    %scan3A_18 = arith.constant 0 : i32
    %scan3A_19 = arith.constant 80 : i32
    %scan3A_20 = arith.addi %scan3A_18, %scan3A_19 : i32
    %scan3A_21 = arith.constant 1 : i32
    scf.for %scan3A_63 = %scan3A_18 to %scan3A_20 step %scan3A_21  : i32 {
      %mul3A_64 = arith.constant 128 : i32
      %mul3A_65 = arith.muli %scan3A_63, %mul3A_64 : i32
      %dma_start3A = arith.constant 0 : i32
      %dma_start3A_66 = arith.constant 0 : i32
      %dma_start3A_67 = tpu.memref_slice %arg6[%dma_start3A, %mul3A_65] : memref<2x10240xf32, #tpu.memory_space<vmem>> -> memref<1x128xf32, #tpu.memory_space<vmem>>
      %dma_start3A_68 = tpu.memref_squeeze %dma_start3A_67 : memref<1x128xf32, #tpu.memory_space<vmem>> -> memref<128xf32, #tpu.memory_space<vmem>>
      %dma_start3A_69 = tpu.memref_slice %arg5[%dma_start3A_66, %mul3A_65] : memref<2x10240xi32, #tpu.memory_space<vmem>> -> memref<1x128xi32, #tpu.memory_space<vmem>>
      %dma_start3A_70 = tpu.memref_squeeze %dma_start3A_69 : memref<1x128xi32, #tpu.memory_space<vmem>> -> memref<128xi32, #tpu.memory_space<vmem>>
      %dma_start3A_71 = arith.constant 0 : i32
      %dma_start3A_72 = tpu.memref_slice %arg10[%dma_start3A_71] : memref<10240xf32, #tpu.memory_space<vmem_shared>> -> memref<10240xf32, #tpu.memory_space<vmem_shared>>
      tpu.enqueue_indirect_dma source(%dma_start3A_68 : memref<128xf32, #tpu.memory_space<vmem>>) target(%dma_start3A_72 : memref<10240xf32, #tpu.memory_space<vmem_shared>>) offsets(%dma_start3A_70 : memref<128xi32, #tpu.memory_space<vmem>>) semaphore(%arg13 : memref<!tpu.dma_semaphore, #tpu.memory_space<semaphore_mem>>) {add = true}
      %dma_start3A_73 = arith.constant 0 : i32
      %dma_start3A_74 = arith.constant 0 : i32
      %dma_start3A_75 = tpu.memref_slice %arg7[%dma_start3A_73, %mul3A_65] : memref<2x10240xf32, #tpu.memory_space<vmem>> -> memref<1x128xf32, #tpu.memory_space<vmem>>
      %dma_start3A_76 = tpu.memref_squeeze %dma_start3A_75 : memref<1x128xf32, #tpu.memory_space<vmem>> -> memref<128xf32, #tpu.memory_space<vmem>>
      %dma_start3A_77 = tpu.memref_slice %arg5[%dma_start3A_74, %mul3A_65] : memref<2x10240xi32, #tpu.memory_space<vmem>> -> memref<1x128xi32, #tpu.memory_space<vmem>>
      %dma_start3A_78 = tpu.memref_squeeze %dma_start3A_77 : memref<1x128xi32, #tpu.memory_space<vmem>> -> memref<128xi32, #tpu.memory_space<vmem>>
      %dma_start3A_79 = arith.constant 0 : i32
      %dma_start3A_80 = tpu.memref_slice %arg11[%dma_start3A_79] : memref<10240xf32, #tpu.memory_space<vmem_shared>> -> memref<10240xf32, #tpu.memory_space<vmem_shared>>
      tpu.enqueue_indirect_dma source(%dma_start3A_76 : memref<128xf32, #tpu.memory_space<vmem>>) target(%dma_start3A_80 : memref<10240xf32, #tpu.memory_space<vmem_shared>>) offsets(%dma_start3A_78 : memref<128xi32, #tpu.memory_space<vmem>>) semaphore(%arg13 : memref<!tpu.dma_semaphore, #tpu.memory_space<semaphore_mem>>) {add = true}
      %dma_start3A_81 = arith.constant 0 : i32
      %dma_start3A_82 = arith.constant 0 : i32
      %dma_start3A_83 = tpu.memref_slice %arg8[%dma_start3A_81, %mul3A_65] : memref<2x10240xf32, #tpu.memory_space<vmem>> -> memref<1x128xf32, #tpu.memory_space<vmem>>
      %dma_start3A_84 = tpu.memref_squeeze %dma_start3A_83 : memref<1x128xf32, #tpu.memory_space<vmem>> -> memref<128xf32, #tpu.memory_space<vmem>>
      %dma_start3A_85 = tpu.memref_slice %arg5[%dma_start3A_82, %mul3A_65] : memref<2x10240xi32, #tpu.memory_space<vmem>> -> memref<1x128xi32, #tpu.memory_space<vmem>>
      %dma_start3A_86 = tpu.memref_squeeze %dma_start3A_85 : memref<1x128xi32, #tpu.memory_space<vmem>> -> memref<128xi32, #tpu.memory_space<vmem>>
      %dma_start3A_87 = arith.constant 0 : i32
      %dma_start3A_88 = tpu.memref_slice %arg12[%dma_start3A_87] : memref<10240xf32, #tpu.memory_space<vmem_shared>> -> memref<10240xf32, #tpu.memory_space<vmem_shared>>
      tpu.enqueue_indirect_dma source(%dma_start3A_84 : memref<128xf32, #tpu.memory_space<vmem>>) target(%dma_start3A_88 : memref<10240xf32, #tpu.memory_space<vmem_shared>>) offsets(%dma_start3A_86 : memref<128xi32, #tpu.memory_space<vmem>>) semaphore(%arg13 : memref<!tpu.dma_semaphore, #tpu.memory_space<semaphore_mem>>) {add = true}
      %ge3A = arith.constant 8 : i32
      %ge3A_89 = arith.cmpi sge, %scan3A_63, %ge3A : i32
      %convert_element_type3A = arith.extui %ge3A_89 : i1 to i32
      %cond3A = arith.constant 0 : i32
      %cond3A_90 = arith.cmpi ne, %convert_element_type3A, %cond3A : i32
      scf.if %cond3A_90 {
        %sub3A = arith.constant 8 : i32
        %sub3A_91 = arith.subi %scan3A_63, %sub3A : i32
        %mul3A_92 = arith.constant 128 : i32
        %mul3A_93 = arith.muli %sub3A_91, %mul3A_92 : i32
        %dma_wait3A = arith.constant 0 : i32
        %dma_wait3A_94 = arith.constant 0 : i32
        %dma_wait3A_95 = tpu.memref_slice %arg6[%dma_wait3A, %mul3A_93] : memref<2x10240xf32, #tpu.memory_space<vmem>> -> memref<1x128xf32, #tpu.memory_space<vmem>>
        %dma_wait3A_96 = tpu.memref_squeeze %dma_wait3A_95 : memref<1x128xf32, #tpu.memory_space<vmem>> -> memref<128xf32, #tpu.memory_space<vmem>>
        %dma_wait3A_97 = tpu.memref_slice %arg5[%dma_wait3A_94, %mul3A_93] : memref<2x10240xi32, #tpu.memory_space<vmem>> -> memref<1x128xi32, #tpu.memory_space<vmem>>
        %dma_wait3A_98 = tpu.memref_squeeze %dma_wait3A_97 : memref<1x128xi32, #tpu.memory_space<vmem>> -> memref<128xi32, #tpu.memory_space<vmem>>
        %dma_wait3A_99 = arith.constant 0 : i32
        %dma_wait3A_100 = tpu.memref_slice %arg10[%dma_wait3A_99] : memref<10240xf32, #tpu.memory_space<vmem_shared>> -> memref<10240xf32, #tpu.memory_space<vmem_shared>>
        tpu.wait_indirect_dma semaphore(%arg13 : memref<!tpu.dma_semaphore, #tpu.memory_space<semaphore_mem>>) src(%dma_wait3A_96 : memref<128xf32, #tpu.memory_space<vmem>>) dst(%dma_wait3A_100 : memref<10240xf32, #tpu.memory_space<vmem_shared>>)
        %dma_wait3A_101 = arith.constant 0 : i32
        %dma_wait3A_102 = arith.constant 0 : i32
        %dma_wait3A_103 = tpu.memref_slice %arg7[%dma_wait3A_101, %mul3A_93] : memref<2x10240xf32, #tpu.memory_space<vmem>> -> memref<1x128xf32, #tpu.memory_space<vmem>>
        %dma_wait3A_104 = tpu.memref_squeeze %dma_wait3A_103 : memref<1x128xf32, #tpu.memory_space<vmem>> -> memref<128xf32, #tpu.memory_space<vmem>>
        %dma_wait3A_105 = tpu.memref_slice %arg5[%dma_wait3A_102, %mul3A_93] : memref<2x10240xi32, #tpu.memory_space<vmem>> -> memref<1x128xi32, #tpu.memory_space<vmem>>
        %dma_wait3A_106 = tpu.memref_squeeze %dma_wait3A_105 : memref<1x128xi32, #tpu.memory_space<vmem>> -> memref<128xi32, #tpu.memory_space<vmem>>
        %dma_wait3A_107 = arith.constant 0 : i32
        %dma_wait3A_108 = tpu.memref_slice %arg11[%dma_wait3A_107] : memref<10240xf32, #tpu.memory_space<vmem_shared>> -> memref<10240xf32, #tpu.memory_space<vmem_shared>>
        tpu.wait_indirect_dma semaphore(%arg13 : memref<!tpu.dma_semaphore, #tpu.memory_space<semaphore_mem>>) src(%dma_wait3A_104 : memref<128xf32, #tpu.memory_space<vmem>>) dst(%dma_wait3A_108 : memref<10240xf32, #tpu.memory_space<vmem_shared>>)
        %dma_wait3A_109 = arith.constant 0 : i32
        %dma_wait3A_110 = arith.constant 0 : i32
        %dma_wait3A_111 = tpu.memref_slice %arg8[%dma_wait3A_109, %mul3A_93] : memref<2x10240xf32, #tpu.memory_space<vmem>> -> memref<1x128xf32, #tpu.memory_space<vmem>>
        %dma_wait3A_112 = tpu.memref_squeeze %dma_wait3A_111 : memref<1x128xf32, #tpu.memory_space<vmem>> -> memref<128xf32, #tpu.memory_space<vmem>>
        %dma_wait3A_113 = tpu.memref_slice %arg5[%dma_wait3A_110, %mul3A_93] : memref<2x10240xi32, #tpu.memory_space<vmem>> -> memref<1x128xi32, #tpu.memory_space<vmem>>
        %dma_wait3A_114 = tpu.memref_squeeze %dma_wait3A_113 : memref<1x128xi32, #tpu.memory_space<vmem>> -> memref<128xi32, #tpu.memory_space<vmem>>
        %dma_wait3A_115 = arith.constant 0 : i32
        %dma_wait3A_116 = tpu.memref_slice %arg12[%dma_wait3A_115] : memref<10240xf32, #tpu.memory_space<vmem_shared>> -> memref<10240xf32, #tpu.memory_space<vmem_shared>>
        tpu.wait_indirect_dma semaphore(%arg13 : memref<!tpu.dma_semaphore, #tpu.memory_space<semaphore_mem>>) src(%dma_wait3A_112 : memref<128xf32, #tpu.memory_space<vmem>>) dst(%dma_wait3A_116 : memref<10240xf32, #tpu.memory_space<vmem_shared>>)
      } else {
      }
    }
    %scan3A_22 = arith.constant 80 : i32
    %scan3A_23 = arith.constant 0 : i32
    %scan3A_24 = arith.constant 72 : i32
    %scan3A_25 = arith.constant 8 : i32
    %scan3A_26 = arith.addi %scan3A_24, %scan3A_25 : i32
    %scan3A_27 = arith.constant 1 : i32
    scf.for %scan3A_63 = %scan3A_24 to %scan3A_26 step %scan3A_27  : i32 {
      %mul3A_64 = arith.constant 128 : i32
      %mul3A_65 = arith.muli %scan3A_63, %mul3A_64 : i32
      %dma_wait3A = arith.constant 0 : i32
      %dma_wait3A_66 = arith.constant 0 : i32
      %dma_wait3A_67 = tpu.memref_slice %arg6[%dma_wait3A, %mul3A_65] : memref<2x10240xf32, #tpu.memory_space<vmem>> -> memref<1x128xf32, #tpu.memory_space<vmem>>
      %dma_wait3A_68 = tpu.memref_squeeze %dma_wait3A_67 : memref<1x128xf32, #tpu.memory_space<vmem>> -> memref<128xf32, #tpu.memory_space<vmem>>
      %dma_wait3A_69 = tpu.memref_slice %arg5[%dma_wait3A_66, %mul3A_65] : memref<2x10240xi32, #tpu.memory_space<vmem>> -> memref<1x128xi32, #tpu.memory_space<vmem>>
      %dma_wait3A_70 = tpu.memref_squeeze %dma_wait3A_69 : memref<1x128xi32, #tpu.memory_space<vmem>> -> memref<128xi32, #tpu.memory_space<vmem>>
      %dma_wait3A_71 = arith.constant 0 : i32
      %dma_wait3A_72 = tpu.memref_slice %arg10[%dma_wait3A_71] : memref<10240xf32, #tpu.memory_space<vmem_shared>> -> memref<10240xf32, #tpu.memory_space<vmem_shared>>
      tpu.wait_indirect_dma semaphore(%arg13 : memref<!tpu.dma_semaphore, #tpu.memory_space<semaphore_mem>>) src(%dma_wait3A_68 : memref<128xf32, #tpu.memory_space<vmem>>) dst(%dma_wait3A_72 : memref<10240xf32, #tpu.memory_space<vmem_shared>>)
      %dma_wait3A_73 = arith.constant 0 : i32
      %dma_wait3A_74 = arith.constant 0 : i32
      %dma_wait3A_75 = tpu.memref_slice %arg7[%dma_wait3A_73, %mul3A_65] : memref<2x10240xf32, #tpu.memory_space<vmem>> -> memref<1x128xf32, #tpu.memory_space<vmem>>
      %dma_wait3A_76 = tpu.memref_squeeze %dma_wait3A_75 : memref<1x128xf32, #tpu.memory_space<vmem>> -> memref<128xf32, #tpu.memory_space<vmem>>
      %dma_wait3A_77 = tpu.memref_slice %arg5[%dma_wait3A_74, %mul3A_65] : memref<2x10240xi32, #tpu.memory_space<vmem>> -> memref<1x128xi32, #tpu.memory_space<vmem>>
      %dma_wait3A_78 = tpu.memref_squeeze %dma_wait3A_77 : memref<1x128xi32, #tpu.memory_space<vmem>> -> memref<128xi32, #tpu.memory_space<vmem>>
      %dma_wait3A_79 = arith.constant 0 : i32
      %dma_wait3A_80 = tpu.memref_slice %arg11[%dma_wait3A_79] : memref<10240xf32, #tpu.memory_space<vmem_shared>> -> memref<10240xf32, #tpu.memory_space<vmem_shared>>
      tpu.wait_indirect_dma semaphore(%arg13 : memref<!tpu.dma_semaphore, #tpu.memory_space<semaphore_mem>>) src(%dma_wait3A_76 : memref<128xf32, #tpu.memory_space<vmem>>) dst(%dma_wait3A_80 : memref<10240xf32, #tpu.memory_space<vmem_shared>>)
      %dma_wait3A_81 = arith.constant 0 : i32
      %dma_wait3A_82 = arith.constant 0 : i32
      %dma_wait3A_83 = tpu.memref_slice %arg8[%dma_wait3A_81, %mul3A_65] : memref<2x10240xf32, #tpu.memory_space<vmem>> -> memref<1x128xf32, #tpu.memory_space<vmem>>
      %dma_wait3A_84 = tpu.memref_squeeze %dma_wait3A_83 : memref<1x128xf32, #tpu.memory_space<vmem>> -> memref<128xf32, #tpu.memory_space<vmem>>
      %dma_wait3A_85 = tpu.memref_slice %arg5[%dma_wait3A_82, %mul3A_65] : memref<2x10240xi32, #tpu.memory_space<vmem>> -> memref<1x128xi32, #tpu.memory_space<vmem>>
      %dma_wait3A_86 = tpu.memref_squeeze %dma_wait3A_85 : memref<1x128xi32, #tpu.memory_space<vmem>> -> memref<128xi32, #tpu.memory_space<vmem>>
      %dma_wait3A_87 = arith.constant 0 : i32
      %dma_wait3A_88 = tpu.memref_slice %arg12[%dma_wait3A_87] : memref<10240xf32, #tpu.memory_space<vmem_shared>> -> memref<10240xf32, #tpu.memory_space<vmem_shared>>
      tpu.wait_indirect_dma semaphore(%arg13 : memref<!tpu.dma_semaphore, #tpu.memory_space<semaphore_mem>>) src(%dma_wait3A_84 : memref<128xf32, #tpu.memory_space<vmem>>) dst(%dma_wait3A_88 : memref<10240xf32, #tpu.memory_space<vmem_shared>>)
    }
    %scan3A_28 = arith.constant 8 : i32
    %scan3A_29 = arith.constant 0 : i32
    %scan3A_30 = arith.constant 0 : i32
    %scan3A_31 = arith.constant 80 : i32
    %scan3A_32 = arith.addi %scan3A_30, %scan3A_31 : i32
    %scan3A_33 = arith.constant 1 : i32
    scf.for %scan3A_63 = %scan3A_30 to %scan3A_32 step %scan3A_33  : i32 {
      %mul3A_64 = arith.constant 128 : i32
      %mul3A_65 = arith.muli %scan3A_63, %mul3A_64 : i32
      %dma_start3A = arith.constant 1 : i32
      %dma_start3A_66 = arith.constant 1 : i32
      %dma_start3A_67 = tpu.memref_slice %arg6[%dma_start3A, %mul3A_65] : memref<2x10240xf32, #tpu.memory_space<vmem>> -> memref<1x128xf32, #tpu.memory_space<vmem>>
      %dma_start3A_68 = tpu.memref_squeeze %dma_start3A_67 : memref<1x128xf32, #tpu.memory_space<vmem>> -> memref<128xf32, #tpu.memory_space<vmem>>
      %dma_start3A_69 = tpu.memref_slice %arg5[%dma_start3A_66, %mul3A_65] : memref<2x10240xi32, #tpu.memory_space<vmem>> -> memref<1x128xi32, #tpu.memory_space<vmem>>
      %dma_start3A_70 = tpu.memref_squeeze %dma_start3A_69 : memref<1x128xi32, #tpu.memory_space<vmem>> -> memref<128xi32, #tpu.memory_space<vmem>>
      %dma_start3A_71 = arith.constant 0 : i32
      %dma_start3A_72 = tpu.memref_slice %arg10[%dma_start3A_71] : memref<10240xf32, #tpu.memory_space<vmem_shared>> -> memref<10240xf32, #tpu.memory_space<vmem_shared>>
      tpu.enqueue_indirect_dma source(%dma_start3A_68 : memref<128xf32, #tpu.memory_space<vmem>>) target(%dma_start3A_72 : memref<10240xf32, #tpu.memory_space<vmem_shared>>) offsets(%dma_start3A_70 : memref<128xi32, #tpu.memory_space<vmem>>) semaphore(%arg13 : memref<!tpu.dma_semaphore, #tpu.memory_space<semaphore_mem>>) {add = true}
      %dma_start3A_73 = arith.constant 1 : i32
      %dma_start3A_74 = arith.constant 1 : i32
      %dma_start3A_75 = tpu.memref_slice %arg7[%dma_start3A_73, %mul3A_65] : memref<2x10240xf32, #tpu.memory_space<vmem>> -> memref<1x128xf32, #tpu.memory_space<vmem>>
      %dma_start3A_76 = tpu.memref_squeeze %dma_start3A_75 : memref<1x128xf32, #tpu.memory_space<vmem>> -> memref<128xf32, #tpu.memory_space<vmem>>
      %dma_start3A_77 = tpu.memref_slice %arg5[%dma_start3A_74, %mul3A_65] : memref<2x10240xi32, #tpu.memory_space<vmem>> -> memref<1x128xi32, #tpu.memory_space<vmem>>
      %dma_start3A_78 = tpu.memref_squeeze %dma_start3A_77 : memref<1x128xi32, #tpu.memory_space<vmem>> -> memref<128xi32, #tpu.memory_space<vmem>>
      %dma_start3A_79 = arith.constant 0 : i32
      %dma_start3A_80 = tpu.memref_slice %arg11[%dma_start3A_79] : memref<10240xf32, #tpu.memory_space<vmem_shared>> -> memref<10240xf32, #tpu.memory_space<vmem_shared>>
      tpu.enqueue_indirect_dma source(%dma_start3A_76 : memref<128xf32, #tpu.memory_space<vmem>>) target(%dma_start3A_80 : memref<10240xf32, #tpu.memory_space<vmem_shared>>) offsets(%dma_start3A_78 : memref<128xi32, #tpu.memory_space<vmem>>) semaphore(%arg13 : memref<!tpu.dma_semaphore, #tpu.memory_space<semaphore_mem>>) {add = true}
      %dma_start3A_81 = arith.constant 1 : i32
      %dma_start3A_82 = arith.constant 1 : i32
      %dma_start3A_83 = tpu.memref_slice %arg8[%dma_start3A_81, %mul3A_65] : memref<2x10240xf32, #tpu.memory_space<vmem>> -> memref<1x128xf32, #tpu.memory_space<vmem>>
      %dma_start3A_84 = tpu.memref_squeeze %dma_start3A_83 : memref<1x128xf32, #tpu.memory_space<vmem>> -> memref<128xf32, #tpu.memory_space<vmem>>
      %dma_start3A_85 = tpu.memref_slice %arg5[%dma_start3A_82, %mul3A_65] : memref<2x10240xi32, #tpu.memory_space<vmem>> -> memref<1x128xi32, #tpu.memory_space<vmem>>
      %dma_start3A_86 = tpu.memref_squeeze %dma_start3A_85 : memref<1x128xi32, #tpu.memory_space<vmem>> -> memref<128xi32, #tpu.memory_space<vmem>>
      %dma_start3A_87 = arith.constant 0 : i32
      %dma_start3A_88 = tpu.memref_slice %arg12[%dma_start3A_87] : memref<10240xf32, #tpu.memory_space<vmem_shared>> -> memref<10240xf32, #tpu.memory_space<vmem_shared>>
      tpu.enqueue_indirect_dma source(%dma_start3A_84 : memref<128xf32, #tpu.memory_space<vmem>>) target(%dma_start3A_88 : memref<10240xf32, #tpu.memory_space<vmem_shared>>) offsets(%dma_start3A_86 : memref<128xi32, #tpu.memory_space<vmem>>) semaphore(%arg13 : memref<!tpu.dma_semaphore, #tpu.memory_space<semaphore_mem>>) {add = true}
      %ge3A = arith.constant 8 : i32
      %ge3A_89 = arith.cmpi sge, %scan3A_63, %ge3A : i32
      %convert_element_type3A = arith.extui %ge3A_89 : i1 to i32
      %cond3A = arith.constant 0 : i32
      %cond3A_90 = arith.cmpi ne, %convert_element_type3A, %cond3A : i32
      scf.if %cond3A_90 {
        %sub3A = arith.constant 8 : i32
        %sub3A_91 = arith.subi %scan3A_63, %sub3A : i32
        %mul3A_92 = arith.constant 128 : i32
        %mul3A_93 = arith.muli %sub3A_91, %mul3A_92 : i32
        %dma_wait3A = arith.constant 1 : i32
        %dma_wait3A_94 = arith.constant 1 : i32
        %dma_wait3A_95 = tpu.memref_slice %arg6[%dma_wait3A, %mul3A_93] : memref<2x10240xf32, #tpu.memory_space<vmem>> -> memref<1x128xf32, #tpu.memory_space<vmem>>
        %dma_wait3A_96 = tpu.memref_squeeze %dma_wait3A_95 : memref<1x128xf32, #tpu.memory_space<vmem>> -> memref<128xf32, #tpu.memory_space<vmem>>
        %dma_wait3A_97 = tpu.memref_slice %arg5[%dma_wait3A_94, %mul3A_93] : memref<2x10240xi32, #tpu.memory_space<vmem>> -> memref<1x128xi32, #tpu.memory_space<vmem>>
        %dma_wait3A_98 = tpu.memref_squeeze %dma_wait3A_97 : memref<1x128xi32, #tpu.memory_space<vmem>> -> memref<128xi32, #tpu.memory_space<vmem>>
        %dma_wait3A_99 = arith.constant 0 : i32
        %dma_wait3A_100 = tpu.memref_slice %arg10[%dma_wait3A_99] : memref<10240xf32, #tpu.memory_space<vmem_shared>> -> memref<10240xf32, #tpu.memory_space<vmem_shared>>
        tpu.wait_indirect_dma semaphore(%arg13 : memref<!tpu.dma_semaphore, #tpu.memory_space<semaphore_mem>>) src(%dma_wait3A_96 : memref<128xf32, #tpu.memory_space<vmem>>) dst(%dma_wait3A_100 : memref<10240xf32, #tpu.memory_space<vmem_shared>>)
        %dma_wait3A_101 = arith.constant 1 : i32
        %dma_wait3A_102 = arith.constant 1 : i32
        %dma_wait3A_103 = tpu.memref_slice %arg7[%dma_wait3A_101, %mul3A_93] : memref<2x10240xf32, #tpu.memory_space<vmem>> -> memref<1x128xf32, #tpu.memory_space<vmem>>
        %dma_wait3A_104 = tpu.memref_squeeze %dma_wait3A_103 : memref<1x128xf32, #tpu.memory_space<vmem>> -> memref<128xf32, #tpu.memory_space<vmem>>
        %dma_wait3A_105 = tpu.memref_slice %arg5[%dma_wait3A_102, %mul3A_93] : memref<2x10240xi32, #tpu.memory_space<vmem>> -> memref<1x128xi32, #tpu.memory_space<vmem>>
        %dma_wait3A_106 = tpu.memref_squeeze %dma_wait3A_105 : memref<1x128xi32, #tpu.memory_space<vmem>> -> memref<128xi32, #tpu.memory_space<vmem>>
        %dma_wait3A_107 = arith.constant 0 : i32
        %dma_wait3A_108 = tpu.memref_slice %arg11[%dma_wait3A_107] : memref<10240xf32, #tpu.memory_space<vmem_shared>> -> memref<10240xf32, #tpu.memory_space<vmem_shared>>
        tpu.wait_indirect_dma semaphore(%arg13 : memref<!tpu.dma_semaphore, #tpu.memory_space<semaphore_mem>>) src(%dma_wait3A_104 : memref<128xf32, #tpu.memory_space<vmem>>) dst(%dma_wait3A_108 : memref<10240xf32, #tpu.memory_space<vmem_shared>>)
        %dma_wait3A_109 = arith.constant 1 : i32
        %dma_wait3A_110 = arith.constant 1 : i32
        %dma_wait3A_111 = tpu.memref_slice %arg8[%dma_wait3A_109, %mul3A_93] : memref<2x10240xf32, #tpu.memory_space<vmem>> -> memref<1x128xf32, #tpu.memory_space<vmem>>
        %dma_wait3A_112 = tpu.memref_squeeze %dma_wait3A_111 : memref<1x128xf32, #tpu.memory_space<vmem>> -> memref<128xf32, #tpu.memory_space<vmem>>
        %dma_wait3A_113 = tpu.memref_slice %arg5[%dma_wait3A_110, %mul3A_93] : memref<2x10240xi32, #tpu.memory_space<vmem>> -> memref<1x128xi32, #tpu.memory_space<vmem>>
        %dma_wait3A_114 = tpu.memref_squeeze %dma_wait3A_113 : memref<1x128xi32, #tpu.memory_space<vmem>> -> memref<128xi32, #tpu.memory_space<vmem>>
        %dma_wait3A_115 = arith.constant 0 : i32
        %dma_wait3A_116 = tpu.memref_slice %arg12[%dma_wait3A_115] : memref<10240xf32, #tpu.memory_space<vmem_shared>> -> memref<10240xf32, #tpu.memory_space<vmem_shared>>
        tpu.wait_indirect_dma semaphore(%arg13 : memref<!tpu.dma_semaphore, #tpu.memory_space<semaphore_mem>>) src(%dma_wait3A_112 : memref<128xf32, #tpu.memory_space<vmem>>) dst(%dma_wait3A_116 : memref<10240xf32, #tpu.memory_space<vmem_shared>>)
      } else {
      }
    }
    %scan3A_34 = arith.constant 80 : i32
    %scan3A_35 = arith.constant 0 : i32
    %scan3A_36 = arith.constant 72 : i32
    %scan3A_37 = arith.constant 8 : i32
    %scan3A_38 = arith.addi %scan3A_36, %scan3A_37 : i32
    %scan3A_39 = arith.constant 1 : i32
    scf.for %scan3A_63 = %scan3A_36 to %scan3A_38 step %scan3A_39  : i32 {
      %mul3A_64 = arith.constant 128 : i32
      %mul3A_65 = arith.muli %scan3A_63, %mul3A_64 : i32
      %dma_wait3A = arith.constant 1 : i32
      %dma_wait3A_66 = arith.constant 1 : i32
      %dma_wait3A_67 = tpu.memref_slice %arg6[%dma_wait3A, %mul3A_65] : memref<2x10240xf32, #tpu.memory_space<vmem>> -> memref<1x128xf32, #tpu.memory_space<vmem>>
      %dma_wait3A_68 = tpu.memref_squeeze %dma_wait3A_67 : memref<1x128xf32, #tpu.memory_space<vmem>> -> memref<128xf32, #tpu.memory_space<vmem>>
      %dma_wait3A_69 = tpu.memref_slice %arg5[%dma_wait3A_66, %mul3A_65] : memref<2x10240xi32, #tpu.memory_space<vmem>> -> memref<1x128xi32, #tpu.memory_space<vmem>>
      %dma_wait3A_70 = tpu.memref_squeeze %dma_wait3A_69 : memref<1x128xi32, #tpu.memory_space<vmem>> -> memref<128xi32, #tpu.memory_space<vmem>>
      %dma_wait3A_71 = arith.constant 0 : i32
      %dma_wait3A_72 = tpu.memref_slice %arg10[%dma_wait3A_71] : memref<10240xf32, #tpu.memory_space<vmem_shared>> -> memref<10240xf32, #tpu.memory_space<vmem_shared>>
      tpu.wait_indirect_dma semaphore(%arg13 : memref<!tpu.dma_semaphore, #tpu.memory_space<semaphore_mem>>) src(%dma_wait3A_68 : memref<128xf32, #tpu.memory_space<vmem>>) dst(%dma_wait3A_72 : memref<10240xf32, #tpu.memory_space<vmem_shared>>)
      %dma_wait3A_73 = arith.constant 1 : i32
      %dma_wait3A_74 = arith.constant 1 : i32
      %dma_wait3A_75 = tpu.memref_slice %arg7[%dma_wait3A_73, %mul3A_65] : memref<2x10240xf32, #tpu.memory_space<vmem>> -> memref<1x128xf32, #tpu.memory_space<vmem>>
      %dma_wait3A_76 = tpu.memref_squeeze %dma_wait3A_75 : memref<1x128xf32, #tpu.memory_space<vmem>> -> memref<128xf32, #tpu.memory_space<vmem>>
      %dma_wait3A_77 = tpu.memref_slice %arg5[%dma_wait3A_74, %mul3A_65] : memref<2x10240xi32, #tpu.memory_space<vmem>> -> memref<1x128xi32, #tpu.memory_space<vmem>>
      %dma_wait3A_78 = tpu.memref_squeeze %dma_wait3A_77 : memref<1x128xi32, #tpu.memory_space<vmem>> -> memref<128xi32, #tpu.memory_space<vmem>>
      %dma_wait3A_79 = arith.constant 0 : i32
      %dma_wait3A_80 = tpu.memref_slice %arg11[%dma_wait3A_79] : memref<10240xf32, #tpu.memory_space<vmem_shared>> -> memref<10240xf32, #tpu.memory_space<vmem_shared>>
      tpu.wait_indirect_dma semaphore(%arg13 : memref<!tpu.dma_semaphore, #tpu.memory_space<semaphore_mem>>) src(%dma_wait3A_76 : memref<128xf32, #tpu.memory_space<vmem>>) dst(%dma_wait3A_80 : memref<10240xf32, #tpu.memory_space<vmem_shared>>)
      %dma_wait3A_81 = arith.constant 1 : i32
      %dma_wait3A_82 = arith.constant 1 : i32
      %dma_wait3A_83 = tpu.memref_slice %arg8[%dma_wait3A_81, %mul3A_65] : memref<2x10240xf32, #tpu.memory_space<vmem>> -> memref<1x128xf32, #tpu.memory_space<vmem>>
      %dma_wait3A_84 = tpu.memref_squeeze %dma_wait3A_83 : memref<1x128xf32, #tpu.memory_space<vmem>> -> memref<128xf32, #tpu.memory_space<vmem>>
      %dma_wait3A_85 = tpu.memref_slice %arg5[%dma_wait3A_82, %mul3A_65] : memref<2x10240xi32, #tpu.memory_space<vmem>> -> memref<1x128xi32, #tpu.memory_space<vmem>>
      %dma_wait3A_86 = tpu.memref_squeeze %dma_wait3A_85 : memref<1x128xi32, #tpu.memory_space<vmem>> -> memref<128xi32, #tpu.memory_space<vmem>>
      %dma_wait3A_87 = arith.constant 0 : i32
      %dma_wait3A_88 = tpu.memref_slice %arg12[%dma_wait3A_87] : memref<10240xf32, #tpu.memory_space<vmem_shared>> -> memref<10240xf32, #tpu.memory_space<vmem_shared>>
      tpu.wait_indirect_dma semaphore(%arg13 : memref<!tpu.dma_semaphore, #tpu.memory_space<semaphore_mem>>) src(%dma_wait3A_84 : memref<128xf32, #tpu.memory_space<vmem>>) dst(%dma_wait3A_88 : memref<10240xf32, #tpu.memory_space<vmem_shared>>)
    }
    %scan3A_40 = arith.constant 8 : i32
    %barrier3A_41 = arith.constant 0 : index
    tpu.barrier barrier_id(%barrier3A_41)
    %mul3A_42 = arith.constant 3 : i32
    %mul3A_43 = arith.muli %arg0, %mul3A_42 : i32
    %mul3A_44 = arith.constant 10240 : i32
    %mul3A_45 = arith.muli %mul3A_43, %mul3A_44 : i32
    %add3A_46 = arith.constant 0 : i32
    %add3A_47 = arith.addi %mul3A_45, %add3A_46 : i32
    %add3A_48 = arith.addi %add3A_47, %mul3A_16 : i32
    "tpu.region"() ({
      %run_scoped3A = tpu.sem_alloc : memref<!tpu.dma_semaphore, #tpu.memory_space<semaphore_mem>>
      %dma_start3A = tpu.memref_slice %arg4[%add3A_48] : memref<61440xf32, #tpu.memory_space<hbm>> -> memref<640xf32, #tpu.memory_space<hbm>>
      %dma_start3A_63 = tpu.memref_slice %arg10[%mul3A_16] : memref<10240xf32, #tpu.memory_space<vmem_shared>> -> memref<640xf32, #tpu.memory_space<vmem_shared>>
      tpu.enqueue_dma source(%dma_start3A_63 : memref<640xf32, #tpu.memory_space<vmem_shared>>) target(%dma_start3A : memref<640xf32, #tpu.memory_space<hbm>>) target_semaphore(%run_scoped3A : memref<!tpu.dma_semaphore, #tpu.memory_space<semaphore_mem>>)
      %dma_wait3A = tpu.memref_slice %arg4[%add3A_48] : memref<61440xf32, #tpu.memory_space<hbm>> -> memref<640xf32, #tpu.memory_space<hbm>>
      %dma_wait3A_64 = tpu.memref_slice %arg10[%mul3A_16] : memref<10240xf32, #tpu.memory_space<vmem_shared>> -> memref<640xf32, #tpu.memory_space<vmem_shared>>
      tpu.wait_dma2 semaphore(%run_scoped3A : memref<!tpu.dma_semaphore, #tpu.memory_space<semaphore_mem>>) src(%dma_wait3A_64 : memref<640xf32, #tpu.memory_space<vmem_shared>>) dst(%dma_wait3A : memref<640xf32, #tpu.memory_space<hbm>>)
      tpu.yield
    }) : () -> ()
    %mul3A_49 = arith.constant 3 : i32
    %mul3A_50 = arith.muli %arg0, %mul3A_49 : i32
    %mul3A_51 = arith.constant 10240 : i32
    %mul3A_52 = arith.muli %mul3A_50, %mul3A_51 : i32
    %add3A_53 = arith.constant 10240 : i32
    %add3A_54 = arith.addi %mul3A_52, %add3A_53 : i32
    %add3A_55 = arith.addi %add3A_54, %mul3A_16 : i32
    "tpu.region"() ({
      %run_scoped3A = tpu.sem_alloc : memref<!tpu.dma_semaphore, #tpu.memory_space<semaphore_mem>>
      %dma_start3A = tpu.memref_slice %arg4[%add3A_55] : memref<61440xf32, #tpu.memory_space<hbm>> -> memref<640xf32, #tpu.memory_space<hbm>>
      %dma_start3A_63 = tpu.memref_slice %arg11[%mul3A_16] : memref<10240xf32, #tpu.memory_space<vmem_shared>> -> memref<640xf32, #tpu.memory_space<vmem_shared>>
      tpu.enqueue_dma source(%dma_start3A_63 : memref<640xf32, #tpu.memory_space<vmem_shared>>) target(%dma_start3A : memref<640xf32, #tpu.memory_space<hbm>>) target_semaphore(%run_scoped3A : memref<!tpu.dma_semaphore, #tpu.memory_space<semaphore_mem>>)
      %dma_wait3A = tpu.memref_slice %arg4[%add3A_55] : memref<61440xf32, #tpu.memory_space<hbm>> -> memref<640xf32, #tpu.memory_space<hbm>>
      %dma_wait3A_64 = tpu.memref_slice %arg11[%mul3A_16] : memref<10240xf32, #tpu.memory_space<vmem_shared>> -> memref<640xf32, #tpu.memory_space<vmem_shared>>
      tpu.wait_dma2 semaphore(%run_scoped3A : memref<!tpu.dma_semaphore, #tpu.memory_space<semaphore_mem>>) src(%dma_wait3A_64 : memref<640xf32, #tpu.memory_space<vmem_shared>>) dst(%dma_wait3A : memref<640xf32, #tpu.memory_space<hbm>>)
      tpu.yield
    }) : () -> ()
    %mul3A_56 = arith.constant 3 : i32
    %mul3A_57 = arith.muli %arg0, %mul3A_56 : i32
    %mul3A_58 = arith.constant 10240 : i32
    %mul3A_59 = arith.muli %mul3A_57, %mul3A_58 : i32
    %add3A_60 = arith.constant 20480 : i32
    %add3A_61 = arith.addi %mul3A_59, %add3A_60 : i32
    %add3A_62 = arith.addi %add3A_61, %mul3A_16 : i32
    "tpu.region"() ({
      %run_scoped3A = tpu.sem_alloc : memref<!tpu.dma_semaphore, #tpu.memory_space<semaphore_mem>>
      %dma_start3A = tpu.memref_slice %arg4[%add3A_62] : memref<61440xf32, #tpu.memory_space<hbm>> -> memref<640xf32, #tpu.memory_space<hbm>>
      %dma_start3A_63 = tpu.memref_slice %arg12[%mul3A_16] : memref<10240xf32, #tpu.memory_space<vmem_shared>> -> memref<640xf32, #tpu.memory_space<vmem_shared>>
      tpu.enqueue_dma source(%dma_start3A_63 : memref<640xf32, #tpu.memory_space<vmem_shared>>) target(%dma_start3A : memref<640xf32, #tpu.memory_space<hbm>>) target_semaphore(%run_scoped3A : memref<!tpu.dma_semaphore, #tpu.memory_space<semaphore_mem>>)
      %dma_wait3A = tpu.memref_slice %arg4[%add3A_62] : memref<61440xf32, #tpu.memory_space<hbm>> -> memref<640xf32, #tpu.memory_space<hbm>>
      %dma_wait3A_64 = tpu.memref_slice %arg12[%mul3A_16] : memref<10240xf32, #tpu.memory_space<vmem_shared>> -> memref<640xf32, #tpu.memory_space<vmem_shared>>
      tpu.wait_dma2 semaphore(%run_scoped3A : memref<!tpu.dma_semaphore, #tpu.memory_space<semaphore_mem>>) src(%dma_wait3A_64 : memref<640xf32, #tpu.memory_space<vmem_shared>>) dst(%dma_wait3A : memref<640xf32, #tpu.memory_space<hbm>>)
      tpu.yield
    }) : () -> ()
    return
  }
}

module attributes {stable_mosaic.version = 14 : i64} {
  func.func @_dense_body(%arg0: i32, %arg1: memref<3x64x128xf32, #tpu.memory_space<vmem>>, %arg2: memref<8x128xi32, #tpu.memory_space<vmem>>, %arg3: memref<64x128xi32, #tpu.memory_space<vmem>>, %arg4: memref<128x64xf32, #tpu.memory_space<vmem>>, %arg5: memref<128x128xf32, #tpu.memory_space<vmem>>, %arg6: memref<128x128xf32, #tpu.memory_space<vmem>>, %arg7: memref<64x128xf32, #tpu.memory_space<vmem>>, %arg8: memref<128x8xf32, #tpu.memory_space<vmem>>, %arg9: memref<64x128xf32, #tpu.memory_space<vmem>>, %arg10: memref<8x128xf32, #tpu.memory_space<vmem>>, %arg11: memref<3x64x128xf32, #tpu.memory_space<vmem>>, %arg12: memref<64x128xi32, #tpu.memory_space<vmem>>, %arg13: memref<8x128xf32, #tpu.memory_space<vmem>>, %arg14: memref<64x128xf32, #tpu.memory_space<vmem>>) attributes {dimension_semantics = [#tpu.dimension_semantics<arbitrary>], iteration_bounds = array<i64: 80>, scalar_prefetch = 0 : i64, scratch_operands = 1 : i64, tpu.core_type = #tpu.core_type<tc>, window_params = [{transform_indices = @transform_0, window_bounds = array<i64: 3, 64, 128>}, {transform_indices = @transform_1, window_bounds = array<i64: 8, 128>}, {transform_indices = @transform_2, window_bounds = array<i64: 64, 128>}, {pipeline_mode = #tpu.pipeline_mode<synchronous>, transform_indices = @transform_3, window_bounds = array<i64: 128, 64>}, {pipeline_mode = #tpu.pipeline_mode<synchronous>, transform_indices = @transform_4, window_bounds = array<i64: 128, 128>}, {pipeline_mode = #tpu.pipeline_mode<synchronous>, transform_indices = @transform_5, window_bounds = array<i64: 128, 128>}, {pipeline_mode = #tpu.pipeline_mode<synchronous>, transform_indices = @transform_6, window_bounds = array<i64: 64, 128>}, {pipeline_mode = #tpu.pipeline_mode<synchronous>, transform_indices = @transform_7, window_bounds = array<i64: 128, 8>}, {pipeline_mode = #tpu.pipeline_mode<synchronous>, transform_indices = @transform_8, window_bounds = array<i64: 64, 128>}, {transform_indices = @transform_9, window_bounds = array<i64: 8, 128>}, {transform_indices = @transform_10, window_bounds = array<i64: 3, 64, 128>}, {transform_indices = @transform_11, window_bounds = array<i64: 64, 128>}, {pipeline_mode = #tpu.pipeline_mode<synchronous>, transform_indices = @transform_12, window_bounds = array<i64: 8, 128>}]} {
    %get3A = arith.constant 0 : index
    %get3A_0 = arith.constant 0 : index
    %get3A_1 = arith.constant 0 : index
    %get3A_2 = vector.load %arg1[%get3A, %get3A_0, %get3A_1] : memref<3x64x128xf32, #tpu.memory_space<vmem>>, vector<1x64x128xf32>
    %get3A_3 = vector.shape_cast %get3A_2 : vector<1x64x128xf32> to vector<64x128xf32>
    %get3A_4 = arith.constant 1 : index
    %get3A_5 = arith.constant 0 : index
    %get3A_6 = arith.constant 0 : index
    %get3A_7 = vector.load %arg1[%get3A_4, %get3A_5, %get3A_6] : memref<3x64x128xf32, #tpu.memory_space<vmem>>, vector<1x64x128xf32>
    %get3A_8 = vector.shape_cast %get3A_7 : vector<1x64x128xf32> to vector<64x128xf32>
    %get3A_9 = arith.constant 2 : index
    %get3A_10 = arith.constant 0 : index
    %get3A_11 = arith.constant 0 : index
    %get3A_12 = vector.load %arg1[%get3A_9, %get3A_10, %get3A_11] : memref<3x64x128xf32, #tpu.memory_space<vmem>>, vector<1x64x128xf32>
    %get3A_13 = vector.shape_cast %get3A_12 : vector<1x64x128xf32> to vector<64x128xf32>
    %mul3A = arith.mulf %get3A_3, %get3A_3 : vector<64x128xf32>
    %mul3A_14 = arith.mulf %get3A_8, %get3A_8 : vector<64x128xf32>
    %add3A = arith.addf %mul3A, %mul3A_14 : vector<64x128xf32>
    %mul3A_15 = arith.mulf %get3A_13, %get3A_13 : vector<64x128xf32>
    %add3A_16 = arith.addf %add3A, %mul3A_15 : vector<64x128xf32>
    %add3A_17 = arith.constant 9.99999996E-13 : f32
    %add3A_18 = vector.broadcast %add3A_17 : f32 to vector<64x128xf32>
    %add3A_19 = arith.addf %add3A_16, %add3A_18 : vector<64x128xf32>
    %sqrt3A = math.sqrt %add3A_19 : vector<64x128xf32>
    %sub3A = arith.constant 5.000000e-01 : f32
    %sub3A_20 = vector.broadcast %sub3A : f32 to vector<64x128xf32>
    %sub3A_21 = arith.subf %sqrt3A, %sub3A_20 : vector<64x128xf32>
    %mul3A_22 = arith.constant 0.181818187 : f32
    %mul3A_23 = vector.broadcast %mul3A_22 : f32 to vector<64x128xf32>
    %mul3A_24 = arith.mulf %sub3A_21, %mul3A_23 : vector<64x128xf32>
    %mul3A_25 = arith.constant 2.000000e+00 : f32
    %mul3A_26 = vector.broadcast %mul3A_25 : f32 to vector<64x128xf32>
    %mul3A_27 = arith.mulf %mul3A_26, %mul3A_24 : vector<64x128xf32>
    %sub3A_28 = arith.constant 1.000000e+00 : f32
    %sub3A_29 = vector.broadcast %sub3A_28 : f32 to vector<64x128xf32>
    %sub3A_30 = arith.subf %mul3A_27, %sub3A_29 : vector<64x128xf32>
    %jit3A = arith.constant -1.000000e+00 : f32
    %jit3A_31 = arith.constant 1.000000e+00 : f32
    %max3A = vector.broadcast %jit3A : f32 to vector<64x128xf32>
    %max3A_32 = arith.maximumf %max3A, %sub3A_30 : vector<64x128xf32>
    %min3A = vector.broadcast %jit3A_31 : f32 to vector<64x128xf32>
    %min3A_33 = arith.minimumf %min3A, %max3A_32 : vector<64x128xf32>
    %gt3A = arith.constant 5.000000e-01 : f32
    %gt3A_34 = vector.broadcast %gt3A : f32 to vector<64x128xf32>
    %gt3A_35 = arith.cmpf ogt, %sqrt3A, %gt3A_34 : vector<64x128xf32>
    %lt3A = arith.constant 6.000000e+00 : f32
    %lt3A_36 = vector.broadcast %lt3A : f32 to vector<64x128xf32>
    %lt3A_37 = arith.cmpf olt, %sqrt3A, %lt3A_36 : vector<64x128xf32>
    %and3A = arith.andi %gt3A_35, %lt3A_37 : vector<64x128xi1>
    %convert_element_type3A = arith.extui %and3A : vector<64x128xi1> to vector<64x128xi32>
    %convert_element_type3A_38 = arith.sitofp %convert_element_type3A : vector<64x128xi32> to vector<64x128xf32>
    %jit3A_39 = arith.constant 0.000000e+00 : f32
    %jit3A_40 = arith.constant 1.000000e+00 : f32
    %max3A_41 = vector.broadcast %jit3A_39 : f32 to vector<64x128xf32>
    %max3A_42 = arith.maximumf %max3A_41, %mul3A_24 : vector<64x128xf32>
    %min3A_43 = vector.broadcast %jit3A_40 : f32 to vector<64x128xf32>
    %min3A_44 = arith.minimumf %min3A_43, %max3A_42 : vector<64x128xf32>
    %lt3A_45 = arith.constant 6.000000e+00 : f32
    %lt3A_46 = vector.broadcast %lt3A_45 : f32 to vector<64x128xf32>
    %lt3A_47 = arith.cmpf olt, %sqrt3A, %lt3A_46 : vector<64x128xf32>
    %mul3A_48 = arith.constant 3.14159274 : f32
    %mul3A_49 = vector.broadcast %mul3A_48 : f32 to vector<64x128xf32>
    %mul3A_50 = arith.mulf %mul3A_49, %min3A_44 : vector<64x128xf32>
    %cos3A = math.cos %mul3A_50 : vector<64x128xf32>
    %add3A_51 = arith.constant 1.000000e+00 : f32
    %add3A_52 = vector.broadcast %add3A_51 : f32 to vector<64x128xf32>
    %add3A_53 = arith.addf %cos3A, %add3A_52 : vector<64x128xf32>
    %mul3A_54 = arith.constant 5.000000e-01 : f32
    %mul3A_55 = vector.broadcast %mul3A_54 : f32 to vector<64x128xf32>
    %mul3A_56 = arith.mulf %mul3A_55, %add3A_53 : vector<64x128xf32>
    %jit3A_57 = arith.constant 0.000000e+00 : f32
    %broadcast_in_dim3A = vector.broadcast %jit3A_57 : f32 to vector<64x128xf32>
    %select_n3A = arith.select %lt3A_47, %mul3A_56, %broadcast_in_dim3A : vector<64x128xi1>, vector<64x128xf32>
    %iota3A = tpu.iota {dimensions = array<i32: 0>} : vector<64x128xi32>
    %and3A_58 = arith.constant 31 : i32
    %and3A_59 = vector.broadcast %and3A_58 : i32 to vector<64x128xi32>
    %and3A_60 = arith.andi %iota3A, %and3A_59 : vector<64x128xi32>
    %get3A_61 = arith.constant 1 : index
    %get3A_62 = arith.constant 0 : index
    %get3A_63 = vector.load %arg2[%get3A_61, %get3A_62] : memref<8x128xi32, #tpu.memory_space<vmem>>, vector<1x128xi32>
    %broadcast_in_dim3A_64 = vector.shape_cast %get3A_63 : vector<1x128xi32> to vector<1x128xi32>
    %broadcast_in_dim3A_65 = vector.broadcast %broadcast_in_dim3A_64 : vector<1x128xi32> to vector<64x128xi32>
    %get3A_66 = arith.constant 2 : index
    %get3A_67 = arith.constant 0 : index
    %get3A_68 = vector.load %arg2[%get3A_66, %get3A_67] : memref<8x128xi32, #tpu.memory_space<vmem>>, vector<1x128xi32>
    %broadcast_in_dim3A_69 = vector.shape_cast %get3A_68 : vector<1x128xi32> to vector<1x128xi32>
    %broadcast_in_dim3A_70 = vector.broadcast %broadcast_in_dim3A_69 : vector<1x128xi32> to vector<64x128xi32>
    %lt3A_71 = arith.constant 32 : i32
    %lt3A_72 = vector.broadcast %lt3A_71 : i32 to vector<64x128xi32>
    %lt3A_73 = arith.cmpi slt, %iota3A, %lt3A_72 : vector<64x128xi32>
    %select_n3A_74 = arith.select %lt3A_73, %broadcast_in_dim3A_65, %broadcast_in_dim3A_70 : vector<64x128xi1>, vector<64x128xi32>
    %lt3A_75 = arith.cmpi slt, %and3A_60, %select_n3A_74 : vector<64x128xi32>
    %convert_element_type3A_76 = arith.extui %lt3A_75 : vector<64x128xi1> to vector<64x128xi32>
    %convert_element_type3A_77 = arith.sitofp %convert_element_type3A_76 : vector<64x128xi32> to vector<64x128xf32>
    %mul3A_78 = arith.mulf %select_n3A, %convert_element_type3A_77 : vector<64x128xf32>
    %broadcast_in_dim3A_79 = arith.constant 1.000000e+00 : f32
    %broadcast_in_dim3A_80 = vector.broadcast %broadcast_in_dim3A_79 : f32 to vector<64x128xf32>
    %mul3A_81 = arith.mulf %mul3A_78, %broadcast_in_dim3A_80 : vector<64x128xf32>
    %slice3A = vector.extract_strided_slice %mul3A_81 {offsets = [0, 0], sizes = [32, 128], strides = [1, 1]} : vector<64x128xf32> to vector<32x128xf32>
    %reduce_sum3A = arith.constant dense<0.000000e+00> : vector<128xf32>
    %reduce_sum3A_82 = vector.multi_reduction <add>, %slice3A, %reduce_sum3A [0] : vector<32x128xf32> to vector<128xf32>
    %broadcast_in_dim3A_83 = vector.shape_cast %reduce_sum3A_82 : vector<128xf32> to vector<1x128xf32>
    %swap3A = arith.constant 0 : index
    %swap3A_84 = arith.constant 0 : index
    %swap3A_85 = vector.load %arg14[%swap3A, %swap3A_84] : memref<64x128xf32, #tpu.memory_space<vmem>>, vector<1x128xf32>
    tpu.vector_store %arg14[%swap3A, %swap3A_84], %broadcast_in_dim3A_83 {strides = array<i32>} : memref<64x128xf32, #tpu.memory_space<vmem>>, vector<1x128xf32>,
    %slice3A_86 = vector.extract_strided_slice %mul3A_81 {offsets = [32, 0], sizes = [32, 128], strides = [1, 1]} : vector<64x128xf32> to vector<32x128xf32>
    %reduce_sum3A_87 = arith.constant dense<0.000000e+00> : vector<128xf32>
    %reduce_sum3A_88 = vector.multi_reduction <add>, %slice3A_86, %reduce_sum3A_87 [0] : vector<32x128xf32> to vector<128xf32>
    %broadcast_in_dim3A_89 = vector.shape_cast %reduce_sum3A_88 : vector<128xf32> to vector<1x128xf32>
    %swap3A_90 = arith.constant 32 : index
    %swap3A_91 = arith.constant 0 : index
    %swap3A_92 = vector.load %arg14[%swap3A_90, %swap3A_91] : memref<64x128xf32, #tpu.memory_space<vmem>>, vector<1x128xf32>
    tpu.vector_store %arg14[%swap3A_90, %swap3A_91], %broadcast_in_dim3A_89 {strides = array<i32>} : memref<64x128xf32, #tpu.memory_space<vmem>>, vector<1x128xf32>,
    %mul3A_93 = arith.mulf %mul3A_78, %min3A_33 : vector<64x128xf32>
    %slice3A_94 = vector.extract_strided_slice %mul3A_93 {offsets = [0, 0], sizes = [32, 128], strides = [1, 1]} : vector<64x128xf32> to vector<32x128xf32>
    %reduce_sum3A_95 = arith.constant dense<0.000000e+00> : vector<128xf32>
    %reduce_sum3A_96 = vector.multi_reduction <add>, %slice3A_94, %reduce_sum3A_95 [0] : vector<32x128xf32> to vector<128xf32>
    %broadcast_in_dim3A_97 = vector.shape_cast %reduce_sum3A_96 : vector<128xf32> to vector<1x128xf32>
    %swap3A_98 = arith.constant 1 : index
    %swap3A_99 = arith.constant 0 : index
    %swap3A_100 = vector.load %arg14[%swap3A_98, %swap3A_99] : memref<64x128xf32, #tpu.memory_space<vmem>>, vector<1x128xf32>
    tpu.vector_store %arg14[%swap3A_98, %swap3A_99], %broadcast_in_dim3A_97 {strides = array<i32>} : memref<64x128xf32, #tpu.memory_space<vmem>>, vector<1x128xf32>,
    %slice3A_101 = vector.extract_strided_slice %mul3A_93 {offsets = [32, 0], sizes = [32, 128], strides = [1, 1]} : vector<64x128xf32> to vector<32x128xf32>
    %reduce_sum3A_102 = arith.constant dense<0.000000e+00> : vector<128xf32>
    %reduce_sum3A_103 = vector.multi_reduction <add>, %slice3A_101, %reduce_sum3A_102 [0] : vector<32x128xf32> to vector<128xf32>
    %broadcast_in_dim3A_104 = vector.shape_cast %reduce_sum3A_103 : vector<128xf32> to vector<1x128xf32>
    %swap3A_105 = arith.constant 33 : index
    %swap3A_106 = arith.constant 0 : index
    %swap3A_107 = vector.load %arg14[%swap3A_105, %swap3A_106] : memref<64x128xf32, #tpu.memory_space<vmem>>, vector<1x128xf32>
    tpu.vector_store %arg14[%swap3A_105, %swap3A_106], %broadcast_in_dim3A_104 {strides = array<i32>} : memref<64x128xf32, #tpu.memory_space<vmem>>, vector<1x128xf32>,
    %mul3A_108 = arith.constant 2.000000e+00 : f32
    %mul3A_109 = vector.broadcast %mul3A_108 : f32 to vector<64x128xf32>
    %mul3A_110 = arith.mulf %mul3A_109, %min3A_33 : vector<64x128xf32>
    %mul3A_111 = arith.mulf %mul3A_110, %min3A_33 : vector<64x128xf32>
    %sub3A_112 = arith.subf %mul3A_111, %broadcast_in_dim3A_80 : vector<64x128xf32>
    %mul3A_113 = arith.mulf %mul3A_78, %sub3A_112 : vector<64x128xf32>
    %slice3A_114 = vector.extract_strided_slice %mul3A_113 {offsets = [0, 0], sizes = [32, 128], strides = [1, 1]} : vector<64x128xf32> to vector<32x128xf32>
    %reduce_sum3A_115 = arith.constant dense<0.000000e+00> : vector<128xf32>
    %reduce_sum3A_116 = vector.multi_reduction <add>, %slice3A_114, %reduce_sum3A_115 [0] : vector<32x128xf32> to vector<128xf32>
    %broadcast_in_dim3A_117 = vector.shape_cast %reduce_sum3A_116 : vector<128xf32> to vector<1x128xf32>
    %swap3A_118 = arith.constant 2 : index
    %swap3A_119 = arith.constant 0 : index
    %swap3A_120 = vector.load %arg14[%swap3A_118, %swap3A_119] : memref<64x128xf32, #tpu.memory_space<vmem>>, vector<1x128xf32>
    tpu.vector_store %arg14[%swap3A_118, %swap3A_119], %broadcast_in_dim3A_117 {strides = array<i32>} : memref<64x128xf32, #tpu.memory_space<vmem>>, vector<1x128xf32>,
    %slice3A_121 = vector.extract_strided_slice %mul3A_113 {offsets = [32, 0], sizes = [32, 128], strides = [1, 1]} : vector<64x128xf32> to vector<32x128xf32>
    %reduce_sum3A_122 = arith.constant dense<0.000000e+00> : vector<128xf32>
    %reduce_sum3A_123 = vector.multi_reduction <add>, %slice3A_121, %reduce_sum3A_122 [0] : vector<32x128xf32> to vector<128xf32>
    %broadcast_in_dim3A_124 = vector.shape_cast %reduce_sum3A_123 : vector<128xf32> to vector<1x128xf32>
    %swap3A_125 = arith.constant 34 : index
    %swap3A_126 = arith.constant 0 : index
    %swap3A_127 = vector.load %arg14[%swap3A_125, %swap3A_126] : memref<64x128xf32, #tpu.memory_space<vmem>>, vector<1x128xf32>
    tpu.vector_store %arg14[%swap3A_125, %swap3A_126], %broadcast_in_dim3A_124 {strides = array<i32>} : memref<64x128xf32, #tpu.memory_space<vmem>>, vector<1x128xf32>,
    %mul3A_128 = arith.constant 2.000000e+00 : f32
    %mul3A_129 = vector.broadcast %mul3A_128 : f32 to vector<64x128xf32>
    %mul3A_130 = arith.mulf %mul3A_129, %min3A_33 : vector<64x128xf32>
    %mul3A_131 = arith.mulf %mul3A_130, %sub3A_112 : vector<64x128xf32>
    %sub3A_132 = arith.subf %mul3A_131, %min3A_33 : vector<64x128xf32>
    %mul3A_133 = arith.mulf %mul3A_78, %sub3A_132 : vector<64x128xf32>
    %slice3A_134 = vector.extract_strided_slice %mul3A_133 {offsets = [0, 0], sizes = [32, 128], strides = [1, 1]} : vector<64x128xf32> to vector<32x128xf32>
    %reduce_sum3A_135 = arith.constant dense<0.000000e+00> : vector<128xf32>
    %reduce_sum3A_136 = vector.multi_reduction <add>, %slice3A_134, %reduce_sum3A_135 [0] : vector<32x128xf32> to vector<128xf32>
    %broadcast_in_dim3A_137 = vector.shape_cast %reduce_sum3A_136 : vector<128xf32> to vector<1x128xf32>
    %swap3A_138 = arith.constant 3 : index
    %swap3A_139 = arith.constant 0 : index
    %swap3A_140 = vector.load %arg14[%swap3A_138, %swap3A_139] : memref<64x128xf32, #tpu.memory_space<vmem>>, vector<1x128xf32>
    tpu.vector_store %arg14[%swap3A_138, %swap3A_139], %broadcast_in_dim3A_137 {strides = array<i32>} : memref<64x128xf32, #tpu.memory_space<vmem>>, vector<1x128xf32>,
    %slice3A_141 = vector.extract_strided_slice %mul3A_133 {offsets = [32, 0], sizes = [32, 128], strides = [1, 1]} : vector<64x128xf32> to vector<32x128xf32>
    %reduce_sum3A_142 = arith.constant dense<0.000000e+00> : vector<128xf32>
    %reduce_sum3A_143 = vector.multi_reduction <add>, %slice3A_141, %reduce_sum3A_142 [0] : vector<32x128xf32> to vector<128xf32>
    %broadcast_in_dim3A_144 = vector.shape_cast %reduce_sum3A_143 : vector<128xf32> to vector<1x128xf32>
    %swap3A_145 = arith.constant 35 : index
    %swap3A_146 = arith.constant 0 : index
    %swap3A_147 = vector.load %arg14[%swap3A_145, %swap3A_146] : memref<64x128xf32, #tpu.memory_space<vmem>>, vector<1x128xf32>
    tpu.vector_store %arg14[%swap3A_145, %swap3A_146], %broadcast_in_dim3A_144 {strides = array<i32>} : memref<64x128xf32, #tpu.memory_space<vmem>>, vector<1x128xf32>,
    %mul3A_148 = arith.constant 2.000000e+00 : f32
    %mul3A_149 = vector.broadcast %mul3A_148 : f32 to vector<64x128xf32>
    %mul3A_150 = arith.mulf %mul3A_149, %min3A_33 : vector<64x128xf32>
    %mul3A_151 = arith.mulf %mul3A_150, %sub3A_132 : vector<64x128xf32>
    %sub3A_152 = arith.subf %mul3A_151, %sub3A_112 : vector<64x128xf32>
    %mul3A_153 = arith.mulf %mul3A_78, %sub3A_152 : vector<64x128xf32>
    %slice3A_154 = vector.extract_strided_slice %mul3A_153 {offsets = [0, 0], sizes = [32, 128], strides = [1, 1]} : vector<64x128xf32> to vector<32x128xf32>
    %reduce_sum3A_155 = arith.constant dense<0.000000e+00> : vector<128xf32>
    %reduce_sum3A_156 = vector.multi_reduction <add>, %slice3A_154, %reduce_sum3A_155 [0] : vector<32x128xf32> to vector<128xf32>
    %broadcast_in_dim3A_157 = vector.shape_cast %reduce_sum3A_156 : vector<128xf32> to vector<1x128xf32>
    %swap3A_158 = arith.constant 4 : index
    %swap3A_159 = arith.constant 0 : index
    %swap3A_160 = vector.load %arg14[%swap3A_158, %swap3A_159] : memref<64x128xf32, #tpu.memory_space<vmem>>, vector<1x128xf32>
    tpu.vector_store %arg14[%swap3A_158, %swap3A_159], %broadcast_in_dim3A_157 {strides = array<i32>} : memref<64x128xf32, #tpu.memory_space<vmem>>, vector<1x128xf32>,
    %slice3A_161 = vector.extract_strided_slice %mul3A_153 {offsets = [32, 0], sizes = [32, 128], strides = [1, 1]} : vector<64x128xf32> to vector<32x128xf32>
    %reduce_sum3A_162 = arith.constant dense<0.000000e+00> : vector<128xf32>
    %reduce_sum3A_163 = vector.multi_reduction <add>, %slice3A_161, %reduce_sum3A_162 [0] : vector<32x128xf32> to vector<128xf32>
    %broadcast_in_dim3A_164 = vector.shape_cast %reduce_sum3A_163 : vector<128xf32> to vector<1x128xf32>
    %swap3A_165 = arith.constant 36 : index
    %swap3A_166 = arith.constant 0 : index
    %swap3A_167 = vector.load %arg14[%swap3A_165, %swap3A_166] : memref<64x128xf32, #tpu.memory_space<vmem>>, vector<1x128xf32>
    tpu.vector_store %arg14[%swap3A_165, %swap3A_166], %broadcast_in_dim3A_164 {strides = array<i32>} : memref<64x128xf32, #tpu.memory_space<vmem>>, vector<1x128xf32>,
    %mul3A_168 = arith.constant 2.000000e+00 : f32
    %mul3A_169 = vector.broadcast %mul3A_168 : f32 to vector<64x128xf32>
    %mul3A_170 = arith.mulf %mul3A_169, %min3A_33 : vector<64x128xf32>
    %mul3A_171 = arith.mulf %mul3A_170, %sub3A_152 : vector<64x128xf32>
    %sub3A_172 = arith.subf %mul3A_171, %sub3A_132 : vector<64x128xf32>
    %mul3A_173 = arith.mulf %mul3A_78, %sub3A_172 : vector<64x128xf32>
    %slice3A_174 = vector.extract_strided_slice %mul3A_173 {offsets = [0, 0], sizes = [32, 128], strides = [1, 1]} : vector<64x128xf32> to vector<32x128xf32>
    %reduce_sum3A_175 = arith.constant dense<0.000000e+00> : vector<128xf32>
    %reduce_sum3A_176 = vector.multi_reduction <add>, %slice3A_174, %reduce_sum3A_175 [0] : vector<32x128xf32> to vector<128xf32>
    %broadcast_in_dim3A_177 = vector.shape_cast %reduce_sum3A_176 : vector<128xf32> to vector<1x128xf32>
    %swap3A_178 = arith.constant 5 : index
    %swap3A_179 = arith.constant 0 : index
    %swap3A_180 = vector.load %arg14[%swap3A_178, %swap3A_179] : memref<64x128xf32, #tpu.memory_space<vmem>>, vector<1x128xf32>
    tpu.vector_store %arg14[%swap3A_178, %swap3A_179], %broadcast_in_dim3A_177 {strides = array<i32>} : memref<64x128xf32, #tpu.memory_space<vmem>>, vector<1x128xf32>,
    %slice3A_181 = vector.extract_strided_slice %mul3A_173 {offsets = [32, 0], sizes = [32, 128], strides = [1, 1]} : vector<64x128xf32> to vector<32x128xf32>
    %reduce_sum3A_182 = arith.constant dense<0.000000e+00> : vector<128xf32>
    %reduce_sum3A_183 = vector.multi_reduction <add>, %slice3A_181, %reduce_sum3A_182 [0] : vector<32x128xf32> to vector<128xf32>
    %broadcast_in_dim3A_184 = vector.shape_cast %reduce_sum3A_183 : vector<128xf32> to vector<1x128xf32>
    %swap3A_185 = arith.constant 37 : index
    %swap3A_186 = arith.constant 0 : index
    %swap3A_187 = vector.load %arg14[%swap3A_185, %swap3A_186] : memref<64x128xf32, #tpu.memory_space<vmem>>, vector<1x128xf32>
    tpu.vector_store %arg14[%swap3A_185, %swap3A_186], %broadcast_in_dim3A_184 {strides = array<i32>} : memref<64x128xf32, #tpu.memory_space<vmem>>, vector<1x128xf32>,
    %mul3A_188 = arith.constant 2.000000e+00 : f32
    %mul3A_189 = vector.broadcast %mul3A_188 : f32 to vector<64x128xf32>
    %mul3A_190 = arith.mulf %mul3A_189, %min3A_33 : vector<64x128xf32>
    %mul3A_191 = arith.mulf %mul3A_190, %sub3A_172 : vector<64x128xf32>
    %sub3A_192 = arith.subf %mul3A_191, %sub3A_152 : vector<64x128xf32>
    %mul3A_193 = arith.mulf %mul3A_78, %sub3A_192 : vector<64x128xf32>
    %slice3A_194 = vector.extract_strided_slice %mul3A_193 {offsets = [0, 0], sizes = [32, 128], strides = [1, 1]} : vector<64x128xf32> to vector<32x128xf32>
    %reduce_sum3A_195 = arith.constant dense<0.000000e+00> : vector<128xf32>
    %reduce_sum3A_196 = vector.multi_reduction <add>, %slice3A_194, %reduce_sum3A_195 [0] : vector<32x128xf32> to vector<128xf32>
    %broadcast_in_dim3A_197 = vector.shape_cast %reduce_sum3A_196 : vector<128xf32> to vector<1x128xf32>
    %swap3A_198 = arith.constant 6 : index
    %swap3A_199 = arith.constant 0 : index
    %swap3A_200 = vector.load %arg14[%swap3A_198, %swap3A_199] : memref<64x128xf32, #tpu.memory_space<vmem>>, vector<1x128xf32>
    tpu.vector_store %arg14[%swap3A_198, %swap3A_199], %broadcast_in_dim3A_197 {strides = array<i32>} : memref<64x128xf32, #tpu.memory_space<vmem>>, vector<1x128xf32>,
    %slice3A_201 = vector.extract_strided_slice %mul3A_193 {offsets = [32, 0], sizes = [32, 128], strides = [1, 1]} : vector<64x128xf32> to vector<32x128xf32>
    %reduce_sum3A_202 = arith.constant dense<0.000000e+00> : vector<128xf32>
    %reduce_sum3A_203 = vector.multi_reduction <add>, %slice3A_201, %reduce_sum3A_202 [0] : vector<32x128xf32> to vector<128xf32>
    %broadcast_in_dim3A_204 = vector.shape_cast %reduce_sum3A_203 : vector<128xf32> to vector<1x128xf32>
    %swap3A_205 = arith.constant 38 : index
    %swap3A_206 = arith.constant 0 : index
    %swap3A_207 = vector.load %arg14[%swap3A_205, %swap3A_206] : memref<64x128xf32, #tpu.memory_space<vmem>>, vector<1x128xf32>
    tpu.vector_store %arg14[%swap3A_205, %swap3A_206], %broadcast_in_dim3A_204 {strides = array<i32>} : memref<64x128xf32, #tpu.memory_space<vmem>>, vector<1x128xf32>,
    %mul3A_208 = arith.constant 2.000000e+00 : f32
    %mul3A_209 = vector.broadcast %mul3A_208 : f32 to vector<64x128xf32>
    %mul3A_210 = arith.mulf %mul3A_209, %min3A_33 : vector<64x128xf32>
    %mul3A_211 = arith.mulf %mul3A_210, %sub3A_192 : vector<64x128xf32>
    %sub3A_212 = arith.subf %mul3A_211, %sub3A_172 : vector<64x128xf32>
    %mul3A_213 = arith.mulf %mul3A_78, %sub3A_212 : vector<64x128xf32>
    %slice3A_214 = vector.extract_strided_slice %mul3A_213 {offsets = [0, 0], sizes = [32, 128], strides = [1, 1]} : vector<64x128xf32> to vector<32x128xf32>
    %reduce_sum3A_215 = arith.constant dense<0.000000e+00> : vector<128xf32>
    %reduce_sum3A_216 = vector.multi_reduction <add>, %slice3A_214, %reduce_sum3A_215 [0] : vector<32x128xf32> to vector<128xf32>
    %broadcast_in_dim3A_217 = vector.shape_cast %reduce_sum3A_216 : vector<128xf32> to vector<1x128xf32>
    %swap3A_218 = arith.constant 7 : index
    %swap3A_219 = arith.constant 0 : index
    %swap3A_220 = vector.load %arg14[%swap3A_218, %swap3A_219] : memref<64x128xf32, #tpu.memory_space<vmem>>, vector<1x128xf32>
    tpu.vector_store %arg14[%swap3A_218, %swap3A_219], %broadcast_in_dim3A_217 {strides = array<i32>} : memref<64x128xf32, #tpu.memory_space<vmem>>, vector<1x128xf32>,
    %slice3A_221 = vector.extract_strided_slice %mul3A_213 {offsets = [32, 0], sizes = [32, 128], strides = [1, 1]} : vector<64x128xf32> to vector<32x128xf32>
    %reduce_sum3A_222 = arith.constant dense<0.000000e+00> : vector<128xf32>
    %reduce_sum3A_223 = vector.multi_reduction <add>, %slice3A_221, %reduce_sum3A_222 [0] : vector<32x128xf32> to vector<128xf32>
    %broadcast_in_dim3A_224 = vector.shape_cast %reduce_sum3A_223 : vector<128xf32> to vector<1x128xf32>
    %swap3A_225 = arith.constant 39 : index
    %swap3A_226 = arith.constant 0 : index
    %swap3A_227 = vector.load %arg14[%swap3A_225, %swap3A_226] : memref<64x128xf32, #tpu.memory_space<vmem>>, vector<1x128xf32>
    tpu.vector_store %arg14[%swap3A_225, %swap3A_226], %broadcast_in_dim3A_224 {strides = array<i32>} : memref<64x128xf32, #tpu.memory_space<vmem>>, vector<1x128xf32>,
    %mul3A_228 = arith.constant 2.000000e+00 : f32
    %mul3A_229 = vector.broadcast %mul3A_228 : f32 to vector<64x128xf32>
    %mul3A_230 = arith.mulf %mul3A_229, %min3A_33 : vector<64x128xf32>
    %mul3A_231 = arith.mulf %mul3A_230, %sub3A_212 : vector<64x128xf32>
    %sub3A_232 = arith.subf %mul3A_231, %sub3A_192 : vector<64x128xf32>
    %mul3A_233 = arith.mulf %mul3A_78, %sub3A_232 : vector<64x128xf32>
    %slice3A_234 = vector.extract_strided_slice %mul3A_233 {offsets = [0, 0], sizes = [32, 128], strides = [1, 1]} : vector<64x128xf32> to vector<32x128xf32>
    %reduce_sum3A_235 = arith.constant dense<0.000000e+00> : vector<128xf32>
    %reduce_sum3A_236 = vector.multi_reduction <add>, %slice3A_234, %reduce_sum3A_235 [0] : vector<32x128xf32> to vector<128xf32>
    %broadcast_in_dim3A_237 = vector.shape_cast %reduce_sum3A_236 : vector<128xf32> to vector<1x128xf32>
    %swap3A_238 = arith.constant 8 : index
    %swap3A_239 = arith.constant 0 : index
    %swap3A_240 = vector.load %arg14[%swap3A_238, %swap3A_239] : memref<64x128xf32, #tpu.memory_space<vmem>>, vector<1x128xf32>
    tpu.vector_store %arg14[%swap3A_238, %swap3A_239], %broadcast_in_dim3A_237 {strides = array<i32>} : memref<64x128xf32, #tpu.memory_space<vmem>>, vector<1x128xf32>,
    %slice3A_241 = vector.extract_strided_slice %mul3A_233 {offsets = [32, 0], sizes = [32, 128], strides = [1, 1]} : vector<64x128xf32> to vector<32x128xf32>
    %reduce_sum3A_242 = arith.constant dense<0.000000e+00> : vector<128xf32>
    %reduce_sum3A_243 = vector.multi_reduction <add>, %slice3A_241, %reduce_sum3A_242 [0] : vector<32x128xf32> to vector<128xf32>
    %broadcast_in_dim3A_244 = vector.shape_cast %reduce_sum3A_243 : vector<128xf32> to vector<1x128xf32>
    %swap3A_245 = arith.constant 40 : index
    %swap3A_246 = arith.constant 0 : index
    %swap3A_247 = vector.load %arg14[%swap3A_245, %swap3A_246] : memref<64x128xf32, #tpu.memory_space<vmem>>, vector<1x128xf32>
    tpu.vector_store %arg14[%swap3A_245, %swap3A_246], %broadcast_in_dim3A_244 {strides = array<i32>} : memref<64x128xf32, #tpu.memory_space<vmem>>, vector<1x128xf32>,
    %mul3A_248 = arith.constant 2.000000e+00 : f32
    %mul3A_249 = vector.broadcast %mul3A_248 : f32 to vector<64x128xf32>
    %mul3A_250 = arith.mulf %mul3A_249, %min3A_33 : vector<64x128xf32>
    %mul3A_251 = arith.mulf %mul3A_250, %sub3A_232 : vector<64x128xf32>
    %sub3A_252 = arith.subf %mul3A_251, %sub3A_212 : vector<64x128xf32>
    %mul3A_253 = arith.mulf %mul3A_78, %sub3A_252 : vector<64x128xf32>
    %slice3A_254 = vector.extract_strided_slice %mul3A_253 {offsets = [0, 0], sizes = [32, 128], strides = [1, 1]} : vector<64x128xf32> to vector<32x128xf32>
    %reduce_sum3A_255 = arith.constant dense<0.000000e+00> : vector<128xf32>
    %reduce_sum3A_256 = vector.multi_reduction <add>, %slice3A_254, %reduce_sum3A_255 [0] : vector<32x128xf32> to vector<128xf32>
    %broadcast_in_dim3A_257 = vector.shape_cast %reduce_sum3A_256 : vector<128xf32> to vector<1x128xf32>
    %swap3A_258 = arith.constant 9 : index
    %swap3A_259 = arith.constant 0 : index
    %swap3A_260 = vector.load %arg14[%swap3A_258, %swap3A_259] : memref<64x128xf32, #tpu.memory_space<vmem>>, vector<1x128xf32>
    tpu.vector_store %arg14[%swap3A_258, %swap3A_259], %broadcast_in_dim3A_257 {strides = array<i32>} : memref<64x128xf32, #tpu.memory_space<vmem>>, vector<1x128xf32>,
    %slice3A_261 = vector.extract_strided_slice %mul3A_253 {offsets = [32, 0], sizes = [32, 128], strides = [1, 1]} : vector<64x128xf32> to vector<32x128xf32>
    %reduce_sum3A_262 = arith.constant dense<0.000000e+00> : vector<128xf32>
    %reduce_sum3A_263 = vector.multi_reduction <add>, %slice3A_261, %reduce_sum3A_262 [0] : vector<32x128xf32> to vector<128xf32>
    %broadcast_in_dim3A_264 = vector.shape_cast %reduce_sum3A_263 : vector<128xf32> to vector<1x128xf32>
    %swap3A_265 = arith.constant 41 : index
    %swap3A_266 = arith.constant 0 : index
    %swap3A_267 = vector.load %arg14[%swap3A_265, %swap3A_266] : memref<64x128xf32, #tpu.memory_space<vmem>>, vector<1x128xf32>
    tpu.vector_store %arg14[%swap3A_265, %swap3A_266], %broadcast_in_dim3A_264 {strides = array<i32>} : memref<64x128xf32, #tpu.memory_space<vmem>>, vector<1x128xf32>,
    %mul3A_268 = arith.constant 2.000000e+00 : f32
    %mul3A_269 = vector.broadcast %mul3A_268 : f32 to vector<64x128xf32>
    %mul3A_270 = arith.mulf %mul3A_269, %min3A_33 : vector<64x128xf32>
    %mul3A_271 = arith.mulf %mul3A_270, %sub3A_252 : vector<64x128xf32>
    %sub3A_272 = arith.subf %mul3A_271, %sub3A_232 : vector<64x128xf32>
    %mul3A_273 = arith.mulf %mul3A_78, %sub3A_272 : vector<64x128xf32>
    %slice3A_274 = vector.extract_strided_slice %mul3A_273 {offsets = [0, 0], sizes = [32, 128], strides = [1, 1]} : vector<64x128xf32> to vector<32x128xf32>
    %reduce_sum3A_275 = arith.constant dense<0.000000e+00> : vector<128xf32>
    %reduce_sum3A_276 = vector.multi_reduction <add>, %slice3A_274, %reduce_sum3A_275 [0] : vector<32x128xf32> to vector<128xf32>
    %broadcast_in_dim3A_277 = vector.shape_cast %reduce_sum3A_276 : vector<128xf32> to vector<1x128xf32>
    %swap3A_278 = arith.constant 10 : index
    %swap3A_279 = arith.constant 0 : index
    %swap3A_280 = vector.load %arg14[%swap3A_278, %swap3A_279] : memref<64x128xf32, #tpu.memory_space<vmem>>, vector<1x128xf32>
    tpu.vector_store %arg14[%swap3A_278, %swap3A_279], %broadcast_in_dim3A_277 {strides = array<i32>} : memref<64x128xf32, #tpu.memory_space<vmem>>, vector<1x128xf32>,
    %slice3A_281 = vector.extract_strided_slice %mul3A_273 {offsets = [32, 0], sizes = [32, 128], strides = [1, 1]} : vector<64x128xf32> to vector<32x128xf32>
    %reduce_sum3A_282 = arith.constant dense<0.000000e+00> : vector<128xf32>
    %reduce_sum3A_283 = vector.multi_reduction <add>, %slice3A_281, %reduce_sum3A_282 [0] : vector<32x128xf32> to vector<128xf32>
    %broadcast_in_dim3A_284 = vector.shape_cast %reduce_sum3A_283 : vector<128xf32> to vector<1x128xf32>
    %swap3A_285 = arith.constant 42 : index
    %swap3A_286 = arith.constant 0 : index
    %swap3A_287 = vector.load %arg14[%swap3A_285, %swap3A_286] : memref<64x128xf32, #tpu.memory_space<vmem>>, vector<1x128xf32>
    tpu.vector_store %arg14[%swap3A_285, %swap3A_286], %broadcast_in_dim3A_284 {strides = array<i32>} : memref<64x128xf32, #tpu.memory_space<vmem>>, vector<1x128xf32>,
    %mul3A_288 = arith.constant 2.000000e+00 : f32
    %mul3A_289 = vector.broadcast %mul3A_288 : f32 to vector<64x128xf32>
    %mul3A_290 = arith.mulf %mul3A_289, %min3A_33 : vector<64x128xf32>
    %mul3A_291 = arith.mulf %mul3A_290, %sub3A_272 : vector<64x128xf32>
    %sub3A_292 = arith.subf %mul3A_291, %sub3A_252 : vector<64x128xf32>
    %mul3A_293 = arith.mulf %mul3A_78, %sub3A_292 : vector<64x128xf32>
    %slice3A_294 = vector.extract_strided_slice %mul3A_293 {offsets = [0, 0], sizes = [32, 128], strides = [1, 1]} : vector<64x128xf32> to vector<32x128xf32>
    %reduce_sum3A_295 = arith.constant dense<0.000000e+00> : vector<128xf32>
    %reduce_sum3A_296 = vector.multi_reduction <add>, %slice3A_294, %reduce_sum3A_295 [0] : vector<32x128xf32> to vector<128xf32>
    %broadcast_in_dim3A_297 = vector.shape_cast %reduce_sum3A_296 : vector<128xf32> to vector<1x128xf32>
    %swap3A_298 = arith.constant 11 : index
    %swap3A_299 = arith.constant 0 : index
    %swap3A_300 = vector.load %arg14[%swap3A_298, %swap3A_299] : memref<64x128xf32, #tpu.memory_space<vmem>>, vector<1x128xf32>
    tpu.vector_store %arg14[%swap3A_298, %swap3A_299], %broadcast_in_dim3A_297 {strides = array<i32>} : memref<64x128xf32, #tpu.memory_space<vmem>>, vector<1x128xf32>,
    %slice3A_301 = vector.extract_strided_slice %mul3A_293 {offsets = [32, 0], sizes = [32, 128], strides = [1, 1]} : vector<64x128xf32> to vector<32x128xf32>
    %reduce_sum3A_302 = arith.constant dense<0.000000e+00> : vector<128xf32>
    %reduce_sum3A_303 = vector.multi_reduction <add>, %slice3A_301, %reduce_sum3A_302 [0] : vector<32x128xf32> to vector<128xf32>
    %broadcast_in_dim3A_304 = vector.shape_cast %reduce_sum3A_303 : vector<128xf32> to vector<1x128xf32>
    %swap3A_305 = arith.constant 43 : index
    %swap3A_306 = arith.constant 0 : index
    %swap3A_307 = vector.load %arg14[%swap3A_305, %swap3A_306] : memref<64x128xf32, #tpu.memory_space<vmem>>, vector<1x128xf32>
    tpu.vector_store %arg14[%swap3A_305, %swap3A_306], %broadcast_in_dim3A_304 {strides = array<i32>} : memref<64x128xf32, #tpu.memory_space<vmem>>, vector<1x128xf32>,
    %mul3A_308 = arith.constant 2.000000e+00 : f32
    %mul3A_309 = vector.broadcast %mul3A_308 : f32 to vector<64x128xf32>
    %mul3A_310 = arith.mulf %mul3A_309, %min3A_33 : vector<64x128xf32>
    %mul3A_311 = arith.mulf %mul3A_310, %sub3A_292 : vector<64x128xf32>
    %sub3A_312 = arith.subf %mul3A_311, %sub3A_272 : vector<64x128xf32>
    %mul3A_313 = arith.mulf %mul3A_78, %sub3A_312 : vector<64x128xf32>
    %slice3A_314 = vector.extract_strided_slice %mul3A_313 {offsets = [0, 0], sizes = [32, 128], strides = [1, 1]} : vector<64x128xf32> to vector<32x128xf32>
    %reduce_sum3A_315 = arith.constant dense<0.000000e+00> : vector<128xf32>
    %reduce_sum3A_316 = vector.multi_reduction <add>, %slice3A_314, %reduce_sum3A_315 [0] : vector<32x128xf32> to vector<128xf32>
    %broadcast_in_dim3A_317 = vector.shape_cast %reduce_sum3A_316 : vector<128xf32> to vector<1x128xf32>
    %swap3A_318 = arith.constant 12 : index
    %swap3A_319 = arith.constant 0 : index
    %swap3A_320 = vector.load %arg14[%swap3A_318, %swap3A_319] : memref<64x128xf32, #tpu.memory_space<vmem>>, vector<1x128xf32>
    tpu.vector_store %arg14[%swap3A_318, %swap3A_319], %broadcast_in_dim3A_317 {strides = array<i32>} : memref<64x128xf32, #tpu.memory_space<vmem>>, vector<1x128xf32>,
    %slice3A_321 = vector.extract_strided_slice %mul3A_313 {offsets = [32, 0], sizes = [32, 128], strides = [1, 1]} : vector<64x128xf32> to vector<32x128xf32>
    %reduce_sum3A_322 = arith.constant dense<0.000000e+00> : vector<128xf32>
    %reduce_sum3A_323 = vector.multi_reduction <add>, %slice3A_321, %reduce_sum3A_322 [0] : vector<32x128xf32> to vector<128xf32>
    %broadcast_in_dim3A_324 = vector.shape_cast %reduce_sum3A_323 : vector<128xf32> to vector<1x128xf32>
    %swap3A_325 = arith.constant 44 : index
    %swap3A_326 = arith.constant 0 : index
    %swap3A_327 = vector.load %arg14[%swap3A_325, %swap3A_326] : memref<64x128xf32, #tpu.memory_space<vmem>>, vector<1x128xf32>
    tpu.vector_store %arg14[%swap3A_325, %swap3A_326], %broadcast_in_dim3A_324 {strides = array<i32>} : memref<64x128xf32, #tpu.memory_space<vmem>>, vector<1x128xf32>,
    %mul3A_328 = arith.constant 2.000000e+00 : f32
    %mul3A_329 = vector.broadcast %mul3A_328 : f32 to vector<64x128xf32>
    %mul3A_330 = arith.mulf %mul3A_329, %min3A_33 : vector<64x128xf32>
    %mul3A_331 = arith.mulf %mul3A_330, %sub3A_312 : vector<64x128xf32>
    %sub3A_332 = arith.subf %mul3A_331, %sub3A_292 : vector<64x128xf32>
    %mul3A_333 = arith.mulf %mul3A_78, %sub3A_332 : vector<64x128xf32>
    %slice3A_334 = vector.extract_strided_slice %mul3A_333 {offsets = [0, 0], sizes = [32, 128], strides = [1, 1]} : vector<64x128xf32> to vector<32x128xf32>
    %reduce_sum3A_335 = arith.constant dense<0.000000e+00> : vector<128xf32>
    %reduce_sum3A_336 = vector.multi_reduction <add>, %slice3A_334, %reduce_sum3A_335 [0] : vector<32x128xf32> to vector<128xf32>
    %broadcast_in_dim3A_337 = vector.shape_cast %reduce_sum3A_336 : vector<128xf32> to vector<1x128xf32>
    %swap3A_338 = arith.constant 13 : index
    %swap3A_339 = arith.constant 0 : index
    %swap3A_340 = vector.load %arg14[%swap3A_338, %swap3A_339] : memref<64x128xf32, #tpu.memory_space<vmem>>, vector<1x128xf32>
    tpu.vector_store %arg14[%swap3A_338, %swap3A_339], %broadcast_in_dim3A_337 {strides = array<i32>} : memref<64x128xf32, #tpu.memory_space<vmem>>, vector<1x128xf32>,
    %slice3A_341 = vector.extract_strided_slice %mul3A_333 {offsets = [32, 0], sizes = [32, 128], strides = [1, 1]} : vector<64x128xf32> to vector<32x128xf32>
    %reduce_sum3A_342 = arith.constant dense<0.000000e+00> : vector<128xf32>
    %reduce_sum3A_343 = vector.multi_reduction <add>, %slice3A_341, %reduce_sum3A_342 [0] : vector<32x128xf32> to vector<128xf32>
    %broadcast_in_dim3A_344 = vector.shape_cast %reduce_sum3A_343 : vector<128xf32> to vector<1x128xf32>
    %swap3A_345 = arith.constant 45 : index
    %swap3A_346 = arith.constant 0 : index
    %swap3A_347 = vector.load %arg14[%swap3A_345, %swap3A_346] : memref<64x128xf32, #tpu.memory_space<vmem>>, vector<1x128xf32>
    tpu.vector_store %arg14[%swap3A_345, %swap3A_346], %broadcast_in_dim3A_344 {strides = array<i32>} : memref<64x128xf32, #tpu.memory_space<vmem>>, vector<1x128xf32>,
    %mul3A_348 = arith.constant 2.000000e+00 : f32
    %mul3A_349 = vector.broadcast %mul3A_348 : f32 to vector<64x128xf32>
    %mul3A_350 = arith.mulf %mul3A_349, %min3A_33 : vector<64x128xf32>
    %mul3A_351 = arith.mulf %mul3A_350, %sub3A_332 : vector<64x128xf32>
    %sub3A_352 = arith.subf %mul3A_351, %sub3A_312 : vector<64x128xf32>
    %mul3A_353 = arith.mulf %mul3A_78, %sub3A_352 : vector<64x128xf32>
    %slice3A_354 = vector.extract_strided_slice %mul3A_353 {offsets = [0, 0], sizes = [32, 128], strides = [1, 1]} : vector<64x128xf32> to vector<32x128xf32>
    %reduce_sum3A_355 = arith.constant dense<0.000000e+00> : vector<128xf32>
    %reduce_sum3A_356 = vector.multi_reduction <add>, %slice3A_354, %reduce_sum3A_355 [0] : vector<32x128xf32> to vector<128xf32>
    %broadcast_in_dim3A_357 = vector.shape_cast %reduce_sum3A_356 : vector<128xf32> to vector<1x128xf32>
    %swap3A_358 = arith.constant 14 : index
    %swap3A_359 = arith.constant 0 : index
    %swap3A_360 = vector.load %arg14[%swap3A_358, %swap3A_359] : memref<64x128xf32, #tpu.memory_space<vmem>>, vector<1x128xf32>
    tpu.vector_store %arg14[%swap3A_358, %swap3A_359], %broadcast_in_dim3A_357 {strides = array<i32>} : memref<64x128xf32, #tpu.memory_space<vmem>>, vector<1x128xf32>,
    %slice3A_361 = vector.extract_strided_slice %mul3A_353 {offsets = [32, 0], sizes = [32, 128], strides = [1, 1]} : vector<64x128xf32> to vector<32x128xf32>
    %reduce_sum3A_362 = arith.constant dense<0.000000e+00> : vector<128xf32>
    %reduce_sum3A_363 = vector.multi_reduction <add>, %slice3A_361, %reduce_sum3A_362 [0] : vector<32x128xf32> to vector<128xf32>
    %broadcast_in_dim3A_364 = vector.shape_cast %reduce_sum3A_363 : vector<128xf32> to vector<1x128xf32>
    %swap3A_365 = arith.constant 46 : index
    %swap3A_366 = arith.constant 0 : index
    %swap3A_367 = vector.load %arg14[%swap3A_365, %swap3A_366] : memref<64x128xf32, #tpu.memory_space<vmem>>, vector<1x128xf32>
    tpu.vector_store %arg14[%swap3A_365, %swap3A_366], %broadcast_in_dim3A_364 {strides = array<i32>} : memref<64x128xf32, #tpu.memory_space<vmem>>, vector<1x128xf32>,
    %mul3A_368 = arith.constant 2.000000e+00 : f32
    %mul3A_369 = vector.broadcast %mul3A_368 : f32 to vector<64x128xf32>
    %mul3A_370 = arith.mulf %mul3A_369, %min3A_33 : vector<64x128xf32>
    %mul3A_371 = arith.mulf %mul3A_370, %sub3A_352 : vector<64x128xf32>
    %sub3A_372 = arith.subf %mul3A_371, %sub3A_332 : vector<64x128xf32>
    %mul3A_373 = arith.mulf %mul3A_78, %sub3A_372 : vector<64x128xf32>
    %slice3A_374 = vector.extract_strided_slice %mul3A_373 {offsets = [0, 0], sizes = [32, 128], strides = [1, 1]} : vector<64x128xf32> to vector<32x128xf32>
    %reduce_sum3A_375 = arith.constant dense<0.000000e+00> : vector<128xf32>
    %reduce_sum3A_376 = vector.multi_reduction <add>, %slice3A_374, %reduce_sum3A_375 [0] : vector<32x128xf32> to vector<128xf32>
    %broadcast_in_dim3A_377 = vector.shape_cast %reduce_sum3A_376 : vector<128xf32> to vector<1x128xf32>
    %swap3A_378 = arith.constant 15 : index
    %swap3A_379 = arith.constant 0 : index
    %swap3A_380 = vector.load %arg14[%swap3A_378, %swap3A_379] : memref<64x128xf32, #tpu.memory_space<vmem>>, vector<1x128xf32>
    tpu.vector_store %arg14[%swap3A_378, %swap3A_379], %broadcast_in_dim3A_377 {strides = array<i32>} : memref<64x128xf32, #tpu.memory_space<vmem>>, vector<1x128xf32>,
    %slice3A_381 = vector.extract_strided_slice %mul3A_373 {offsets = [32, 0], sizes = [32, 128], strides = [1, 1]} : vector<64x128xf32> to vector<32x128xf32>
    %reduce_sum3A_382 = arith.constant dense<0.000000e+00> : vector<128xf32>
    %reduce_sum3A_383 = vector.multi_reduction <add>, %slice3A_381, %reduce_sum3A_382 [0] : vector<32x128xf32> to vector<128xf32>
    %broadcast_in_dim3A_384 = vector.shape_cast %reduce_sum3A_383 : vector<128xf32> to vector<1x128xf32>
    %swap3A_385 = arith.constant 47 : index
    %swap3A_386 = arith.constant 0 : index
    %swap3A_387 = vector.load %arg14[%swap3A_385, %swap3A_386] : memref<64x128xf32, #tpu.memory_space<vmem>>, vector<1x128xf32>
    tpu.vector_store %arg14[%swap3A_385, %swap3A_386], %broadcast_in_dim3A_384 {strides = array<i32>} : memref<64x128xf32, #tpu.memory_space<vmem>>, vector<1x128xf32>,
    %mul3A_388 = arith.constant 2.000000e+00 : f32
    %mul3A_389 = vector.broadcast %mul3A_388 : f32 to vector<64x128xf32>
    %mul3A_390 = arith.mulf %mul3A_389, %min3A_33 : vector<64x128xf32>
    %mul3A_391 = arith.mulf %mul3A_390, %sub3A_372 : vector<64x128xf32>
    %sub3A_392 = arith.subf %mul3A_391, %sub3A_352 : vector<64x128xf32>
    %mul3A_393 = arith.mulf %mul3A_78, %sub3A_392 : vector<64x128xf32>
    %slice3A_394 = vector.extract_strided_slice %mul3A_393 {offsets = [0, 0], sizes = [32, 128], strides = [1, 1]} : vector<64x128xf32> to vector<32x128xf32>
    %reduce_sum3A_395 = arith.constant dense<0.000000e+00> : vector<128xf32>
    %reduce_sum3A_396 = vector.multi_reduction <add>, %slice3A_394, %reduce_sum3A_395 [0] : vector<32x128xf32> to vector<128xf32>
    %broadcast_in_dim3A_397 = vector.shape_cast %reduce_sum3A_396 : vector<128xf32> to vector<1x128xf32>
    %swap3A_398 = arith.constant 16 : index
    %swap3A_399 = arith.constant 0 : index
    %swap3A_400 = vector.load %arg14[%swap3A_398, %swap3A_399] : memref<64x128xf32, #tpu.memory_space<vmem>>, vector<1x128xf32>
    tpu.vector_store %arg14[%swap3A_398, %swap3A_399], %broadcast_in_dim3A_397 {strides = array<i32>} : memref<64x128xf32, #tpu.memory_space<vmem>>, vector<1x128xf32>,
    %slice3A_401 = vector.extract_strided_slice %mul3A_393 {offsets = [32, 0], sizes = [32, 128], strides = [1, 1]} : vector<64x128xf32> to vector<32x128xf32>
    %reduce_sum3A_402 = arith.constant dense<0.000000e+00> : vector<128xf32>
    %reduce_sum3A_403 = vector.multi_reduction <add>, %slice3A_401, %reduce_sum3A_402 [0] : vector<32x128xf32> to vector<128xf32>
    %broadcast_in_dim3A_404 = vector.shape_cast %reduce_sum3A_403 : vector<128xf32> to vector<1x128xf32>
    %swap3A_405 = arith.constant 48 : index
    %swap3A_406 = arith.constant 0 : index
    %swap3A_407 = vector.load %arg14[%swap3A_405, %swap3A_406] : memref<64x128xf32, #tpu.memory_space<vmem>>, vector<1x128xf32>
    tpu.vector_store %arg14[%swap3A_405, %swap3A_406], %broadcast_in_dim3A_404 {strides = array<i32>} : memref<64x128xf32, #tpu.memory_space<vmem>>, vector<1x128xf32>,
    %mul3A_408 = arith.constant 2.000000e+00 : f32
    %mul3A_409 = vector.broadcast %mul3A_408 : f32 to vector<64x128xf32>
    %mul3A_410 = arith.mulf %mul3A_409, %min3A_33 : vector<64x128xf32>
    %mul3A_411 = arith.mulf %mul3A_410, %sub3A_392 : vector<64x128xf32>
    %sub3A_412 = arith.subf %mul3A_411, %sub3A_372 : vector<64x128xf32>
    %mul3A_413 = arith.mulf %mul3A_78, %sub3A_412 : vector<64x128xf32>
    %slice3A_414 = vector.extract_strided_slice %mul3A_413 {offsets = [0, 0], sizes = [32, 128], strides = [1, 1]} : vector<64x128xf32> to vector<32x128xf32>
    %reduce_sum3A_415 = arith.constant dense<0.000000e+00> : vector<128xf32>
    %reduce_sum3A_416 = vector.multi_reduction <add>, %slice3A_414, %reduce_sum3A_415 [0] : vector<32x128xf32> to vector<128xf32>
    %broadcast_in_dim3A_417 = vector.shape_cast %reduce_sum3A_416 : vector<128xf32> to vector<1x128xf32>
    %swap3A_418 = arith.constant 17 : index
    %swap3A_419 = arith.constant 0 : index
    %swap3A_420 = vector.load %arg14[%swap3A_418, %swap3A_419] : memref<64x128xf32, #tpu.memory_space<vmem>>, vector<1x128xf32>
    tpu.vector_store %arg14[%swap3A_418, %swap3A_419], %broadcast_in_dim3A_417 {strides = array<i32>} : memref<64x128xf32, #tpu.memory_space<vmem>>, vector<1x128xf32>,
    %slice3A_421 = vector.extract_strided_slice %mul3A_413 {offsets = [32, 0], sizes = [32, 128], strides = [1, 1]} : vector<64x128xf32> to vector<32x128xf32>
    %reduce_sum3A_422 = arith.constant dense<0.000000e+00> : vector<128xf32>
    %reduce_sum3A_423 = vector.multi_reduction <add>, %slice3A_421, %reduce_sum3A_422 [0] : vector<32x128xf32> to vector<128xf32>
    %broadcast_in_dim3A_424 = vector.shape_cast %reduce_sum3A_423 : vector<128xf32> to vector<1x128xf32>
    %swap3A_425 = arith.constant 49 : index
    %swap3A_426 = arith.constant 0 : index
    %swap3A_427 = vector.load %arg14[%swap3A_425, %swap3A_426] : memref<64x128xf32, #tpu.memory_space<vmem>>, vector<1x128xf32>
    tpu.vector_store %arg14[%swap3A_425, %swap3A_426], %broadcast_in_dim3A_424 {strides = array<i32>} : memref<64x128xf32, #tpu.memory_space<vmem>>, vector<1x128xf32>,
    %mul3A_428 = arith.constant 2.000000e+00 : f32
    %mul3A_429 = vector.broadcast %mul3A_428 : f32 to vector<64x128xf32>
    %mul3A_430 = arith.mulf %mul3A_429, %min3A_33 : vector<64x128xf32>
    %mul3A_431 = arith.mulf %mul3A_430, %sub3A_412 : vector<64x128xf32>
    %sub3A_432 = arith.subf %mul3A_431, %sub3A_392 : vector<64x128xf32>
    %mul3A_433 = arith.mulf %mul3A_78, %sub3A_432 : vector<64x128xf32>
    %slice3A_434 = vector.extract_strided_slice %mul3A_433 {offsets = [0, 0], sizes = [32, 128], strides = [1, 1]} : vector<64x128xf32> to vector<32x128xf32>
    %reduce_sum3A_435 = arith.constant dense<0.000000e+00> : vector<128xf32>
    %reduce_sum3A_436 = vector.multi_reduction <add>, %slice3A_434, %reduce_sum3A_435 [0] : vector<32x128xf32> to vector<128xf32>
    %broadcast_in_dim3A_437 = vector.shape_cast %reduce_sum3A_436 : vector<128xf32> to vector<1x128xf32>
    %swap3A_438 = arith.constant 18 : index
    %swap3A_439 = arith.constant 0 : index
    %swap3A_440 = vector.load %arg14[%swap3A_438, %swap3A_439] : memref<64x128xf32, #tpu.memory_space<vmem>>, vector<1x128xf32>
    tpu.vector_store %arg14[%swap3A_438, %swap3A_439], %broadcast_in_dim3A_437 {strides = array<i32>} : memref<64x128xf32, #tpu.memory_space<vmem>>, vector<1x128xf32>,
    %slice3A_441 = vector.extract_strided_slice %mul3A_433 {offsets = [32, 0], sizes = [32, 128], strides = [1, 1]} : vector<64x128xf32> to vector<32x128xf32>
    %reduce_sum3A_442 = arith.constant dense<0.000000e+00> : vector<128xf32>
    %reduce_sum3A_443 = vector.multi_reduction <add>, %slice3A_441, %reduce_sum3A_442 [0] : vector<32x128xf32> to vector<128xf32>
    %broadcast_in_dim3A_444 = vector.shape_cast %reduce_sum3A_443 : vector<128xf32> to vector<1x128xf32>
    %swap3A_445 = arith.constant 50 : index
    %swap3A_446 = arith.constant 0 : index
    %swap3A_447 = vector.load %arg14[%swap3A_445, %swap3A_446] : memref<64x128xf32, #tpu.memory_space<vmem>>, vector<1x128xf32>
    tpu.vector_store %arg14[%swap3A_445, %swap3A_446], %broadcast_in_dim3A_444 {strides = array<i32>} : memref<64x128xf32, #tpu.memory_space<vmem>>, vector<1x128xf32>,
    %mul3A_448 = arith.constant 2.000000e+00 : f32
    %mul3A_449 = vector.broadcast %mul3A_448 : f32 to vector<64x128xf32>
    %mul3A_450 = arith.mulf %mul3A_449, %min3A_33 : vector<64x128xf32>
    %mul3A_451 = arith.mulf %mul3A_450, %sub3A_432 : vector<64x128xf32>
    %sub3A_452 = arith.subf %mul3A_451, %sub3A_412 : vector<64x128xf32>
    %mul3A_453 = arith.mulf %mul3A_78, %sub3A_452 : vector<64x128xf32>
    %slice3A_454 = vector.extract_strided_slice %mul3A_453 {offsets = [0, 0], sizes = [32, 128], strides = [1, 1]} : vector<64x128xf32> to vector<32x128xf32>
    %reduce_sum3A_455 = arith.constant dense<0.000000e+00> : vector<128xf32>
    %reduce_sum3A_456 = vector.multi_reduction <add>, %slice3A_454, %reduce_sum3A_455 [0] : vector<32x128xf32> to vector<128xf32>
    %broadcast_in_dim3A_457 = vector.shape_cast %reduce_sum3A_456 : vector<128xf32> to vector<1x128xf32>
    %swap3A_458 = arith.constant 19 : index
    %swap3A_459 = arith.constant 0 : index
    %swap3A_460 = vector.load %arg14[%swap3A_458, %swap3A_459] : memref<64x128xf32, #tpu.memory_space<vmem>>, vector<1x128xf32>
    tpu.vector_store %arg14[%swap3A_458, %swap3A_459], %broadcast_in_dim3A_457 {strides = array<i32>} : memref<64x128xf32, #tpu.memory_space<vmem>>, vector<1x128xf32>,
    %slice3A_461 = vector.extract_strided_slice %mul3A_453 {offsets = [32, 0], sizes = [32, 128], strides = [1, 1]} : vector<64x128xf32> to vector<32x128xf32>
    %reduce_sum3A_462 = arith.constant dense<0.000000e+00> : vector<128xf32>
    %reduce_sum3A_463 = vector.multi_reduction <add>, %slice3A_461, %reduce_sum3A_462 [0] : vector<32x128xf32> to vector<128xf32>
    %broadcast_in_dim3A_464 = vector.shape_cast %reduce_sum3A_463 : vector<128xf32> to vector<1x128xf32>
    %swap3A_465 = arith.constant 51 : index
    %swap3A_466 = arith.constant 0 : index
    %swap3A_467 = vector.load %arg14[%swap3A_465, %swap3A_466] : memref<64x128xf32, #tpu.memory_space<vmem>>, vector<1x128xf32>
    tpu.vector_store %arg14[%swap3A_465, %swap3A_466], %broadcast_in_dim3A_464 {strides = array<i32>} : memref<64x128xf32, #tpu.memory_space<vmem>>, vector<1x128xf32>,
    %mul3A_468 = arith.constant 2.000000e+00 : f32
    %mul3A_469 = vector.broadcast %mul3A_468 : f32 to vector<64x128xf32>
    %mul3A_470 = arith.mulf %mul3A_469, %min3A_33 : vector<64x128xf32>
    %mul3A_471 = arith.mulf %mul3A_470, %sub3A_452 : vector<64x128xf32>
    %sub3A_472 = arith.subf %mul3A_471, %sub3A_432 : vector<64x128xf32>
    %mul3A_473 = arith.mulf %mul3A_78, %sub3A_472 : vector<64x128xf32>
    %slice3A_474 = vector.extract_strided_slice %mul3A_473 {offsets = [0, 0], sizes = [32, 128], strides = [1, 1]} : vector<64x128xf32> to vector<32x128xf32>
    %reduce_sum3A_475 = arith.constant dense<0.000000e+00> : vector<128xf32>
    %reduce_sum3A_476 = vector.multi_reduction <add>, %slice3A_474, %reduce_sum3A_475 [0] : vector<32x128xf32> to vector<128xf32>
    %broadcast_in_dim3A_477 = vector.shape_cast %reduce_sum3A_476 : vector<128xf32> to vector<1x128xf32>
    %swap3A_478 = arith.constant 20 : index
    %swap3A_479 = arith.constant 0 : index
    %swap3A_480 = vector.load %arg14[%swap3A_478, %swap3A_479] : memref<64x128xf32, #tpu.memory_space<vmem>>, vector<1x128xf32>
    tpu.vector_store %arg14[%swap3A_478, %swap3A_479], %broadcast_in_dim3A_477 {strides = array<i32>} : memref<64x128xf32, #tpu.memory_space<vmem>>, vector<1x128xf32>,
    %slice3A_481 = vector.extract_strided_slice %mul3A_473 {offsets = [32, 0], sizes = [32, 128], strides = [1, 1]} : vector<64x128xf32> to vector<32x128xf32>
    %reduce_sum3A_482 = arith.constant dense<0.000000e+00> : vector<128xf32>
    %reduce_sum3A_483 = vector.multi_reduction <add>, %slice3A_481, %reduce_sum3A_482 [0] : vector<32x128xf32> to vector<128xf32>
    %broadcast_in_dim3A_484 = vector.shape_cast %reduce_sum3A_483 : vector<128xf32> to vector<1x128xf32>
    %swap3A_485 = arith.constant 52 : index
    %swap3A_486 = arith.constant 0 : index
    %swap3A_487 = vector.load %arg14[%swap3A_485, %swap3A_486] : memref<64x128xf32, #tpu.memory_space<vmem>>, vector<1x128xf32>
    tpu.vector_store %arg14[%swap3A_485, %swap3A_486], %broadcast_in_dim3A_484 {strides = array<i32>} : memref<64x128xf32, #tpu.memory_space<vmem>>, vector<1x128xf32>,
    %mul3A_488 = arith.constant 2.000000e+00 : f32
    %mul3A_489 = vector.broadcast %mul3A_488 : f32 to vector<64x128xf32>
    %mul3A_490 = arith.mulf %mul3A_489, %min3A_33 : vector<64x128xf32>
    %mul3A_491 = arith.mulf %mul3A_490, %sub3A_472 : vector<64x128xf32>
    %sub3A_492 = arith.subf %mul3A_491, %sub3A_452 : vector<64x128xf32>
    %mul3A_493 = arith.mulf %mul3A_78, %sub3A_492 : vector<64x128xf32>
    %slice3A_494 = vector.extract_strided_slice %mul3A_493 {offsets = [0, 0], sizes = [32, 128], strides = [1, 1]} : vector<64x128xf32> to vector<32x128xf32>
    %reduce_sum3A_495 = arith.constant dense<0.000000e+00> : vector<128xf32>
    %reduce_sum3A_496 = vector.multi_reduction <add>, %slice3A_494, %reduce_sum3A_495 [0] : vector<32x128xf32> to vector<128xf32>
    %broadcast_in_dim3A_497 = vector.shape_cast %reduce_sum3A_496 : vector<128xf32> to vector<1x128xf32>
    %swap3A_498 = arith.constant 21 : index
    %swap3A_499 = arith.constant 0 : index
    %swap3A_500 = vector.load %arg14[%swap3A_498, %swap3A_499] : memref<64x128xf32, #tpu.memory_space<vmem>>, vector<1x128xf32>
    tpu.vector_store %arg14[%swap3A_498, %swap3A_499], %broadcast_in_dim3A_497 {strides = array<i32>} : memref<64x128xf32, #tpu.memory_space<vmem>>, vector<1x128xf32>,
    %slice3A_501 = vector.extract_strided_slice %mul3A_493 {offsets = [32, 0], sizes = [32, 128], strides = [1, 1]} : vector<64x128xf32> to vector<32x128xf32>
    %reduce_sum3A_502 = arith.constant dense<0.000000e+00> : vector<128xf32>
    %reduce_sum3A_503 = vector.multi_reduction <add>, %slice3A_501, %reduce_sum3A_502 [0] : vector<32x128xf32> to vector<128xf32>
    %broadcast_in_dim3A_504 = vector.shape_cast %reduce_sum3A_503 : vector<128xf32> to vector<1x128xf32>
    %swap3A_505 = arith.constant 53 : index
    %swap3A_506 = arith.constant 0 : index
    %swap3A_507 = vector.load %arg14[%swap3A_505, %swap3A_506] : memref<64x128xf32, #tpu.memory_space<vmem>>, vector<1x128xf32>
    tpu.vector_store %arg14[%swap3A_505, %swap3A_506], %broadcast_in_dim3A_504 {strides = array<i32>} : memref<64x128xf32, #tpu.memory_space<vmem>>, vector<1x128xf32>,
    %mul3A_508 = arith.constant 2.000000e+00 : f32
    %mul3A_509 = vector.broadcast %mul3A_508 : f32 to vector<64x128xf32>
    %mul3A_510 = arith.mulf %mul3A_509, %min3A_33 : vector<64x128xf32>
    %mul3A_511 = arith.mulf %mul3A_510, %sub3A_492 : vector<64x128xf32>
    %sub3A_512 = arith.subf %mul3A_511, %sub3A_472 : vector<64x128xf32>
    %mul3A_513 = arith.mulf %mul3A_78, %sub3A_512 : vector<64x128xf32>
    %slice3A_514 = vector.extract_strided_slice %mul3A_513 {offsets = [0, 0], sizes = [32, 128], strides = [1, 1]} : vector<64x128xf32> to vector<32x128xf32>
    %reduce_sum3A_515 = arith.constant dense<0.000000e+00> : vector<128xf32>
    %reduce_sum3A_516 = vector.multi_reduction <add>, %slice3A_514, %reduce_sum3A_515 [0] : vector<32x128xf32> to vector<128xf32>
    %broadcast_in_dim3A_517 = vector.shape_cast %reduce_sum3A_516 : vector<128xf32> to vector<1x128xf32>
    %swap3A_518 = arith.constant 22 : index
    %swap3A_519 = arith.constant 0 : index
    %swap3A_520 = vector.load %arg14[%swap3A_518, %swap3A_519] : memref<64x128xf32, #tpu.memory_space<vmem>>, vector<1x128xf32>
    tpu.vector_store %arg14[%swap3A_518, %swap3A_519], %broadcast_in_dim3A_517 {strides = array<i32>} : memref<64x128xf32, #tpu.memory_space<vmem>>, vector<1x128xf32>,
    %slice3A_521 = vector.extract_strided_slice %mul3A_513 {offsets = [32, 0], sizes = [32, 128], strides = [1, 1]} : vector<64x128xf32> to vector<32x128xf32>
    %reduce_sum3A_522 = arith.constant dense<0.000000e+00> : vector<128xf32>
    %reduce_sum3A_523 = vector.multi_reduction <add>, %slice3A_521, %reduce_sum3A_522 [0] : vector<32x128xf32> to vector<128xf32>
    %broadcast_in_dim3A_524 = vector.shape_cast %reduce_sum3A_523 : vector<128xf32> to vector<1x128xf32>
    %swap3A_525 = arith.constant 54 : index
    %swap3A_526 = arith.constant 0 : index
    %swap3A_527 = vector.load %arg14[%swap3A_525, %swap3A_526] : memref<64x128xf32, #tpu.memory_space<vmem>>, vector<1x128xf32>
    tpu.vector_store %arg14[%swap3A_525, %swap3A_526], %broadcast_in_dim3A_524 {strides = array<i32>} : memref<64x128xf32, #tpu.memory_space<vmem>>, vector<1x128xf32>,
    %mul3A_528 = arith.constant 2.000000e+00 : f32
    %mul3A_529 = vector.broadcast %mul3A_528 : f32 to vector<64x128xf32>
    %mul3A_530 = arith.mulf %mul3A_529, %min3A_33 : vector<64x128xf32>
    %mul3A_531 = arith.mulf %mul3A_530, %sub3A_512 : vector<64x128xf32>
    %sub3A_532 = arith.subf %mul3A_531, %sub3A_492 : vector<64x128xf32>
    %mul3A_533 = arith.mulf %mul3A_78, %sub3A_532 : vector<64x128xf32>
    %slice3A_534 = vector.extract_strided_slice %mul3A_533 {offsets = [0, 0], sizes = [32, 128], strides = [1, 1]} : vector<64x128xf32> to vector<32x128xf32>
    %reduce_sum3A_535 = arith.constant dense<0.000000e+00> : vector<128xf32>
    %reduce_sum3A_536 = vector.multi_reduction <add>, %slice3A_534, %reduce_sum3A_535 [0] : vector<32x128xf32> to vector<128xf32>
    %broadcast_in_dim3A_537 = vector.shape_cast %reduce_sum3A_536 : vector<128xf32> to vector<1x128xf32>
    %swap3A_538 = arith.constant 23 : index
    %swap3A_539 = arith.constant 0 : index
    %swap3A_540 = vector.load %arg14[%swap3A_538, %swap3A_539] : memref<64x128xf32, #tpu.memory_space<vmem>>, vector<1x128xf32>
    tpu.vector_store %arg14[%swap3A_538, %swap3A_539], %broadcast_in_dim3A_537 {strides = array<i32>} : memref<64x128xf32, #tpu.memory_space<vmem>>, vector<1x128xf32>,
    %slice3A_541 = vector.extract_strided_slice %mul3A_533 {offsets = [32, 0], sizes = [32, 128], strides = [1, 1]} : vector<64x128xf32> to vector<32x128xf32>
    %reduce_sum3A_542 = arith.constant dense<0.000000e+00> : vector<128xf32>
    %reduce_sum3A_543 = vector.multi_reduction <add>, %slice3A_541, %reduce_sum3A_542 [0] : vector<32x128xf32> to vector<128xf32>
    %broadcast_in_dim3A_544 = vector.shape_cast %reduce_sum3A_543 : vector<128xf32> to vector<1x128xf32>
    %swap3A_545 = arith.constant 55 : index
    %swap3A_546 = arith.constant 0 : index
    %swap3A_547 = vector.load %arg14[%swap3A_545, %swap3A_546] : memref<64x128xf32, #tpu.memory_space<vmem>>, vector<1x128xf32>
    tpu.vector_store %arg14[%swap3A_545, %swap3A_546], %broadcast_in_dim3A_544 {strides = array<i32>} : memref<64x128xf32, #tpu.memory_space<vmem>>, vector<1x128xf32>,
    %mul3A_548 = arith.constant 2.000000e+00 : f32
    %mul3A_549 = vector.broadcast %mul3A_548 : f32 to vector<64x128xf32>
    %mul3A_550 = arith.mulf %mul3A_549, %min3A_33 : vector<64x128xf32>
    %mul3A_551 = arith.mulf %mul3A_550, %sub3A_532 : vector<64x128xf32>
    %sub3A_552 = arith.subf %mul3A_551, %sub3A_512 : vector<64x128xf32>
    %mul3A_553 = arith.mulf %mul3A_78, %sub3A_552 : vector<64x128xf32>
    %slice3A_554 = vector.extract_strided_slice %mul3A_553 {offsets = [0, 0], sizes = [32, 128], strides = [1, 1]} : vector<64x128xf32> to vector<32x128xf32>
    %reduce_sum3A_555 = arith.constant dense<0.000000e+00> : vector<128xf32>
    %reduce_sum3A_556 = vector.multi_reduction <add>, %slice3A_554, %reduce_sum3A_555 [0] : vector<32x128xf32> to vector<128xf32>
    %broadcast_in_dim3A_557 = vector.shape_cast %reduce_sum3A_556 : vector<128xf32> to vector<1x128xf32>
    %swap3A_558 = arith.constant 24 : index
    %swap3A_559 = arith.constant 0 : index
    %swap3A_560 = vector.load %arg14[%swap3A_558, %swap3A_559] : memref<64x128xf32, #tpu.memory_space<vmem>>, vector<1x128xf32>
    tpu.vector_store %arg14[%swap3A_558, %swap3A_559], %broadcast_in_dim3A_557 {strides = array<i32>} : memref<64x128xf32, #tpu.memory_space<vmem>>, vector<1x128xf32>,
    %slice3A_561 = vector.extract_strided_slice %mul3A_553 {offsets = [32, 0], sizes = [32, 128], strides = [1, 1]} : vector<64x128xf32> to vector<32x128xf32>
    %reduce_sum3A_562 = arith.constant dense<0.000000e+00> : vector<128xf32>
    %reduce_sum3A_563 = vector.multi_reduction <add>, %slice3A_561, %reduce_sum3A_562 [0] : vector<32x128xf32> to vector<128xf32>
    %broadcast_in_dim3A_564 = vector.shape_cast %reduce_sum3A_563 : vector<128xf32> to vector<1x128xf32>
    %swap3A_565 = arith.constant 56 : index
    %swap3A_566 = arith.constant 0 : index
    %swap3A_567 = vector.load %arg14[%swap3A_565, %swap3A_566] : memref<64x128xf32, #tpu.memory_space<vmem>>, vector<1x128xf32>
    tpu.vector_store %arg14[%swap3A_565, %swap3A_566], %broadcast_in_dim3A_564 {strides = array<i32>} : memref<64x128xf32, #tpu.memory_space<vmem>>, vector<1x128xf32>,
    %mul3A_568 = arith.constant 2.000000e+00 : f32
    %mul3A_569 = vector.broadcast %mul3A_568 : f32 to vector<64x128xf32>
    %mul3A_570 = arith.mulf %mul3A_569, %min3A_33 : vector<64x128xf32>
    %mul3A_571 = arith.mulf %mul3A_570, %sub3A_552 : vector<64x128xf32>
    %sub3A_572 = arith.subf %mul3A_571, %sub3A_532 : vector<64x128xf32>
    %mul3A_573 = arith.mulf %mul3A_78, %sub3A_572 : vector<64x128xf32>
    %slice3A_574 = vector.extract_strided_slice %mul3A_573 {offsets = [0, 0], sizes = [32, 128], strides = [1, 1]} : vector<64x128xf32> to vector<32x128xf32>
    %reduce_sum3A_575 = arith.constant dense<0.000000e+00> : vector<128xf32>
    %reduce_sum3A_576 = vector.multi_reduction <add>, %slice3A_574, %reduce_sum3A_575 [0] : vector<32x128xf32> to vector<128xf32>
    %broadcast_in_dim3A_577 = vector.shape_cast %reduce_sum3A_576 : vector<128xf32> to vector<1x128xf32>
    %swap3A_578 = arith.constant 25 : index
    %swap3A_579 = arith.constant 0 : index
    %swap3A_580 = vector.load %arg14[%swap3A_578, %swap3A_579] : memref<64x128xf32, #tpu.memory_space<vmem>>, vector<1x128xf32>
    tpu.vector_store %arg14[%swap3A_578, %swap3A_579], %broadcast_in_dim3A_577 {strides = array<i32>} : memref<64x128xf32, #tpu.memory_space<vmem>>, vector<1x128xf32>,
    %slice3A_581 = vector.extract_strided_slice %mul3A_573 {offsets = [32, 0], sizes = [32, 128], strides = [1, 1]} : vector<64x128xf32> to vector<32x128xf32>
    %reduce_sum3A_582 = arith.constant dense<0.000000e+00> : vector<128xf32>
    %reduce_sum3A_583 = vector.multi_reduction <add>, %slice3A_581, %reduce_sum3A_582 [0] : vector<32x128xf32> to vector<128xf32>
    %broadcast_in_dim3A_584 = vector.shape_cast %reduce_sum3A_583 : vector<128xf32> to vector<1x128xf32>
    %swap3A_585 = arith.constant 57 : index
    %swap3A_586 = arith.constant 0 : index
    %swap3A_587 = vector.load %arg14[%swap3A_585, %swap3A_586] : memref<64x128xf32, #tpu.memory_space<vmem>>, vector<1x128xf32>
    tpu.vector_store %arg14[%swap3A_585, %swap3A_586], %broadcast_in_dim3A_584 {strides = array<i32>} : memref<64x128xf32, #tpu.memory_space<vmem>>, vector<1x128xf32>,
    %mul3A_588 = arith.constant 2.000000e+00 : f32
    %mul3A_589 = vector.broadcast %mul3A_588 : f32 to vector<64x128xf32>
    %mul3A_590 = arith.mulf %mul3A_589, %min3A_33 : vector<64x128xf32>
    %mul3A_591 = arith.mulf %mul3A_590, %sub3A_572 : vector<64x128xf32>
    %sub3A_592 = arith.subf %mul3A_591, %sub3A_552 : vector<64x128xf32>
    %mul3A_593 = arith.mulf %mul3A_78, %sub3A_592 : vector<64x128xf32>
    %slice3A_594 = vector.extract_strided_slice %mul3A_593 {offsets = [0, 0], sizes = [32, 128], strides = [1, 1]} : vector<64x128xf32> to vector<32x128xf32>
    %reduce_sum3A_595 = arith.constant dense<0.000000e+00> : vector<128xf32>
    %reduce_sum3A_596 = vector.multi_reduction <add>, %slice3A_594, %reduce_sum3A_595 [0] : vector<32x128xf32> to vector<128xf32>
    %broadcast_in_dim3A_597 = vector.shape_cast %reduce_sum3A_596 : vector<128xf32> to vector<1x128xf32>
    %swap3A_598 = arith.constant 26 : index
    %swap3A_599 = arith.constant 0 : index
    %swap3A_600 = vector.load %arg14[%swap3A_598, %swap3A_599] : memref<64x128xf32, #tpu.memory_space<vmem>>, vector<1x128xf32>
    tpu.vector_store %arg14[%swap3A_598, %swap3A_599], %broadcast_in_dim3A_597 {strides = array<i32>} : memref<64x128xf32, #tpu.memory_space<vmem>>, vector<1x128xf32>,
    %slice3A_601 = vector.extract_strided_slice %mul3A_593 {offsets = [32, 0], sizes = [32, 128], strides = [1, 1]} : vector<64x128xf32> to vector<32x128xf32>
    %reduce_sum3A_602 = arith.constant dense<0.000000e+00> : vector<128xf32>
    %reduce_sum3A_603 = vector.multi_reduction <add>, %slice3A_601, %reduce_sum3A_602 [0] : vector<32x128xf32> to vector<128xf32>
    %broadcast_in_dim3A_604 = vector.shape_cast %reduce_sum3A_603 : vector<128xf32> to vector<1x128xf32>
    %swap3A_605 = arith.constant 58 : index
    %swap3A_606 = arith.constant 0 : index
    %swap3A_607 = vector.load %arg14[%swap3A_605, %swap3A_606] : memref<64x128xf32, #tpu.memory_space<vmem>>, vector<1x128xf32>
    tpu.vector_store %arg14[%swap3A_605, %swap3A_606], %broadcast_in_dim3A_604 {strides = array<i32>} : memref<64x128xf32, #tpu.memory_space<vmem>>, vector<1x128xf32>,
    %mul3A_608 = arith.constant 2.000000e+00 : f32
    %mul3A_609 = vector.broadcast %mul3A_608 : f32 to vector<64x128xf32>
    %mul3A_610 = arith.mulf %mul3A_609, %min3A_33 : vector<64x128xf32>
    %mul3A_611 = arith.mulf %mul3A_610, %sub3A_592 : vector<64x128xf32>
    %sub3A_612 = arith.subf %mul3A_611, %sub3A_572 : vector<64x128xf32>
    %mul3A_613 = arith.mulf %mul3A_78, %sub3A_612 : vector<64x128xf32>
    %slice3A_614 = vector.extract_strided_slice %mul3A_613 {offsets = [0, 0], sizes = [32, 128], strides = [1, 1]} : vector<64x128xf32> to vector<32x128xf32>
    %reduce_sum3A_615 = arith.constant dense<0.000000e+00> : vector<128xf32>
    %reduce_sum3A_616 = vector.multi_reduction <add>, %slice3A_614, %reduce_sum3A_615 [0] : vector<32x128xf32> to vector<128xf32>
    %broadcast_in_dim3A_617 = vector.shape_cast %reduce_sum3A_616 : vector<128xf32> to vector<1x128xf32>
    %swap3A_618 = arith.constant 27 : index
    %swap3A_619 = arith.constant 0 : index
    %swap3A_620 = vector.load %arg14[%swap3A_618, %swap3A_619] : memref<64x128xf32, #tpu.memory_space<vmem>>, vector<1x128xf32>
    tpu.vector_store %arg14[%swap3A_618, %swap3A_619], %broadcast_in_dim3A_617 {strides = array<i32>} : memref<64x128xf32, #tpu.memory_space<vmem>>, vector<1x128xf32>,
    %slice3A_621 = vector.extract_strided_slice %mul3A_613 {offsets = [32, 0], sizes = [32, 128], strides = [1, 1]} : vector<64x128xf32> to vector<32x128xf32>
    %reduce_sum3A_622 = arith.constant dense<0.000000e+00> : vector<128xf32>
    %reduce_sum3A_623 = vector.multi_reduction <add>, %slice3A_621, %reduce_sum3A_622 [0] : vector<32x128xf32> to vector<128xf32>
    %broadcast_in_dim3A_624 = vector.shape_cast %reduce_sum3A_623 : vector<128xf32> to vector<1x128xf32>
    %swap3A_625 = arith.constant 59 : index
    %swap3A_626 = arith.constant 0 : index
    %swap3A_627 = vector.load %arg14[%swap3A_625, %swap3A_626] : memref<64x128xf32, #tpu.memory_space<vmem>>, vector<1x128xf32>
    tpu.vector_store %arg14[%swap3A_625, %swap3A_626], %broadcast_in_dim3A_624 {strides = array<i32>} : memref<64x128xf32, #tpu.memory_space<vmem>>, vector<1x128xf32>,
    %mul3A_628 = arith.constant 2.000000e+00 : f32
    %mul3A_629 = vector.broadcast %mul3A_628 : f32 to vector<64x128xf32>
    %mul3A_630 = arith.mulf %mul3A_629, %min3A_33 : vector<64x128xf32>
    %mul3A_631 = arith.mulf %mul3A_630, %sub3A_612 : vector<64x128xf32>
    %sub3A_632 = arith.subf %mul3A_631, %sub3A_592 : vector<64x128xf32>
    %mul3A_633 = arith.mulf %mul3A_78, %sub3A_632 : vector<64x128xf32>
    %slice3A_634 = vector.extract_strided_slice %mul3A_633 {offsets = [0, 0], sizes = [32, 128], strides = [1, 1]} : vector<64x128xf32> to vector<32x128xf32>
    %reduce_sum3A_635 = arith.constant dense<0.000000e+00> : vector<128xf32>
    %reduce_sum3A_636 = vector.multi_reduction <add>, %slice3A_634, %reduce_sum3A_635 [0] : vector<32x128xf32> to vector<128xf32>
    %broadcast_in_dim3A_637 = vector.shape_cast %reduce_sum3A_636 : vector<128xf32> to vector<1x128xf32>
    %swap3A_638 = arith.constant 28 : index
    %swap3A_639 = arith.constant 0 : index
    %swap3A_640 = vector.load %arg14[%swap3A_638, %swap3A_639] : memref<64x128xf32, #tpu.memory_space<vmem>>, vector<1x128xf32>
    tpu.vector_store %arg14[%swap3A_638, %swap3A_639], %broadcast_in_dim3A_637 {strides = array<i32>} : memref<64x128xf32, #tpu.memory_space<vmem>>, vector<1x128xf32>,
    %slice3A_641 = vector.extract_strided_slice %mul3A_633 {offsets = [32, 0], sizes = [32, 128], strides = [1, 1]} : vector<64x128xf32> to vector<32x128xf32>
    %reduce_sum3A_642 = arith.constant dense<0.000000e+00> : vector<128xf32>
    %reduce_sum3A_643 = vector.multi_reduction <add>, %slice3A_641, %reduce_sum3A_642 [0] : vector<32x128xf32> to vector<128xf32>
    %broadcast_in_dim3A_644 = vector.shape_cast %reduce_sum3A_643 : vector<128xf32> to vector<1x128xf32>
    %swap3A_645 = arith.constant 60 : index
    %swap3A_646 = arith.constant 0 : index
    %swap3A_647 = vector.load %arg14[%swap3A_645, %swap3A_646] : memref<64x128xf32, #tpu.memory_space<vmem>>, vector<1x128xf32>
    tpu.vector_store %arg14[%swap3A_645, %swap3A_646], %broadcast_in_dim3A_644 {strides = array<i32>} : memref<64x128xf32, #tpu.memory_space<vmem>>, vector<1x128xf32>,
    %mul3A_648 = arith.constant 2.000000e+00 : f32
    %mul3A_649 = vector.broadcast %mul3A_648 : f32 to vector<64x128xf32>
    %mul3A_650 = arith.mulf %mul3A_649, %min3A_33 : vector<64x128xf32>
    %mul3A_651 = arith.mulf %mul3A_650, %sub3A_632 : vector<64x128xf32>
    %sub3A_652 = arith.subf %mul3A_651, %sub3A_612 : vector<64x128xf32>
    %mul3A_653 = arith.mulf %mul3A_78, %sub3A_652 : vector<64x128xf32>
    %slice3A_654 = vector.extract_strided_slice %mul3A_653 {offsets = [0, 0], sizes = [32, 128], strides = [1, 1]} : vector<64x128xf32> to vector<32x128xf32>
    %reduce_sum3A_655 = arith.constant dense<0.000000e+00> : vector<128xf32>
    %reduce_sum3A_656 = vector.multi_reduction <add>, %slice3A_654, %reduce_sum3A_655 [0] : vector<32x128xf32> to vector<128xf32>
    %broadcast_in_dim3A_657 = vector.shape_cast %reduce_sum3A_656 : vector<128xf32> to vector<1x128xf32>
    %swap3A_658 = arith.constant 29 : index
    %swap3A_659 = arith.constant 0 : index
    %swap3A_660 = vector.load %arg14[%swap3A_658, %swap3A_659] : memref<64x128xf32, #tpu.memory_space<vmem>>, vector<1x128xf32>
    tpu.vector_store %arg14[%swap3A_658, %swap3A_659], %broadcast_in_dim3A_657 {strides = array<i32>} : memref<64x128xf32, #tpu.memory_space<vmem>>, vector<1x128xf32>,
    %slice3A_661 = vector.extract_strided_slice %mul3A_653 {offsets = [32, 0], sizes = [32, 128], strides = [1, 1]} : vector<64x128xf32> to vector<32x128xf32>
    %reduce_sum3A_662 = arith.constant dense<0.000000e+00> : vector<128xf32>
    %reduce_sum3A_663 = vector.multi_reduction <add>, %slice3A_661, %reduce_sum3A_662 [0] : vector<32x128xf32> to vector<128xf32>
    %broadcast_in_dim3A_664 = vector.shape_cast %reduce_sum3A_663 : vector<128xf32> to vector<1x128xf32>
    %swap3A_665 = arith.constant 61 : index
    %swap3A_666 = arith.constant 0 : index
    %swap3A_667 = vector.load %arg14[%swap3A_665, %swap3A_666] : memref<64x128xf32, #tpu.memory_space<vmem>>, vector<1x128xf32>
    tpu.vector_store %arg14[%swap3A_665, %swap3A_666], %broadcast_in_dim3A_664 {strides = array<i32>} : memref<64x128xf32, #tpu.memory_space<vmem>>, vector<1x128xf32>,
    %mul3A_668 = arith.constant 2.000000e+00 : f32
    %mul3A_669 = vector.broadcast %mul3A_668 : f32 to vector<64x128xf32>
    %mul3A_670 = arith.mulf %mul3A_669, %min3A_33 : vector<64x128xf32>
    %mul3A_671 = arith.mulf %mul3A_670, %sub3A_652 : vector<64x128xf32>
    %sub3A_672 = arith.subf %mul3A_671, %sub3A_632 : vector<64x128xf32>
    %mul3A_673 = arith.mulf %mul3A_78, %sub3A_672 : vector<64x128xf32>
    %slice3A_674 = vector.extract_strided_slice %mul3A_673 {offsets = [0, 0], sizes = [32, 128], strides = [1, 1]} : vector<64x128xf32> to vector<32x128xf32>
    %reduce_sum3A_675 = arith.constant dense<0.000000e+00> : vector<128xf32>
    %reduce_sum3A_676 = vector.multi_reduction <add>, %slice3A_674, %reduce_sum3A_675 [0] : vector<32x128xf32> to vector<128xf32>
    %broadcast_in_dim3A_677 = vector.shape_cast %reduce_sum3A_676 : vector<128xf32> to vector<1x128xf32>
    %swap3A_678 = arith.constant 30 : index
    %swap3A_679 = arith.constant 0 : index
    %swap3A_680 = vector.load %arg14[%swap3A_678, %swap3A_679] : memref<64x128xf32, #tpu.memory_space<vmem>>, vector<1x128xf32>
    tpu.vector_store %arg14[%swap3A_678, %swap3A_679], %broadcast_in_dim3A_677 {strides = array<i32>} : memref<64x128xf32, #tpu.memory_space<vmem>>, vector<1x128xf32>,
    %slice3A_681 = vector.extract_strided_slice %mul3A_673 {offsets = [32, 0], sizes = [32, 128], strides = [1, 1]} : vector<64x128xf32> to vector<32x128xf32>
    %reduce_sum3A_682 = arith.constant dense<0.000000e+00> : vector<128xf32>
    %reduce_sum3A_683 = vector.multi_reduction <add>, %slice3A_681, %reduce_sum3A_682 [0] : vector<32x128xf32> to vector<128xf32>
    %broadcast_in_dim3A_684 = vector.shape_cast %reduce_sum3A_683 : vector<128xf32> to vector<1x128xf32>
    %swap3A_685 = arith.constant 62 : index
    %swap3A_686 = arith.constant 0 : index
    %swap3A_687 = vector.load %arg14[%swap3A_685, %swap3A_686] : memref<64x128xf32, #tpu.memory_space<vmem>>, vector<1x128xf32>
    tpu.vector_store %arg14[%swap3A_685, %swap3A_686], %broadcast_in_dim3A_684 {strides = array<i32>} : memref<64x128xf32, #tpu.memory_space<vmem>>, vector<1x128xf32>,
    %mul3A_688 = arith.constant 2.000000e+00 : f32
    %mul3A_689 = vector.broadcast %mul3A_688 : f32 to vector<64x128xf32>
    %mul3A_690 = arith.mulf %mul3A_689, %min3A_33 : vector<64x128xf32>
    %mul3A_691 = arith.mulf %mul3A_690, %sub3A_672 : vector<64x128xf32>
    %sub3A_692 = arith.subf %mul3A_691, %sub3A_652 : vector<64x128xf32>
    %mul3A_693 = arith.mulf %mul3A_78, %sub3A_692 : vector<64x128xf32>
    %slice3A_694 = vector.extract_strided_slice %mul3A_693 {offsets = [0, 0], sizes = [32, 128], strides = [1, 1]} : vector<64x128xf32> to vector<32x128xf32>
    %reduce_sum3A_695 = arith.constant dense<0.000000e+00> : vector<128xf32>
    %reduce_sum3A_696 = vector.multi_reduction <add>, %slice3A_694, %reduce_sum3A_695 [0] : vector<32x128xf32> to vector<128xf32>
    %broadcast_in_dim3A_697 = vector.shape_cast %reduce_sum3A_696 : vector<128xf32> to vector<1x128xf32>
    %swap3A_698 = arith.constant 31 : index
    %swap3A_699 = arith.constant 0 : index
    %swap3A_700 = vector.load %arg14[%swap3A_698, %swap3A_699] : memref<64x128xf32, #tpu.memory_space<vmem>>, vector<1x128xf32>
    tpu.vector_store %arg14[%swap3A_698, %swap3A_699], %broadcast_in_dim3A_697 {strides = array<i32>} : memref<64x128xf32, #tpu.memory_space<vmem>>, vector<1x128xf32>,
    %slice3A_701 = vector.extract_strided_slice %mul3A_693 {offsets = [32, 0], sizes = [32, 128], strides = [1, 1]} : vector<64x128xf32> to vector<32x128xf32>
    %reduce_sum3A_702 = arith.constant dense<0.000000e+00> : vector<128xf32>
    %reduce_sum3A_703 = vector.multi_reduction <add>, %slice3A_701, %reduce_sum3A_702 [0] : vector<32x128xf32> to vector<128xf32>
    %broadcast_in_dim3A_704 = vector.shape_cast %reduce_sum3A_703 : vector<128xf32> to vector<1x128xf32>
    %swap3A_705 = arith.constant 63 : index
    %swap3A_706 = arith.constant 0 : index
    %swap3A_707 = vector.load %arg14[%swap3A_705, %swap3A_706] : memref<64x128xf32, #tpu.memory_space<vmem>>, vector<1x128xf32>
    tpu.vector_store %arg14[%swap3A_705, %swap3A_706], %broadcast_in_dim3A_704 {strides = array<i32>} : memref<64x128xf32, #tpu.memory_space<vmem>>, vector<1x128xf32>,
    %get3A_708 = arith.constant 0 : index
    %get3A_709 = arith.constant 8 : index
    %get3A_710 = vector.load %arg9[%get3A_708, %get3A_709] : memref<64x128xf32, #tpu.memory_space<vmem>>, vector<64x1xf32>
    %broadcast_in_dim3A_711 = vector.shape_cast %get3A_710 : vector<64x1xf32> to vector<64x1xf32>
    %broadcast_in_dim3A_712 = vector.broadcast %broadcast_in_dim3A_711 : vector<64x1xf32> to vector<64x128xf32>
    %get3A_713 = arith.constant 0 : index
    %get3A_714 = arith.constant 9 : index
    %get3A_715 = vector.load %arg9[%get3A_713, %get3A_714] : memref<64x128xf32, #tpu.memory_space<vmem>>, vector<64x1xf32>
    %broadcast_in_dim3A_716 = vector.shape_cast %get3A_715 : vector<64x1xf32> to vector<64x1xf32>
    %broadcast_in_dim3A_717 = vector.broadcast %broadcast_in_dim3A_716 : vector<64x1xf32> to vector<64x128xf32>
    %get3A_718 = arith.constant 0 : index
    %get3A_719 = arith.constant 0 : index
    %get3A_720 = vector.load %arg14[%get3A_718, %get3A_719] : memref<64x128xf32, #tpu.memory_space<vmem>>, vector<64x128xf32>
    %sub3A_721 = arith.subf %get3A_720, %broadcast_in_dim3A_712 : vector<64x128xf32>
    %mul3A_722 = arith.mulf %sub3A_721, %broadcast_in_dim3A_717 : vector<64x128xf32>
    %get3A_723 = arith.constant 0 : index
    %get3A_724 = arith.constant 0 : index
    %get3A_725 = vector.load %arg2[%get3A_723, %get3A_724] : memref<8x128xi32, #tpu.memory_space<vmem>>, vector<1x128xi32>
    %iota3A_726 = tpu.iota {dimensions = array<i32: 0>} : vector<128x128xi32>
    %ge3A = arith.constant 64 : i32
    %ge3A_727 = vector.broadcast %ge3A : i32 to vector<128x128xi32>
    %ge3A_728 = arith.cmpi sge, %iota3A_726, %ge3A_727 : vector<128x128xi32>
    %convert_element_type3A_729 = arith.extui %ge3A_728 : vector<128x128xi1> to vector<128x128xi32>
    %broadcast_in_dim3A_730 = vector.shape_cast %get3A_725 : vector<1x128xi32> to vector<1x128xi32>
    %broadcast_in_dim3A_731 = vector.broadcast %broadcast_in_dim3A_730 : vector<1x128xi32> to vector<128x128xi32>
    %eq3A = arith.cmpi eq, %broadcast_in_dim3A_731, %convert_element_type3A_729 : vector<128x128xi32>
    %convert_element_type3A_732 = arith.extui %eq3A : vector<128x128xi1> to vector<128x128xi32>
    %convert_element_type3A_733 = arith.sitofp %convert_element_type3A_732 : vector<128x128xi32> to vector<128x128xf32>
    %get3A_734 = arith.constant 0 : index
    %get3A_735 = arith.constant 0 : index
    %get3A_736 = vector.load %arg8[%get3A_734, %get3A_735] : memref<128x8xf32, #tpu.memory_space<vmem>>, vector<128x1xf32>
    %broadcast_in_dim3A_737 = vector.shape_cast %get3A_736 : vector<128x1xf32> to vector<128x1xf32>
    %broadcast_in_dim3A_738 = vector.broadcast %broadcast_in_dim3A_737 : vector<128x1xf32> to vector<128x128xf32>
    %get3A_739 = arith.constant 0 : index
    %get3A_740 = arith.constant 1 : index
    %get3A_741 = vector.load %arg8[%get3A_739, %get3A_740] : memref<128x8xf32, #tpu.memory_space<vmem>>, vector<128x1xf32>
    %broadcast_in_dim3A_742 = vector.shape_cast %get3A_741 : vector<128x1xf32> to vector<128x1xf32>
    %broadcast_in_dim3A_743 = vector.broadcast %broadcast_in_dim3A_742 : vector<128x1xf32> to vector<128x128xf32>
    %get3A_744 = arith.constant 0 : index
    %get3A_745 = arith.constant 2 : index
    %get3A_746 = vector.load %arg8[%get3A_744, %get3A_745] : memref<128x8xf32, #tpu.memory_space<vmem>>, vector<128x1xf32>
    %broadcast_in_dim3A_747 = vector.shape_cast %get3A_746 : vector<128x1xf32> to vector<128x1xf32>
    %broadcast_in_dim3A_748 = vector.broadcast %broadcast_in_dim3A_747 : vector<128x1xf32> to vector<128x128xf32>
    %get3A_749 = arith.constant 0 : index
    %get3A_750 = arith.constant 0 : index
    %get3A_751 = vector.load %arg4[%get3A_749, %get3A_750] : memref<128x64xf32, #tpu.memory_space<vmem>>, vector<128x64xf32>
    %dot_general3A = arith.constant dense<0.000000e+00> : vector<128x128xf32>
    %dot_general3A_752 = tpu.matmul %get3A_751, %mul3A_722, %dot_general3A {dimension_numbers = #tpu.dot_dimension_numbers<[1], [0], [0], [1], [0, 0, 1, 1], [], []>, transpose_lhs_hint = false} : vector<128x64xf32>, vector<64x128xf32>, vector<128x128xf32> -> vector<128x128xf32>
    %add3A_753 = arith.addf %dot_general3A_752, %broadcast_in_dim3A_738 : vector<128x128xf32>
    %tanh3A = math.tanh %add3A_753 : vector<128x128xf32>
    %get3A_754 = arith.constant 0 : index
    %get3A_755 = arith.constant 0 : index
    %get3A_756 = vector.load %arg5[%get3A_754, %get3A_755] : memref<128x128xf32, #tpu.memory_space<vmem>>, vector<128x128xf32>
    %dot_general3A_757 = arith.constant dense<0.000000e+00> : vector<128x128xf32>
    %dot_general3A_758 = tpu.matmul %get3A_756, %tanh3A, %dot_general3A_757 {dimension_numbers = #tpu.dot_dimension_numbers<[1], [0], [0], [1], [0, 0, 1, 1], [], []>, transpose_lhs_hint = false} : vector<128x128xf32>, vector<128x128xf32>, vector<128x128xf32> -> vector<128x128xf32>
    %add3A_759 = arith.addf %dot_general3A_758, %broadcast_in_dim3A_743 : vector<128x128xf32>
    %tanh3A_760 = math.tanh %add3A_759 : vector<128x128xf32>
    %add3A_761 = arith.addf %tanh3A_760, %tanh3A : vector<128x128xf32>
    %mul3A_762 = arith.mulf %broadcast_in_dim3A_748, %convert_element_type3A_733 : vector<128x128xf32>
    %get3A_763 = arith.constant 0 : index
    %get3A_764 = arith.constant 3 : index
    %get3A_765 = vector.load %arg8[%get3A_763, %get3A_764] : memref<128x8xf32, #tpu.memory_space<vmem>>, vector<1x1xf32>
    %broadcast_in_dim3A_766 = vector.shape_cast %get3A_765 : vector<1x1xf32> to vector<1x1xf32>
    %broadcast_in_dim3A_767 = vector.broadcast %broadcast_in_dim3A_766 : vector<1x1xf32> to vector<1x128xf32>
    %get3A_768 = arith.constant 1 : index
    %get3A_769 = arith.constant 3 : index
    %get3A_770 = vector.load %arg8[%get3A_768, %get3A_769] : memref<128x8xf32, #tpu.memory_space<vmem>>, vector<1x1xf32>
    %broadcast_in_dim3A_771 = vector.shape_cast %get3A_770 : vector<1x1xf32> to vector<1x1xf32>
    %broadcast_in_dim3A_772 = vector.broadcast %broadcast_in_dim3A_771 : vector<1x1xf32> to vector<1x128xf32>
    %mul3A_773 = arith.mulf %mul3A_762, %add3A_761 : vector<128x128xf32>
    %reduce_sum3A_774 = arith.constant dense<0.000000e+00> : vector<128xf32>
    %reduce_sum3A_775 = vector.multi_reduction <add>, %mul3A_773, %reduce_sum3A_774 [0] : vector<128x128xf32> to vector<128xf32>
    %broadcast_in_dim3A_776 = vector.shape_cast %reduce_sum3A_775 : vector<128xf32> to vector<1x128xf32>
    %eq3A_777 = arith.constant 0 : i32
    %eq3A_778 = vector.broadcast %eq3A_777 : i32 to vector<1x128xi32>
    %eq3A_779 = arith.cmpi eq, %get3A_725, %eq3A_778 : vector<1x128xi32>
    %select_n3A_780 = arith.select %eq3A_779, %broadcast_in_dim3A_767, %broadcast_in_dim3A_772 : vector<1x128xi1>, vector<1x128xf32>
    %add3A_781 = arith.addf %broadcast_in_dim3A_776, %select_n3A_780 : vector<1x128xf32>
    %mul3A_782 = arith.mulf %tanh3A_760, %tanh3A_760 : vector<128x128xf32>
    %sub3A_783 = arith.constant 1.000000e+00 : f32
    %sub3A_784 = vector.broadcast %sub3A_783 : f32 to vector<128x128xf32>
    %sub3A_785 = arith.subf %sub3A_784, %mul3A_782 : vector<128x128xf32>
    %mul3A_786 = arith.mulf %mul3A_762, %sub3A_785 : vector<128x128xf32>
    %get3A_787 = arith.constant 0 : index
    %get3A_788 = arith.constant 0 : index
    %get3A_789 = vector.load %arg6[%get3A_787, %get3A_788] : memref<128x128xf32, #tpu.memory_space<vmem>>, vector<128x128xf32>
    %dot_general3A_790 = arith.constant dense<0.000000e+00> : vector<128x128xf32>
    %dot_general3A_791 = tpu.matmul %get3A_789, %mul3A_786, %dot_general3A_790 {dimension_numbers = #tpu.dot_dimension_numbers<[1], [0], [0], [1], [0, 0, 1, 1], [], []>, transpose_lhs_hint = false} : vector<128x128xf32>, vector<128x128xf32>, vector<128x128xf32> -> vector<128x128xf32>
    %add3A_792 = arith.addf %mul3A_762, %dot_general3A_791 : vector<128x128xf32>
    %mul3A_793 = arith.mulf %tanh3A, %tanh3A : vector<128x128xf32>
    %sub3A_794 = arith.constant 1.000000e+00 : f32
    %sub3A_795 = vector.broadcast %sub3A_794 : f32 to vector<128x128xf32>
    %sub3A_796 = arith.subf %sub3A_795, %mul3A_793 : vector<128x128xf32>
    %mul3A_797 = arith.mulf %add3A_792, %sub3A_796 : vector<128x128xf32>
    %get3A_798 = arith.constant 0 : index
    %get3A_799 = arith.constant 0 : index
    %get3A_800 = vector.load %arg7[%get3A_798, %get3A_799] : memref<64x128xf32, #tpu.memory_space<vmem>>, vector<64x128xf32>
    %dot_general3A_801 = arith.constant dense<0.000000e+00> : vector<64x128xf32>
    %dot_general3A_802 = tpu.matmul %get3A_800, %mul3A_797, %dot_general3A_801 {dimension_numbers = #tpu.dot_dimension_numbers<[1], [0], [0], [1], [0, 0, 1, 1], [], []>, transpose_lhs_hint = false} : vector<64x128xf32>, vector<128x128xf32>, vector<64x128xf32> -> vector<64x128xf32>
    %mul3A_803 = arith.mulf %dot_general3A_802, %broadcast_in_dim3A_717 : vector<64x128xf32>
    %iota3A_804 = tpu.iota {dimensions = array<i32: 1>} : vector<1x128xi32>
    %mul3A_805 = arith.constant 128 : i32
    %mul3A_806 = arith.muli %arg0, %mul3A_805 : i32
    %add3A_807 = vector.broadcast %mul3A_806 : i32 to vector<1x128xi32>
    %add3A_808 = arith.addi %add3A_807, %iota3A_804 : vector<1x128xi32>
    %lt3A_809 = arith.constant 10000 : i32
    %lt3A_810 = vector.broadcast %lt3A_809 : i32 to vector<1x128xi32>
    %lt3A_811 = arith.cmpi slt, %add3A_808, %lt3A_810 : vector<1x128xi32>
    %convert_element_type3A_812 = arith.extui %lt3A_811 : vector<1x128xi1> to vector<1x128xi32>
    %convert_element_type3A_813 = arith.sitofp %convert_element_type3A_812 : vector<1x128xi32> to vector<1x128xf32>
    %mul3A_814 = arith.mulf %add3A_781, %convert_element_type3A_813 : vector<1x128xf32>
    %broadcast_in_dim3A_815 = arith.constant 0.000000e+00 : f32
    %broadcast_in_dim3A_816 = vector.broadcast %broadcast_in_dim3A_815 : f32 to vector<64x128xf32>
    %broadcast_in_dim3A_817 = arith.constant 0.000000e+00 : f32
    %broadcast_in_dim3A_818 = vector.broadcast %broadcast_in_dim3A_817 : f32 to vector<64x128xf32>
    %broadcast_in_dim3A_819 = arith.constant 1.000000e+00 : f32
    %broadcast_in_dim3A_820 = vector.broadcast %broadcast_in_dim3A_819 : f32 to vector<64x128xf32>
    %broadcast_in_dim3A_821 = arith.constant 0.000000e+00 : f32
    %broadcast_in_dim3A_822 = vector.broadcast %broadcast_in_dim3A_821 : f32 to vector<64x128xf32>
    %slice3A_823 = vector.extract_strided_slice %mul3A_803 {offsets = [0, 0], sizes = [1, 128], strides = [1, 1]} : vector<64x128xf32> to vector<1x128xf32>
    %broadcast_in_dim3A_824 = vector.shape_cast %slice3A_823 : vector<1x128xf32> to vector<1x128xf32>
    %broadcast_in_dim3A_825 = vector.broadcast %broadcast_in_dim3A_824 : vector<1x128xf32> to vector<64x128xf32>
    %slice3A_826 = vector.extract_strided_slice %mul3A_803 {offsets = [32, 0], sizes = [1, 128], strides = [1, 1]} : vector<64x128xf32> to vector<1x128xf32>
    %broadcast_in_dim3A_827 = vector.shape_cast %slice3A_826 : vector<1x128xf32> to vector<1x128xf32>
    %broadcast_in_dim3A_828 = vector.broadcast %broadcast_in_dim3A_827 : vector<1x128xf32> to vector<64x128xf32>
    %lt3A_829 = arith.constant 32 : i32
    %lt3A_830 = vector.broadcast %lt3A_829 : i32 to vector<64x128xi32>
    %lt3A_831 = arith.cmpi slt, %iota3A, %lt3A_830 : vector<64x128xi32>
    %select_n3A_832 = arith.select %lt3A_831, %broadcast_in_dim3A_825, %broadcast_in_dim3A_828 : vector<64x128xi1>, vector<64x128xf32>
    %mul3A_833 = arith.mulf %select_n3A_832, %broadcast_in_dim3A_820 : vector<64x128xf32>
    %add3A_834 = arith.addf %broadcast_in_dim3A_816, %mul3A_833 : vector<64x128xf32>
    %mul3A_835 = arith.mulf %select_n3A_832, %broadcast_in_dim3A_822 : vector<64x128xf32>
    %add3A_836 = arith.addf %broadcast_in_dim3A_818, %mul3A_835 : vector<64x128xf32>
    %broadcast_in_dim3A_837 = arith.constant 1.000000e+00 : f32
    %broadcast_in_dim3A_838 = vector.broadcast %broadcast_in_dim3A_837 : f32 to vector<64x128xf32>
    %slice3A_839 = vector.extract_strided_slice %mul3A_803 {offsets = [1, 0], sizes = [1, 128], strides = [1, 1]} : vector<64x128xf32> to vector<1x128xf32>
    %broadcast_in_dim3A_840 = vector.shape_cast %slice3A_839 : vector<1x128xf32> to vector<1x128xf32>
    %broadcast_in_dim3A_841 = vector.broadcast %broadcast_in_dim3A_840 : vector<1x128xf32> to vector<64x128xf32>
    %slice3A_842 = vector.extract_strided_slice %mul3A_803 {offsets = [33, 0], sizes = [1, 128], strides = [1, 1]} : vector<64x128xf32> to vector<1x128xf32>
    %broadcast_in_dim3A_843 = vector.shape_cast %slice3A_842 : vector<1x128xf32> to vector<1x128xf32>
    %broadcast_in_dim3A_844 = vector.broadcast %broadcast_in_dim3A_843 : vector<1x128xf32> to vector<64x128xf32>
    %lt3A_845 = arith.constant 32 : i32
    %lt3A_846 = vector.broadcast %lt3A_845 : i32 to vector<64x128xi32>
    %lt3A_847 = arith.cmpi slt, %iota3A, %lt3A_846 : vector<64x128xi32>
    %select_n3A_848 = arith.select %lt3A_847, %broadcast_in_dim3A_841, %broadcast_in_dim3A_844 : vector<64x128xi1>, vector<64x128xf32>
    %mul3A_849 = arith.mulf %select_n3A_848, %min3A_33 : vector<64x128xf32>
    %add3A_850 = arith.addf %add3A_834, %mul3A_849 : vector<64x128xf32>
    %mul3A_851 = arith.mulf %select_n3A_848, %broadcast_in_dim3A_838 : vector<64x128xf32>
    %add3A_852 = arith.addf %add3A_836, %mul3A_851 : vector<64x128xf32>
    %mul3A_853 = arith.constant 2.000000e+00 : f32
    %mul3A_854 = vector.broadcast %mul3A_853 : f32 to vector<64x128xf32>
    %mul3A_855 = arith.mulf %mul3A_854, %min3A_33 : vector<64x128xf32>
    %mul3A_856 = arith.mulf %mul3A_855, %min3A_33 : vector<64x128xf32>
    %sub3A_857 = arith.subf %mul3A_856, %broadcast_in_dim3A_820 : vector<64x128xf32>
    %mul3A_858 = arith.constant 2.000000e+00 : f32
    %mul3A_859 = vector.broadcast %mul3A_858 : f32 to vector<64x128xf32>
    %mul3A_860 = arith.mulf %mul3A_859, %min3A_33 : vector<64x128xf32>
    %mul3A_861 = arith.constant 2.000000e+00 : f32
    %mul3A_862 = vector.broadcast %mul3A_861 : f32 to vector<64x128xf32>
    %mul3A_863 = arith.mulf %mul3A_862, %min3A_33 : vector<64x128xf32>
    %mul3A_864 = arith.mulf %mul3A_863, %broadcast_in_dim3A_838 : vector<64x128xf32>
    %add3A_865 = arith.addf %mul3A_860, %mul3A_864 : vector<64x128xf32>
    %sub3A_866 = arith.subf %add3A_865, %broadcast_in_dim3A_822 : vector<64x128xf32>
    %slice3A_867 = vector.extract_strided_slice %mul3A_803 {offsets = [2, 0], sizes = [1, 128], strides = [1, 1]} : vector<64x128xf32> to vector<1x128xf32>
    %broadcast_in_dim3A_868 = vector.shape_cast %slice3A_867 : vector<1x128xf32> to vector<1x128xf32>
    %broadcast_in_dim3A_869 = vector.broadcast %broadcast_in_dim3A_868 : vector<1x128xf32> to vector<64x128xf32>
    %slice3A_870 = vector.extract_strided_slice %mul3A_803 {offsets = [34, 0], sizes = [1, 128], strides = [1, 1]} : vector<64x128xf32> to vector<1x128xf32>
    %broadcast_in_dim3A_871 = vector.shape_cast %slice3A_870 : vector<1x128xf32> to vector<1x128xf32>
    %broadcast_in_dim3A_872 = vector.broadcast %broadcast_in_dim3A_871 : vector<1x128xf32> to vector<64x128xf32>
    %lt3A_873 = arith.constant 32 : i32
    %lt3A_874 = vector.broadcast %lt3A_873 : i32 to vector<64x128xi32>
    %lt3A_875 = arith.cmpi slt, %iota3A, %lt3A_874 : vector<64x128xi32>
    %select_n3A_876 = arith.select %lt3A_875, %broadcast_in_dim3A_869, %broadcast_in_dim3A_872 : vector<64x128xi1>, vector<64x128xf32>
    %mul3A_877 = arith.mulf %select_n3A_876, %sub3A_857 : vector<64x128xf32>
    %add3A_878 = arith.addf %add3A_850, %mul3A_877 : vector<64x128xf32>
    %mul3A_879 = arith.mulf %select_n3A_876, %sub3A_866 : vector<64x128xf32>
    %add3A_880 = arith.addf %add3A_852, %mul3A_879 : vector<64x128xf32>
    %mul3A_881 = arith.constant 2.000000e+00 : f32
    %mul3A_882 = vector.broadcast %mul3A_881 : f32 to vector<64x128xf32>
    %mul3A_883 = arith.mulf %mul3A_882, %min3A_33 : vector<64x128xf32>
    %mul3A_884 = arith.mulf %mul3A_883, %sub3A_857 : vector<64x128xf32>
    %sub3A_885 = arith.subf %mul3A_884, %min3A_33 : vector<64x128xf32>
    %mul3A_886 = arith.constant 2.000000e+00 : f32
    %mul3A_887 = vector.broadcast %mul3A_886 : f32 to vector<64x128xf32>
    %mul3A_888 = arith.mulf %mul3A_887, %sub3A_857 : vector<64x128xf32>
    %mul3A_889 = arith.constant 2.000000e+00 : f32
    %mul3A_890 = vector.broadcast %mul3A_889 : f32 to vector<64x128xf32>
    %mul3A_891 = arith.mulf %mul3A_890, %min3A_33 : vector<64x128xf32>
    %mul3A_892 = arith.mulf %mul3A_891, %sub3A_866 : vector<64x128xf32>
    %add3A_893 = arith.addf %mul3A_888, %mul3A_892 : vector<64x128xf32>
    %sub3A_894 = arith.subf %add3A_893, %broadcast_in_dim3A_838 : vector<64x128xf32>
    %slice3A_895 = vector.extract_strided_slice %mul3A_803 {offsets = [3, 0], sizes = [1, 128], strides = [1, 1]} : vector<64x128xf32> to vector<1x128xf32>
    %broadcast_in_dim3A_896 = vector.shape_cast %slice3A_895 : vector<1x128xf32> to vector<1x128xf32>
    %broadcast_in_dim3A_897 = vector.broadcast %broadcast_in_dim3A_896 : vector<1x128xf32> to vector<64x128xf32>
    %slice3A_898 = vector.extract_strided_slice %mul3A_803 {offsets = [35, 0], sizes = [1, 128], strides = [1, 1]} : vector<64x128xf32> to vector<1x128xf32>
    %broadcast_in_dim3A_899 = vector.shape_cast %slice3A_898 : vector<1x128xf32> to vector<1x128xf32>
    %broadcast_in_dim3A_900 = vector.broadcast %broadcast_in_dim3A_899 : vector<1x128xf32> to vector<64x128xf32>
    %lt3A_901 = arith.constant 32 : i32
    %lt3A_902 = vector.broadcast %lt3A_901 : i32 to vector<64x128xi32>
    %lt3A_903 = arith.cmpi slt, %iota3A, %lt3A_902 : vector<64x128xi32>
    %select_n3A_904 = arith.select %lt3A_903, %broadcast_in_dim3A_897, %broadcast_in_dim3A_900 : vector<64x128xi1>, vector<64x128xf32>
    %mul3A_905 = arith.mulf %select_n3A_904, %sub3A_885 : vector<64x128xf32>
    %add3A_906 = arith.addf %add3A_878, %mul3A_905 : vector<64x128xf32>
    %mul3A_907 = arith.mulf %select_n3A_904, %sub3A_894 : vector<64x128xf32>
    %add3A_908 = arith.addf %add3A_880, %mul3A_907 : vector<64x128xf32>
    %mul3A_909 = arith.constant 2.000000e+00 : f32
    %mul3A_910 = vector.broadcast %mul3A_909 : f32 to vector<64x128xf32>
    %mul3A_911 = arith.mulf %mul3A_910, %min3A_33 : vector<64x128xf32>
    %mul3A_912 = arith.mulf %mul3A_911, %sub3A_885 : vector<64x128xf32>
    %sub3A_913 = arith.subf %mul3A_912, %sub3A_857 : vector<64x128xf32>
    %mul3A_914 = arith.constant 2.000000e+00 : f32
    %mul3A_915 = vector.broadcast %mul3A_914 : f32 to vector<64x128xf32>
    %mul3A_916 = arith.mulf %mul3A_915, %sub3A_885 : vector<64x128xf32>
    %mul3A_917 = arith.constant 2.000000e+00 : f32
    %mul3A_918 = vector.broadcast %mul3A_917 : f32 to vector<64x128xf32>
    %mul3A_919 = arith.mulf %mul3A_918, %min3A_33 : vector<64x128xf32>
    %mul3A_920 = arith.mulf %mul3A_919, %sub3A_894 : vector<64x128xf32>
    %add3A_921 = arith.addf %mul3A_916, %mul3A_920 : vector<64x128xf32>
    %sub3A_922 = arith.subf %add3A_921, %sub3A_866 : vector<64x128xf32>
    %slice3A_923 = vector.extract_strided_slice %mul3A_803 {offsets = [4, 0], sizes = [1, 128], strides = [1, 1]} : vector<64x128xf32> to vector<1x128xf32>
    %broadcast_in_dim3A_924 = vector.shape_cast %slice3A_923 : vector<1x128xf32> to vector<1x128xf32>
    %broadcast_in_dim3A_925 = vector.broadcast %broadcast_in_dim3A_924 : vector<1x128xf32> to vector<64x128xf32>
    %slice3A_926 = vector.extract_strided_slice %mul3A_803 {offsets = [36, 0], sizes = [1, 128], strides = [1, 1]} : vector<64x128xf32> to vector<1x128xf32>
    %broadcast_in_dim3A_927 = vector.shape_cast %slice3A_926 : vector<1x128xf32> to vector<1x128xf32>
    %broadcast_in_dim3A_928 = vector.broadcast %broadcast_in_dim3A_927 : vector<1x128xf32> to vector<64x128xf32>
    %lt3A_929 = arith.constant 32 : i32
    %lt3A_930 = vector.broadcast %lt3A_929 : i32 to vector<64x128xi32>
    %lt3A_931 = arith.cmpi slt, %iota3A, %lt3A_930 : vector<64x128xi32>
    %select_n3A_932 = arith.select %lt3A_931, %broadcast_in_dim3A_925, %broadcast_in_dim3A_928 : vector<64x128xi1>, vector<64x128xf32>
    %mul3A_933 = arith.mulf %select_n3A_932, %sub3A_913 : vector<64x128xf32>
    %add3A_934 = arith.addf %add3A_906, %mul3A_933 : vector<64x128xf32>
    %mul3A_935 = arith.mulf %select_n3A_932, %sub3A_922 : vector<64x128xf32>
    %add3A_936 = arith.addf %add3A_908, %mul3A_935 : vector<64x128xf32>
    %mul3A_937 = arith.constant 2.000000e+00 : f32
    %mul3A_938 = vector.broadcast %mul3A_937 : f32 to vector<64x128xf32>
    %mul3A_939 = arith.mulf %mul3A_938, %min3A_33 : vector<64x128xf32>
    %mul3A_940 = arith.mulf %mul3A_939, %sub3A_913 : vector<64x128xf32>
    %sub3A_941 = arith.subf %mul3A_940, %sub3A_885 : vector<64x128xf32>
    %mul3A_942 = arith.constant 2.000000e+00 : f32
    %mul3A_943 = vector.broadcast %mul3A_942 : f32 to vector<64x128xf32>
    %mul3A_944 = arith.mulf %mul3A_943, %sub3A_913 : vector<64x128xf32>
    %mul3A_945 = arith.constant 2.000000e+00 : f32
    %mul3A_946 = vector.broadcast %mul3A_945 : f32 to vector<64x128xf32>
    %mul3A_947 = arith.mulf %mul3A_946, %min3A_33 : vector<64x128xf32>
    %mul3A_948 = arith.mulf %mul3A_947, %sub3A_922 : vector<64x128xf32>
    %add3A_949 = arith.addf %mul3A_944, %mul3A_948 : vector<64x128xf32>
    %sub3A_950 = arith.subf %add3A_949, %sub3A_894 : vector<64x128xf32>
    %slice3A_951 = vector.extract_strided_slice %mul3A_803 {offsets = [5, 0], sizes = [1, 128], strides = [1, 1]} : vector<64x128xf32> to vector<1x128xf32>
    %broadcast_in_dim3A_952 = vector.shape_cast %slice3A_951 : vector<1x128xf32> to vector<1x128xf32>
    %broadcast_in_dim3A_953 = vector.broadcast %broadcast_in_dim3A_952 : vector<1x128xf32> to vector<64x128xf32>
    %slice3A_954 = vector.extract_strided_slice %mul3A_803 {offsets = [37, 0], sizes = [1, 128], strides = [1, 1]} : vector<64x128xf32> to vector<1x128xf32>
    %broadcast_in_dim3A_955 = vector.shape_cast %slice3A_954 : vector<1x128xf32> to vector<1x128xf32>
    %broadcast_in_dim3A_956 = vector.broadcast %broadcast_in_dim3A_955 : vector<1x128xf32> to vector<64x128xf32>
    %lt3A_957 = arith.constant 32 : i32
    %lt3A_958 = vector.broadcast %lt3A_957 : i32 to vector<64x128xi32>
    %lt3A_959 = arith.cmpi slt, %iota3A, %lt3A_958 : vector<64x128xi32>
    %select_n3A_960 = arith.select %lt3A_959, %broadcast_in_dim3A_953, %broadcast_in_dim3A_956 : vector<64x128xi1>, vector<64x128xf32>
    %mul3A_961 = arith.mulf %select_n3A_960, %sub3A_941 : vector<64x128xf32>
    %add3A_962 = arith.addf %add3A_934, %mul3A_961 : vector<64x128xf32>
    %mul3A_963 = arith.mulf %select_n3A_960, %sub3A_950 : vector<64x128xf32>
    %add3A_964 = arith.addf %add3A_936, %mul3A_963 : vector<64x128xf32>
    %mul3A_965 = arith.constant 2.000000e+00 : f32
    %mul3A_966 = vector.broadcast %mul3A_965 : f32 to vector<64x128xf32>
    %mul3A_967 = arith.mulf %mul3A_966, %min3A_33 : vector<64x128xf32>
    %mul3A_968 = arith.mulf %mul3A_967, %sub3A_941 : vector<64x128xf32>
    %sub3A_969 = arith.subf %mul3A_968, %sub3A_913 : vector<64x128xf32>
    %mul3A_970 = arith.constant 2.000000e+00 : f32
    %mul3A_971 = vector.broadcast %mul3A_970 : f32 to vector<64x128xf32>
    %mul3A_972 = arith.mulf %mul3A_971, %sub3A_941 : vector<64x128xf32>
    %mul3A_973 = arith.constant 2.000000e+00 : f32
    %mul3A_974 = vector.broadcast %mul3A_973 : f32 to vector<64x128xf32>
    %mul3A_975 = arith.mulf %mul3A_974, %min3A_33 : vector<64x128xf32>
    %mul3A_976 = arith.mulf %mul3A_975, %sub3A_950 : vector<64x128xf32>
    %add3A_977 = arith.addf %mul3A_972, %mul3A_976 : vector<64x128xf32>
    %sub3A_978 = arith.subf %add3A_977, %sub3A_922 : vector<64x128xf32>
    %slice3A_979 = vector.extract_strided_slice %mul3A_803 {offsets = [6, 0], sizes = [1, 128], strides = [1, 1]} : vector<64x128xf32> to vector<1x128xf32>
    %broadcast_in_dim3A_980 = vector.shape_cast %slice3A_979 : vector<1x128xf32> to vector<1x128xf32>
    %broadcast_in_dim3A_981 = vector.broadcast %broadcast_in_dim3A_980 : vector<1x128xf32> to vector<64x128xf32>
    %slice3A_982 = vector.extract_strided_slice %mul3A_803 {offsets = [38, 0], sizes = [1, 128], strides = [1, 1]} : vector<64x128xf32> to vector<1x128xf32>
    %broadcast_in_dim3A_983 = vector.shape_cast %slice3A_982 : vector<1x128xf32> to vector<1x128xf32>
    %broadcast_in_dim3A_984 = vector.broadcast %broadcast_in_dim3A_983 : vector<1x128xf32> to vector<64x128xf32>
    %lt3A_985 = arith.constant 32 : i32
    %lt3A_986 = vector.broadcast %lt3A_985 : i32 to vector<64x128xi32>
    %lt3A_987 = arith.cmpi slt, %iota3A, %lt3A_986 : vector<64x128xi32>
    %select_n3A_988 = arith.select %lt3A_987, %broadcast_in_dim3A_981, %broadcast_in_dim3A_984 : vector<64x128xi1>, vector<64x128xf32>
    %mul3A_989 = arith.mulf %select_n3A_988, %sub3A_969 : vector<64x128xf32>
    %add3A_990 = arith.addf %add3A_962, %mul3A_989 : vector<64x128xf32>
    %mul3A_991 = arith.mulf %select_n3A_988, %sub3A_978 : vector<64x128xf32>
    %add3A_992 = arith.addf %add3A_964, %mul3A_991 : vector<64x128xf32>
    %mul3A_993 = arith.constant 2.000000e+00 : f32
    %mul3A_994 = vector.broadcast %mul3A_993 : f32 to vector<64x128xf32>
    %mul3A_995 = arith.mulf %mul3A_994, %min3A_33 : vector<64x128xf32>
    %mul3A_996 = arith.mulf %mul3A_995, %sub3A_969 : vector<64x128xf32>
    %sub3A_997 = arith.subf %mul3A_996, %sub3A_941 : vector<64x128xf32>
    %mul3A_998 = arith.constant 2.000000e+00 : f32
    %mul3A_999 = vector.broadcast %mul3A_998 : f32 to vector<64x128xf32>
    %mul3A_1000 = arith.mulf %mul3A_999, %sub3A_969 : vector<64x128xf32>
    %mul3A_1001 = arith.constant 2.000000e+00 : f32
    %mul3A_1002 = vector.broadcast %mul3A_1001 : f32 to vector<64x128xf32>
    %mul3A_1003 = arith.mulf %mul3A_1002, %min3A_33 : vector<64x128xf32>
    %mul3A_1004 = arith.mulf %mul3A_1003, %sub3A_978 : vector<64x128xf32>
    %add3A_1005 = arith.addf %mul3A_1000, %mul3A_1004 : vector<64x128xf32>
    %sub3A_1006 = arith.subf %add3A_1005, %sub3A_950 : vector<64x128xf32>
    %slice3A_1007 = vector.extract_strided_slice %mul3A_803 {offsets = [7, 0], sizes = [1, 128], strides = [1, 1]} : vector<64x128xf32> to vector<1x128xf32>
    %broadcast_in_dim3A_1008 = vector.shape_cast %slice3A_1007 : vector<1x128xf32> to vector<1x128xf32>
    %broadcast_in_dim3A_1009 = vector.broadcast %broadcast_in_dim3A_1008 : vector<1x128xf32> to vector<64x128xf32>
    %slice3A_1010 = vector.extract_strided_slice %mul3A_803 {offsets = [39, 0], sizes = [1, 128], strides = [1, 1]} : vector<64x128xf32> to vector<1x128xf32>
    %broadcast_in_dim3A_1011 = vector.shape_cast %slice3A_1010 : vector<1x128xf32> to vector<1x128xf32>
    %broadcast_in_dim3A_1012 = vector.broadcast %broadcast_in_dim3A_1011 : vector<1x128xf32> to vector<64x128xf32>
    %lt3A_1013 = arith.constant 32 : i32
    %lt3A_1014 = vector.broadcast %lt3A_1013 : i32 to vector<64x128xi32>
    %lt3A_1015 = arith.cmpi slt, %iota3A, %lt3A_1014 : vector<64x128xi32>
    %select_n3A_1016 = arith.select %lt3A_1015, %broadcast_in_dim3A_1009, %broadcast_in_dim3A_1012 : vector<64x128xi1>, vector<64x128xf32>
    %mul3A_1017 = arith.mulf %select_n3A_1016, %sub3A_997 : vector<64x128xf32>
    %add3A_1018 = arith.addf %add3A_990, %mul3A_1017 : vector<64x128xf32>
    %mul3A_1019 = arith.mulf %select_n3A_1016, %sub3A_1006 : vector<64x128xf32>
    %add3A_1020 = arith.addf %add3A_992, %mul3A_1019 : vector<64x128xf32>
    %mul3A_1021 = arith.constant 2.000000e+00 : f32
    %mul3A_1022 = vector.broadcast %mul3A_1021 : f32 to vector<64x128xf32>
    %mul3A_1023 = arith.mulf %mul3A_1022, %min3A_33 : vector<64x128xf32>
    %mul3A_1024 = arith.mulf %mul3A_1023, %sub3A_997 : vector<64x128xf32>
    %sub3A_1025 = arith.subf %mul3A_1024, %sub3A_969 : vector<64x128xf32>
    %mul3A_1026 = arith.constant 2.000000e+00 : f32
    %mul3A_1027 = vector.broadcast %mul3A_1026 : f32 to vector<64x128xf32>
    %mul3A_1028 = arith.mulf %mul3A_1027, %sub3A_997 : vector<64x128xf32>
    %mul3A_1029 = arith.constant 2.000000e+00 : f32
    %mul3A_1030 = vector.broadcast %mul3A_1029 : f32 to vector<64x128xf32>
    %mul3A_1031 = arith.mulf %mul3A_1030, %min3A_33 : vector<64x128xf32>
    %mul3A_1032 = arith.mulf %mul3A_1031, %sub3A_1006 : vector<64x128xf32>
    %add3A_1033 = arith.addf %mul3A_1028, %mul3A_1032 : vector<64x128xf32>
    %sub3A_1034 = arith.subf %add3A_1033, %sub3A_978 : vector<64x128xf32>
    %slice3A_1035 = vector.extract_strided_slice %mul3A_803 {offsets = [8, 0], sizes = [1, 128], strides = [1, 1]} : vector<64x128xf32> to vector<1x128xf32>
    %broadcast_in_dim3A_1036 = vector.shape_cast %slice3A_1035 : vector<1x128xf32> to vector<1x128xf32>
    %broadcast_in_dim3A_1037 = vector.broadcast %broadcast_in_dim3A_1036 : vector<1x128xf32> to vector<64x128xf32>
    %slice3A_1038 = vector.extract_strided_slice %mul3A_803 {offsets = [40, 0], sizes = [1, 128], strides = [1, 1]} : vector<64x128xf32> to vector<1x128xf32>
    %broadcast_in_dim3A_1039 = vector.shape_cast %slice3A_1038 : vector<1x128xf32> to vector<1x128xf32>
    %broadcast_in_dim3A_1040 = vector.broadcast %broadcast_in_dim3A_1039 : vector<1x128xf32> to vector<64x128xf32>
    %lt3A_1041 = arith.constant 32 : i32
    %lt3A_1042 = vector.broadcast %lt3A_1041 : i32 to vector<64x128xi32>
    %lt3A_1043 = arith.cmpi slt, %iota3A, %lt3A_1042 : vector<64x128xi32>
    %select_n3A_1044 = arith.select %lt3A_1043, %broadcast_in_dim3A_1037, %broadcast_in_dim3A_1040 : vector<64x128xi1>, vector<64x128xf32>
    %mul3A_1045 = arith.mulf %select_n3A_1044, %sub3A_1025 : vector<64x128xf32>
    %add3A_1046 = arith.addf %add3A_1018, %mul3A_1045 : vector<64x128xf32>
    %mul3A_1047 = arith.mulf %select_n3A_1044, %sub3A_1034 : vector<64x128xf32>
    %add3A_1048 = arith.addf %add3A_1020, %mul3A_1047 : vector<64x128xf32>
    %mul3A_1049 = arith.constant 2.000000e+00 : f32
    %mul3A_1050 = vector.broadcast %mul3A_1049 : f32 to vector<64x128xf32>
    %mul3A_1051 = arith.mulf %mul3A_1050, %min3A_33 : vector<64x128xf32>
    %mul3A_1052 = arith.mulf %mul3A_1051, %sub3A_1025 : vector<64x128xf32>
    %sub3A_1053 = arith.subf %mul3A_1052, %sub3A_997 : vector<64x128xf32>
    %mul3A_1054 = arith.constant 2.000000e+00 : f32
    %mul3A_1055 = vector.broadcast %mul3A_1054 : f32 to vector<64x128xf32>
    %mul3A_1056 = arith.mulf %mul3A_1055, %sub3A_1025 : vector<64x128xf32>
    %mul3A_1057 = arith.constant 2.000000e+00 : f32
    %mul3A_1058 = vector.broadcast %mul3A_1057 : f32 to vector<64x128xf32>
    %mul3A_1059 = arith.mulf %mul3A_1058, %min3A_33 : vector<64x128xf32>
    %mul3A_1060 = arith.mulf %mul3A_1059, %sub3A_1034 : vector<64x128xf32>
    %add3A_1061 = arith.addf %mul3A_1056, %mul3A_1060 : vector<64x128xf32>
    %sub3A_1062 = arith.subf %add3A_1061, %sub3A_1006 : vector<64x128xf32>
    %slice3A_1063 = vector.extract_strided_slice %mul3A_803 {offsets = [9, 0], sizes = [1, 128], strides = [1, 1]} : vector<64x128xf32> to vector<1x128xf32>
    %broadcast_in_dim3A_1064 = vector.shape_cast %slice3A_1063 : vector<1x128xf32> to vector<1x128xf32>
    %broadcast_in_dim3A_1065 = vector.broadcast %broadcast_in_dim3A_1064 : vector<1x128xf32> to vector<64x128xf32>
    %slice3A_1066 = vector.extract_strided_slice %mul3A_803 {offsets = [41, 0], sizes = [1, 128], strides = [1, 1]} : vector<64x128xf32> to vector<1x128xf32>
    %broadcast_in_dim3A_1067 = vector.shape_cast %slice3A_1066 : vector<1x128xf32> to vector<1x128xf32>
    %broadcast_in_dim3A_1068 = vector.broadcast %broadcast_in_dim3A_1067 : vector<1x128xf32> to vector<64x128xf32>
    %lt3A_1069 = arith.constant 32 : i32
    %lt3A_1070 = vector.broadcast %lt3A_1069 : i32 to vector<64x128xi32>
    %lt3A_1071 = arith.cmpi slt, %iota3A, %lt3A_1070 : vector<64x128xi32>
    %select_n3A_1072 = arith.select %lt3A_1071, %broadcast_in_dim3A_1065, %broadcast_in_dim3A_1068 : vector<64x128xi1>, vector<64x128xf32>
    %mul3A_1073 = arith.mulf %select_n3A_1072, %sub3A_1053 : vector<64x128xf32>
    %add3A_1074 = arith.addf %add3A_1046, %mul3A_1073 : vector<64x128xf32>
    %mul3A_1075 = arith.mulf %select_n3A_1072, %sub3A_1062 : vector<64x128xf32>
    %add3A_1076 = arith.addf %add3A_1048, %mul3A_1075 : vector<64x128xf32>
    %mul3A_1077 = arith.constant 2.000000e+00 : f32
    %mul3A_1078 = vector.broadcast %mul3A_1077 : f32 to vector<64x128xf32>
    %mul3A_1079 = arith.mulf %mul3A_1078, %min3A_33 : vector<64x128xf32>
    %mul3A_1080 = arith.mulf %mul3A_1079, %sub3A_1053 : vector<64x128xf32>
    %sub3A_1081 = arith.subf %mul3A_1080, %sub3A_1025 : vector<64x128xf32>
    %mul3A_1082 = arith.constant 2.000000e+00 : f32
    %mul3A_1083 = vector.broadcast %mul3A_1082 : f32 to vector<64x128xf32>
    %mul3A_1084 = arith.mulf %mul3A_1083, %sub3A_1053 : vector<64x128xf32>
    %mul3A_1085 = arith.constant 2.000000e+00 : f32
    %mul3A_1086 = vector.broadcast %mul3A_1085 : f32 to vector<64x128xf32>
    %mul3A_1087 = arith.mulf %mul3A_1086, %min3A_33 : vector<64x128xf32>
    %mul3A_1088 = arith.mulf %mul3A_1087, %sub3A_1062 : vector<64x128xf32>
    %add3A_1089 = arith.addf %mul3A_1084, %mul3A_1088 : vector<64x128xf32>
    %sub3A_1090 = arith.subf %add3A_1089, %sub3A_1034 : vector<64x128xf32>
    %slice3A_1091 = vector.extract_strided_slice %mul3A_803 {offsets = [10, 0], sizes = [1, 128], strides = [1, 1]} : vector<64x128xf32> to vector<1x128xf32>
    %broadcast_in_dim3A_1092 = vector.shape_cast %slice3A_1091 : vector<1x128xf32> to vector<1x128xf32>
    %broadcast_in_dim3A_1093 = vector.broadcast %broadcast_in_dim3A_1092 : vector<1x128xf32> to vector<64x128xf32>
    %slice3A_1094 = vector.extract_strided_slice %mul3A_803 {offsets = [42, 0], sizes = [1, 128], strides = [1, 1]} : vector<64x128xf32> to vector<1x128xf32>
    %broadcast_in_dim3A_1095 = vector.shape_cast %slice3A_1094 : vector<1x128xf32> to vector<1x128xf32>
    %broadcast_in_dim3A_1096 = vector.broadcast %broadcast_in_dim3A_1095 : vector<1x128xf32> to vector<64x128xf32>
    %lt3A_1097 = arith.constant 32 : i32
    %lt3A_1098 = vector.broadcast %lt3A_1097 : i32 to vector<64x128xi32>
    %lt3A_1099 = arith.cmpi slt, %iota3A, %lt3A_1098 : vector<64x128xi32>
    %select_n3A_1100 = arith.select %lt3A_1099, %broadcast_in_dim3A_1093, %broadcast_in_dim3A_1096 : vector<64x128xi1>, vector<64x128xf32>
    %mul3A_1101 = arith.mulf %select_n3A_1100, %sub3A_1081 : vector<64x128xf32>
    %add3A_1102 = arith.addf %add3A_1074, %mul3A_1101 : vector<64x128xf32>
    %mul3A_1103 = arith.mulf %select_n3A_1100, %sub3A_1090 : vector<64x128xf32>
    %add3A_1104 = arith.addf %add3A_1076, %mul3A_1103 : vector<64x128xf32>
    %mul3A_1105 = arith.constant 2.000000e+00 : f32
    %mul3A_1106 = vector.broadcast %mul3A_1105 : f32 to vector<64x128xf32>
    %mul3A_1107 = arith.mulf %mul3A_1106, %min3A_33 : vector<64x128xf32>
    %mul3A_1108 = arith.mulf %mul3A_1107, %sub3A_1081 : vector<64x128xf32>
    %sub3A_1109 = arith.subf %mul3A_1108, %sub3A_1053 : vector<64x128xf32>
    %mul3A_1110 = arith.constant 2.000000e+00 : f32
    %mul3A_1111 = vector.broadcast %mul3A_1110 : f32 to vector<64x128xf32>
    %mul3A_1112 = arith.mulf %mul3A_1111, %sub3A_1081 : vector<64x128xf32>
    %mul3A_1113 = arith.constant 2.000000e+00 : f32
    %mul3A_1114 = vector.broadcast %mul3A_1113 : f32 to vector<64x128xf32>
    %mul3A_1115 = arith.mulf %mul3A_1114, %min3A_33 : vector<64x128xf32>
    %mul3A_1116 = arith.mulf %mul3A_1115, %sub3A_1090 : vector<64x128xf32>
    %add3A_1117 = arith.addf %mul3A_1112, %mul3A_1116 : vector<64x128xf32>
    %sub3A_1118 = arith.subf %add3A_1117, %sub3A_1062 : vector<64x128xf32>
    %slice3A_1119 = vector.extract_strided_slice %mul3A_803 {offsets = [11, 0], sizes = [1, 128], strides = [1, 1]} : vector<64x128xf32> to vector<1x128xf32>
    %broadcast_in_dim3A_1120 = vector.shape_cast %slice3A_1119 : vector<1x128xf32> to vector<1x128xf32>
    %broadcast_in_dim3A_1121 = vector.broadcast %broadcast_in_dim3A_1120 : vector<1x128xf32> to vector<64x128xf32>
    %slice3A_1122 = vector.extract_strided_slice %mul3A_803 {offsets = [43, 0], sizes = [1, 128], strides = [1, 1]} : vector<64x128xf32> to vector<1x128xf32>
    %broadcast_in_dim3A_1123 = vector.shape_cast %slice3A_1122 : vector<1x128xf32> to vector<1x128xf32>
    %broadcast_in_dim3A_1124 = vector.broadcast %broadcast_in_dim3A_1123 : vector<1x128xf32> to vector<64x128xf32>
    %lt3A_1125 = arith.constant 32 : i32
    %lt3A_1126 = vector.broadcast %lt3A_1125 : i32 to vector<64x128xi32>
    %lt3A_1127 = arith.cmpi slt, %iota3A, %lt3A_1126 : vector<64x128xi32>
    %select_n3A_1128 = arith.select %lt3A_1127, %broadcast_in_dim3A_1121, %broadcast_in_dim3A_1124 : vector<64x128xi1>, vector<64x128xf32>
    %mul3A_1129 = arith.mulf %select_n3A_1128, %sub3A_1109 : vector<64x128xf32>
    %add3A_1130 = arith.addf %add3A_1102, %mul3A_1129 : vector<64x128xf32>
    %mul3A_1131 = arith.mulf %select_n3A_1128, %sub3A_1118 : vector<64x128xf32>
    %add3A_1132 = arith.addf %add3A_1104, %mul3A_1131 : vector<64x128xf32>
    %mul3A_1133 = arith.constant 2.000000e+00 : f32
    %mul3A_1134 = vector.broadcast %mul3A_1133 : f32 to vector<64x128xf32>
    %mul3A_1135 = arith.mulf %mul3A_1134, %min3A_33 : vector<64x128xf32>
    %mul3A_1136 = arith.mulf %mul3A_1135, %sub3A_1109 : vector<64x128xf32>
    %sub3A_1137 = arith.subf %mul3A_1136, %sub3A_1081 : vector<64x128xf32>
    %mul3A_1138 = arith.constant 2.000000e+00 : f32
    %mul3A_1139 = vector.broadcast %mul3A_1138 : f32 to vector<64x128xf32>
    %mul3A_1140 = arith.mulf %mul3A_1139, %sub3A_1109 : vector<64x128xf32>
    %mul3A_1141 = arith.constant 2.000000e+00 : f32
    %mul3A_1142 = vector.broadcast %mul3A_1141 : f32 to vector<64x128xf32>
    %mul3A_1143 = arith.mulf %mul3A_1142, %min3A_33 : vector<64x128xf32>
    %mul3A_1144 = arith.mulf %mul3A_1143, %sub3A_1118 : vector<64x128xf32>
    %add3A_1145 = arith.addf %mul3A_1140, %mul3A_1144 : vector<64x128xf32>
    %sub3A_1146 = arith.subf %add3A_1145, %sub3A_1090 : vector<64x128xf32>
    %slice3A_1147 = vector.extract_strided_slice %mul3A_803 {offsets = [12, 0], sizes = [1, 128], strides = [1, 1]} : vector<64x128xf32> to vector<1x128xf32>
    %broadcast_in_dim3A_1148 = vector.shape_cast %slice3A_1147 : vector<1x128xf32> to vector<1x128xf32>
    %broadcast_in_dim3A_1149 = vector.broadcast %broadcast_in_dim3A_1148 : vector<1x128xf32> to vector<64x128xf32>
    %slice3A_1150 = vector.extract_strided_slice %mul3A_803 {offsets = [44, 0], sizes = [1, 128], strides = [1, 1]} : vector<64x128xf32> to vector<1x128xf32>
    %broadcast_in_dim3A_1151 = vector.shape_cast %slice3A_1150 : vector<1x128xf32> to vector<1x128xf32>
    %broadcast_in_dim3A_1152 = vector.broadcast %broadcast_in_dim3A_1151 : vector<1x128xf32> to vector<64x128xf32>
    %lt3A_1153 = arith.constant 32 : i32
    %lt3A_1154 = vector.broadcast %lt3A_1153 : i32 to vector<64x128xi32>
    %lt3A_1155 = arith.cmpi slt, %iota3A, %lt3A_1154 : vector<64x128xi32>
    %select_n3A_1156 = arith.select %lt3A_1155, %broadcast_in_dim3A_1149, %broadcast_in_dim3A_1152 : vector<64x128xi1>, vector<64x128xf32>
    %mul3A_1157 = arith.mulf %select_n3A_1156, %sub3A_1137 : vector<64x128xf32>
    %add3A_1158 = arith.addf %add3A_1130, %mul3A_1157 : vector<64x128xf32>
    %mul3A_1159 = arith.mulf %select_n3A_1156, %sub3A_1146 : vector<64x128xf32>
    %add3A_1160 = arith.addf %add3A_1132, %mul3A_1159 : vector<64x128xf32>
    %mul3A_1161 = arith.constant 2.000000e+00 : f32
    %mul3A_1162 = vector.broadcast %mul3A_1161 : f32 to vector<64x128xf32>
    %mul3A_1163 = arith.mulf %mul3A_1162, %min3A_33 : vector<64x128xf32>
    %mul3A_1164 = arith.mulf %mul3A_1163, %sub3A_1137 : vector<64x128xf32>
    %sub3A_1165 = arith.subf %mul3A_1164, %sub3A_1109 : vector<64x128xf32>
    %mul3A_1166 = arith.constant 2.000000e+00 : f32
    %mul3A_1167 = vector.broadcast %mul3A_1166 : f32 to vector<64x128xf32>
    %mul3A_1168 = arith.mulf %mul3A_1167, %sub3A_1137 : vector<64x128xf32>
    %mul3A_1169 = arith.constant 2.000000e+00 : f32
    %mul3A_1170 = vector.broadcast %mul3A_1169 : f32 to vector<64x128xf32>
    %mul3A_1171 = arith.mulf %mul3A_1170, %min3A_33 : vector<64x128xf32>
    %mul3A_1172 = arith.mulf %mul3A_1171, %sub3A_1146 : vector<64x128xf32>
    %add3A_1173 = arith.addf %mul3A_1168, %mul3A_1172 : vector<64x128xf32>
    %sub3A_1174 = arith.subf %add3A_1173, %sub3A_1118 : vector<64x128xf32>
    %slice3A_1175 = vector.extract_strided_slice %mul3A_803 {offsets = [13, 0], sizes = [1, 128], strides = [1, 1]} : vector<64x128xf32> to vector<1x128xf32>
    %broadcast_in_dim3A_1176 = vector.shape_cast %slice3A_1175 : vector<1x128xf32> to vector<1x128xf32>
    %broadcast_in_dim3A_1177 = vector.broadcast %broadcast_in_dim3A_1176 : vector<1x128xf32> to vector<64x128xf32>
    %slice3A_1178 = vector.extract_strided_slice %mul3A_803 {offsets = [45, 0], sizes = [1, 128], strides = [1, 1]} : vector<64x128xf32> to vector<1x128xf32>
    %broadcast_in_dim3A_1179 = vector.shape_cast %slice3A_1178 : vector<1x128xf32> to vector<1x128xf32>
    %broadcast_in_dim3A_1180 = vector.broadcast %broadcast_in_dim3A_1179 : vector<1x128xf32> to vector<64x128xf32>
    %lt3A_1181 = arith.constant 32 : i32
    %lt3A_1182 = vector.broadcast %lt3A_1181 : i32 to vector<64x128xi32>
    %lt3A_1183 = arith.cmpi slt, %iota3A, %lt3A_1182 : vector<64x128xi32>
    %select_n3A_1184 = arith.select %lt3A_1183, %broadcast_in_dim3A_1177, %broadcast_in_dim3A_1180 : vector<64x128xi1>, vector<64x128xf32>
    %mul3A_1185 = arith.mulf %select_n3A_1184, %sub3A_1165 : vector<64x128xf32>
    %add3A_1186 = arith.addf %add3A_1158, %mul3A_1185 : vector<64x128xf32>
    %mul3A_1187 = arith.mulf %select_n3A_1184, %sub3A_1174 : vector<64x128xf32>
    %add3A_1188 = arith.addf %add3A_1160, %mul3A_1187 : vector<64x128xf32>
    %mul3A_1189 = arith.constant 2.000000e+00 : f32
    %mul3A_1190 = vector.broadcast %mul3A_1189 : f32 to vector<64x128xf32>
    %mul3A_1191 = arith.mulf %mul3A_1190, %min3A_33 : vector<64x128xf32>
    %mul3A_1192 = arith.mulf %mul3A_1191, %sub3A_1165 : vector<64x128xf32>
    %sub3A_1193 = arith.subf %mul3A_1192, %sub3A_1137 : vector<64x128xf32>
    %mul3A_1194 = arith.constant 2.000000e+00 : f32
    %mul3A_1195 = vector.broadcast %mul3A_1194 : f32 to vector<64x128xf32>
    %mul3A_1196 = arith.mulf %mul3A_1195, %sub3A_1165 : vector<64x128xf32>
    %mul3A_1197 = arith.constant 2.000000e+00 : f32
    %mul3A_1198 = vector.broadcast %mul3A_1197 : f32 to vector<64x128xf32>
    %mul3A_1199 = arith.mulf %mul3A_1198, %min3A_33 : vector<64x128xf32>
    %mul3A_1200 = arith.mulf %mul3A_1199, %sub3A_1174 : vector<64x128xf32>
    %add3A_1201 = arith.addf %mul3A_1196, %mul3A_1200 : vector<64x128xf32>
    %sub3A_1202 = arith.subf %add3A_1201, %sub3A_1146 : vector<64x128xf32>
    %slice3A_1203 = vector.extract_strided_slice %mul3A_803 {offsets = [14, 0], sizes = [1, 128], strides = [1, 1]} : vector<64x128xf32> to vector<1x128xf32>
    %broadcast_in_dim3A_1204 = vector.shape_cast %slice3A_1203 : vector<1x128xf32> to vector<1x128xf32>
    %broadcast_in_dim3A_1205 = vector.broadcast %broadcast_in_dim3A_1204 : vector<1x128xf32> to vector<64x128xf32>
    %slice3A_1206 = vector.extract_strided_slice %mul3A_803 {offsets = [46, 0], sizes = [1, 128], strides = [1, 1]} : vector<64x128xf32> to vector<1x128xf32>
    %broadcast_in_dim3A_1207 = vector.shape_cast %slice3A_1206 : vector<1x128xf32> to vector<1x128xf32>
    %broadcast_in_dim3A_1208 = vector.broadcast %broadcast_in_dim3A_1207 : vector<1x128xf32> to vector<64x128xf32>
    %lt3A_1209 = arith.constant 32 : i32
    %lt3A_1210 = vector.broadcast %lt3A_1209 : i32 to vector<64x128xi32>
    %lt3A_1211 = arith.cmpi slt, %iota3A, %lt3A_1210 : vector<64x128xi32>
    %select_n3A_1212 = arith.select %lt3A_1211, %broadcast_in_dim3A_1205, %broadcast_in_dim3A_1208 : vector<64x128xi1>, vector<64x128xf32>
    %mul3A_1213 = arith.mulf %select_n3A_1212, %sub3A_1193 : vector<64x128xf32>
    %add3A_1214 = arith.addf %add3A_1186, %mul3A_1213 : vector<64x128xf32>
    %mul3A_1215 = arith.mulf %select_n3A_1212, %sub3A_1202 : vector<64x128xf32>
    %add3A_1216 = arith.addf %add3A_1188, %mul3A_1215 : vector<64x128xf32>
    %mul3A_1217 = arith.constant 2.000000e+00 : f32
    %mul3A_1218 = vector.broadcast %mul3A_1217 : f32 to vector<64x128xf32>
    %mul3A_1219 = arith.mulf %mul3A_1218, %min3A_33 : vector<64x128xf32>
    %mul3A_1220 = arith.mulf %mul3A_1219, %sub3A_1193 : vector<64x128xf32>
    %sub3A_1221 = arith.subf %mul3A_1220, %sub3A_1165 : vector<64x128xf32>
    %mul3A_1222 = arith.constant 2.000000e+00 : f32
    %mul3A_1223 = vector.broadcast %mul3A_1222 : f32 to vector<64x128xf32>
    %mul3A_1224 = arith.mulf %mul3A_1223, %sub3A_1193 : vector<64x128xf32>
    %mul3A_1225 = arith.constant 2.000000e+00 : f32
    %mul3A_1226 = vector.broadcast %mul3A_1225 : f32 to vector<64x128xf32>
    %mul3A_1227 = arith.mulf %mul3A_1226, %min3A_33 : vector<64x128xf32>
    %mul3A_1228 = arith.mulf %mul3A_1227, %sub3A_1202 : vector<64x128xf32>
    %add3A_1229 = arith.addf %mul3A_1224, %mul3A_1228 : vector<64x128xf32>
    %sub3A_1230 = arith.subf %add3A_1229, %sub3A_1174 : vector<64x128xf32>
    %slice3A_1231 = vector.extract_strided_slice %mul3A_803 {offsets = [15, 0], sizes = [1, 128], strides = [1, 1]} : vector<64x128xf32> to vector<1x128xf32>
    %broadcast_in_dim3A_1232 = vector.shape_cast %slice3A_1231 : vector<1x128xf32> to vector<1x128xf32>
    %broadcast_in_dim3A_1233 = vector.broadcast %broadcast_in_dim3A_1232 : vector<1x128xf32> to vector<64x128xf32>
    %slice3A_1234 = vector.extract_strided_slice %mul3A_803 {offsets = [47, 0], sizes = [1, 128], strides = [1, 1]} : vector<64x128xf32> to vector<1x128xf32>
    %broadcast_in_dim3A_1235 = vector.shape_cast %slice3A_1234 : vector<1x128xf32> to vector<1x128xf32>
    %broadcast_in_dim3A_1236 = vector.broadcast %broadcast_in_dim3A_1235 : vector<1x128xf32> to vector<64x128xf32>
    %lt3A_1237 = arith.constant 32 : i32
    %lt3A_1238 = vector.broadcast %lt3A_1237 : i32 to vector<64x128xi32>
    %lt3A_1239 = arith.cmpi slt, %iota3A, %lt3A_1238 : vector<64x128xi32>
    %select_n3A_1240 = arith.select %lt3A_1239, %broadcast_in_dim3A_1233, %broadcast_in_dim3A_1236 : vector<64x128xi1>, vector<64x128xf32>
    %mul3A_1241 = arith.mulf %select_n3A_1240, %sub3A_1221 : vector<64x128xf32>
    %add3A_1242 = arith.addf %add3A_1214, %mul3A_1241 : vector<64x128xf32>
    %mul3A_1243 = arith.mulf %select_n3A_1240, %sub3A_1230 : vector<64x128xf32>
    %add3A_1244 = arith.addf %add3A_1216, %mul3A_1243 : vector<64x128xf32>
    %mul3A_1245 = arith.constant 2.000000e+00 : f32
    %mul3A_1246 = vector.broadcast %mul3A_1245 : f32 to vector<64x128xf32>
    %mul3A_1247 = arith.mulf %mul3A_1246, %min3A_33 : vector<64x128xf32>
    %mul3A_1248 = arith.mulf %mul3A_1247, %sub3A_1221 : vector<64x128xf32>
    %sub3A_1249 = arith.subf %mul3A_1248, %sub3A_1193 : vector<64x128xf32>
    %mul3A_1250 = arith.constant 2.000000e+00 : f32
    %mul3A_1251 = vector.broadcast %mul3A_1250 : f32 to vector<64x128xf32>
    %mul3A_1252 = arith.mulf %mul3A_1251, %sub3A_1221 : vector<64x128xf32>
    %mul3A_1253 = arith.constant 2.000000e+00 : f32
    %mul3A_1254 = vector.broadcast %mul3A_1253 : f32 to vector<64x128xf32>
    %mul3A_1255 = arith.mulf %mul3A_1254, %min3A_33 : vector<64x128xf32>
    %mul3A_1256 = arith.mulf %mul3A_1255, %sub3A_1230 : vector<64x128xf32>
    %add3A_1257 = arith.addf %mul3A_1252, %mul3A_1256 : vector<64x128xf32>
    %sub3A_1258 = arith.subf %add3A_1257, %sub3A_1202 : vector<64x128xf32>
    %slice3A_1259 = vector.extract_strided_slice %mul3A_803 {offsets = [16, 0], sizes = [1, 128], strides = [1, 1]} : vector<64x128xf32> to vector<1x128xf32>
    %broadcast_in_dim3A_1260 = vector.shape_cast %slice3A_1259 : vector<1x128xf32> to vector<1x128xf32>
    %broadcast_in_dim3A_1261 = vector.broadcast %broadcast_in_dim3A_1260 : vector<1x128xf32> to vector<64x128xf32>
    %slice3A_1262 = vector.extract_strided_slice %mul3A_803 {offsets = [48, 0], sizes = [1, 128], strides = [1, 1]} : vector<64x128xf32> to vector<1x128xf32>
    %broadcast_in_dim3A_1263 = vector.shape_cast %slice3A_1262 : vector<1x128xf32> to vector<1x128xf32>
    %broadcast_in_dim3A_1264 = vector.broadcast %broadcast_in_dim3A_1263 : vector<1x128xf32> to vector<64x128xf32>
    %lt3A_1265 = arith.constant 32 : i32
    %lt3A_1266 = vector.broadcast %lt3A_1265 : i32 to vector<64x128xi32>
    %lt3A_1267 = arith.cmpi slt, %iota3A, %lt3A_1266 : vector<64x128xi32>
    %select_n3A_1268 = arith.select %lt3A_1267, %broadcast_in_dim3A_1261, %broadcast_in_dim3A_1264 : vector<64x128xi1>, vector<64x128xf32>
    %mul3A_1269 = arith.mulf %select_n3A_1268, %sub3A_1249 : vector<64x128xf32>
    %add3A_1270 = arith.addf %add3A_1242, %mul3A_1269 : vector<64x128xf32>
    %mul3A_1271 = arith.mulf %select_n3A_1268, %sub3A_1258 : vector<64x128xf32>
    %add3A_1272 = arith.addf %add3A_1244, %mul3A_1271 : vector<64x128xf32>
    %mul3A_1273 = arith.constant 2.000000e+00 : f32
    %mul3A_1274 = vector.broadcast %mul3A_1273 : f32 to vector<64x128xf32>
    %mul3A_1275 = arith.mulf %mul3A_1274, %min3A_33 : vector<64x128xf32>
    %mul3A_1276 = arith.mulf %mul3A_1275, %sub3A_1249 : vector<64x128xf32>
    %sub3A_1277 = arith.subf %mul3A_1276, %sub3A_1221 : vector<64x128xf32>
    %mul3A_1278 = arith.constant 2.000000e+00 : f32
    %mul3A_1279 = vector.broadcast %mul3A_1278 : f32 to vector<64x128xf32>
    %mul3A_1280 = arith.mulf %mul3A_1279, %sub3A_1249 : vector<64x128xf32>
    %mul3A_1281 = arith.constant 2.000000e+00 : f32
    %mul3A_1282 = vector.broadcast %mul3A_1281 : f32 to vector<64x128xf32>
    %mul3A_1283 = arith.mulf %mul3A_1282, %min3A_33 : vector<64x128xf32>
    %mul3A_1284 = arith.mulf %mul3A_1283, %sub3A_1258 : vector<64x128xf32>
    %add3A_1285 = arith.addf %mul3A_1280, %mul3A_1284 : vector<64x128xf32>
    %sub3A_1286 = arith.subf %add3A_1285, %sub3A_1230 : vector<64x128xf32>
    %slice3A_1287 = vector.extract_strided_slice %mul3A_803 {offsets = [17, 0], sizes = [1, 128], strides = [1, 1]} : vector<64x128xf32> to vector<1x128xf32>
    %broadcast_in_dim3A_1288 = vector.shape_cast %slice3A_1287 : vector<1x128xf32> to vector<1x128xf32>
    %broadcast_in_dim3A_1289 = vector.broadcast %broadcast_in_dim3A_1288 : vector<1x128xf32> to vector<64x128xf32>
    %slice3A_1290 = vector.extract_strided_slice %mul3A_803 {offsets = [49, 0], sizes = [1, 128], strides = [1, 1]} : vector<64x128xf32> to vector<1x128xf32>
    %broadcast_in_dim3A_1291 = vector.shape_cast %slice3A_1290 : vector<1x128xf32> to vector<1x128xf32>
    %broadcast_in_dim3A_1292 = vector.broadcast %broadcast_in_dim3A_1291 : vector<1x128xf32> to vector<64x128xf32>
    %lt3A_1293 = arith.constant 32 : i32
    %lt3A_1294 = vector.broadcast %lt3A_1293 : i32 to vector<64x128xi32>
    %lt3A_1295 = arith.cmpi slt, %iota3A, %lt3A_1294 : vector<64x128xi32>
    %select_n3A_1296 = arith.select %lt3A_1295, %broadcast_in_dim3A_1289, %broadcast_in_dim3A_1292 : vector<64x128xi1>, vector<64x128xf32>
    %mul3A_1297 = arith.mulf %select_n3A_1296, %sub3A_1277 : vector<64x128xf32>
    %add3A_1298 = arith.addf %add3A_1270, %mul3A_1297 : vector<64x128xf32>
    %mul3A_1299 = arith.mulf %select_n3A_1296, %sub3A_1286 : vector<64x128xf32>
    %add3A_1300 = arith.addf %add3A_1272, %mul3A_1299 : vector<64x128xf32>
    %mul3A_1301 = arith.constant 2.000000e+00 : f32
    %mul3A_1302 = vector.broadcast %mul3A_1301 : f32 to vector<64x128xf32>
    %mul3A_1303 = arith.mulf %mul3A_1302, %min3A_33 : vector<64x128xf32>
    %mul3A_1304 = arith.mulf %mul3A_1303, %sub3A_1277 : vector<64x128xf32>
    %sub3A_1305 = arith.subf %mul3A_1304, %sub3A_1249 : vector<64x128xf32>
    %mul3A_1306 = arith.constant 2.000000e+00 : f32
    %mul3A_1307 = vector.broadcast %mul3A_1306 : f32 to vector<64x128xf32>
    %mul3A_1308 = arith.mulf %mul3A_1307, %sub3A_1277 : vector<64x128xf32>
    %mul3A_1309 = arith.constant 2.000000e+00 : f32
    %mul3A_1310 = vector.broadcast %mul3A_1309 : f32 to vector<64x128xf32>
    %mul3A_1311 = arith.mulf %mul3A_1310, %min3A_33 : vector<64x128xf32>
    %mul3A_1312 = arith.mulf %mul3A_1311, %sub3A_1286 : vector<64x128xf32>
    %add3A_1313 = arith.addf %mul3A_1308, %mul3A_1312 : vector<64x128xf32>
    %sub3A_1314 = arith.subf %add3A_1313, %sub3A_1258 : vector<64x128xf32>
    %slice3A_1315 = vector.extract_strided_slice %mul3A_803 {offsets = [18, 0], sizes = [1, 128], strides = [1, 1]} : vector<64x128xf32> to vector<1x128xf32>
    %broadcast_in_dim3A_1316 = vector.shape_cast %slice3A_1315 : vector<1x128xf32> to vector<1x128xf32>
    %broadcast_in_dim3A_1317 = vector.broadcast %broadcast_in_dim3A_1316 : vector<1x128xf32> to vector<64x128xf32>
    %slice3A_1318 = vector.extract_strided_slice %mul3A_803 {offsets = [50, 0], sizes = [1, 128], strides = [1, 1]} : vector<64x128xf32> to vector<1x128xf32>
    %broadcast_in_dim3A_1319 = vector.shape_cast %slice3A_1318 : vector<1x128xf32> to vector<1x128xf32>
    %broadcast_in_dim3A_1320 = vector.broadcast %broadcast_in_dim3A_1319 : vector<1x128xf32> to vector<64x128xf32>
    %lt3A_1321 = arith.constant 32 : i32
    %lt3A_1322 = vector.broadcast %lt3A_1321 : i32 to vector<64x128xi32>
    %lt3A_1323 = arith.cmpi slt, %iota3A, %lt3A_1322 : vector<64x128xi32>
    %select_n3A_1324 = arith.select %lt3A_1323, %broadcast_in_dim3A_1317, %broadcast_in_dim3A_1320 : vector<64x128xi1>, vector<64x128xf32>
    %mul3A_1325 = arith.mulf %select_n3A_1324, %sub3A_1305 : vector<64x128xf32>
    %add3A_1326 = arith.addf %add3A_1298, %mul3A_1325 : vector<64x128xf32>
    %mul3A_1327 = arith.mulf %select_n3A_1324, %sub3A_1314 : vector<64x128xf32>
    %add3A_1328 = arith.addf %add3A_1300, %mul3A_1327 : vector<64x128xf32>
    %mul3A_1329 = arith.constant 2.000000e+00 : f32
    %mul3A_1330 = vector.broadcast %mul3A_1329 : f32 to vector<64x128xf32>
    %mul3A_1331 = arith.mulf %mul3A_1330, %min3A_33 : vector<64x128xf32>
    %mul3A_1332 = arith.mulf %mul3A_1331, %sub3A_1305 : vector<64x128xf32>
    %sub3A_1333 = arith.subf %mul3A_1332, %sub3A_1277 : vector<64x128xf32>
    %mul3A_1334 = arith.constant 2.000000e+00 : f32
    %mul3A_1335 = vector.broadcast %mul3A_1334 : f32 to vector<64x128xf32>
    %mul3A_1336 = arith.mulf %mul3A_1335, %sub3A_1305 : vector<64x128xf32>
    %mul3A_1337 = arith.constant 2.000000e+00 : f32
    %mul3A_1338 = vector.broadcast %mul3A_1337 : f32 to vector<64x128xf32>
    %mul3A_1339 = arith.mulf %mul3A_1338, %min3A_33 : vector<64x128xf32>
    %mul3A_1340 = arith.mulf %mul3A_1339, %sub3A_1314 : vector<64x128xf32>
    %add3A_1341 = arith.addf %mul3A_1336, %mul3A_1340 : vector<64x128xf32>
    %sub3A_1342 = arith.subf %add3A_1341, %sub3A_1286 : vector<64x128xf32>
    %slice3A_1343 = vector.extract_strided_slice %mul3A_803 {offsets = [19, 0], sizes = [1, 128], strides = [1, 1]} : vector<64x128xf32> to vector<1x128xf32>
    %broadcast_in_dim3A_1344 = vector.shape_cast %slice3A_1343 : vector<1x128xf32> to vector<1x128xf32>
    %broadcast_in_dim3A_1345 = vector.broadcast %broadcast_in_dim3A_1344 : vector<1x128xf32> to vector<64x128xf32>
    %slice3A_1346 = vector.extract_strided_slice %mul3A_803 {offsets = [51, 0], sizes = [1, 128], strides = [1, 1]} : vector<64x128xf32> to vector<1x128xf32>
    %broadcast_in_dim3A_1347 = vector.shape_cast %slice3A_1346 : vector<1x128xf32> to vector<1x128xf32>
    %broadcast_in_dim3A_1348 = vector.broadcast %broadcast_in_dim3A_1347 : vector<1x128xf32> to vector<64x128xf32>
    %lt3A_1349 = arith.constant 32 : i32
    %lt3A_1350 = vector.broadcast %lt3A_1349 : i32 to vector<64x128xi32>
    %lt3A_1351 = arith.cmpi slt, %iota3A, %lt3A_1350 : vector<64x128xi32>
    %select_n3A_1352 = arith.select %lt3A_1351, %broadcast_in_dim3A_1345, %broadcast_in_dim3A_1348 : vector<64x128xi1>, vector<64x128xf32>
    %mul3A_1353 = arith.mulf %select_n3A_1352, %sub3A_1333 : vector<64x128xf32>
    %add3A_1354 = arith.addf %add3A_1326, %mul3A_1353 : vector<64x128xf32>
    %mul3A_1355 = arith.mulf %select_n3A_1352, %sub3A_1342 : vector<64x128xf32>
    %add3A_1356 = arith.addf %add3A_1328, %mul3A_1355 : vector<64x128xf32>
    %mul3A_1357 = arith.constant 2.000000e+00 : f32
    %mul3A_1358 = vector.broadcast %mul3A_1357 : f32 to vector<64x128xf32>
    %mul3A_1359 = arith.mulf %mul3A_1358, %min3A_33 : vector<64x128xf32>
    %mul3A_1360 = arith.mulf %mul3A_1359, %sub3A_1333 : vector<64x128xf32>
    %sub3A_1361 = arith.subf %mul3A_1360, %sub3A_1305 : vector<64x128xf32>
    %mul3A_1362 = arith.constant 2.000000e+00 : f32
    %mul3A_1363 = vector.broadcast %mul3A_1362 : f32 to vector<64x128xf32>
    %mul3A_1364 = arith.mulf %mul3A_1363, %sub3A_1333 : vector<64x128xf32>
    %mul3A_1365 = arith.constant 2.000000e+00 : f32
    %mul3A_1366 = vector.broadcast %mul3A_1365 : f32 to vector<64x128xf32>
    %mul3A_1367 = arith.mulf %mul3A_1366, %min3A_33 : vector<64x128xf32>
    %mul3A_1368 = arith.mulf %mul3A_1367, %sub3A_1342 : vector<64x128xf32>
    %add3A_1369 = arith.addf %mul3A_1364, %mul3A_1368 : vector<64x128xf32>
    %sub3A_1370 = arith.subf %add3A_1369, %sub3A_1314 : vector<64x128xf32>
    %slice3A_1371 = vector.extract_strided_slice %mul3A_803 {offsets = [20, 0], sizes = [1, 128], strides = [1, 1]} : vector<64x128xf32> to vector<1x128xf32>
    %broadcast_in_dim3A_1372 = vector.shape_cast %slice3A_1371 : vector<1x128xf32> to vector<1x128xf32>
    %broadcast_in_dim3A_1373 = vector.broadcast %broadcast_in_dim3A_1372 : vector<1x128xf32> to vector<64x128xf32>
    %slice3A_1374 = vector.extract_strided_slice %mul3A_803 {offsets = [52, 0], sizes = [1, 128], strides = [1, 1]} : vector<64x128xf32> to vector<1x128xf32>
    %broadcast_in_dim3A_1375 = vector.shape_cast %slice3A_1374 : vector<1x128xf32> to vector<1x128xf32>
    %broadcast_in_dim3A_1376 = vector.broadcast %broadcast_in_dim3A_1375 : vector<1x128xf32> to vector<64x128xf32>
    %lt3A_1377 = arith.constant 32 : i32
    %lt3A_1378 = vector.broadcast %lt3A_1377 : i32 to vector<64x128xi32>
    %lt3A_1379 = arith.cmpi slt, %iota3A, %lt3A_1378 : vector<64x128xi32>
    %select_n3A_1380 = arith.select %lt3A_1379, %broadcast_in_dim3A_1373, %broadcast_in_dim3A_1376 : vector<64x128xi1>, vector<64x128xf32>
    %mul3A_1381 = arith.mulf %select_n3A_1380, %sub3A_1361 : vector<64x128xf32>
    %add3A_1382 = arith.addf %add3A_1354, %mul3A_1381 : vector<64x128xf32>
    %mul3A_1383 = arith.mulf %select_n3A_1380, %sub3A_1370 : vector<64x128xf32>
    %add3A_1384 = arith.addf %add3A_1356, %mul3A_1383 : vector<64x128xf32>
    %mul3A_1385 = arith.constant 2.000000e+00 : f32
    %mul3A_1386 = vector.broadcast %mul3A_1385 : f32 to vector<64x128xf32>
    %mul3A_1387 = arith.mulf %mul3A_1386, %min3A_33 : vector<64x128xf32>
    %mul3A_1388 = arith.mulf %mul3A_1387, %sub3A_1361 : vector<64x128xf32>
    %sub3A_1389 = arith.subf %mul3A_1388, %sub3A_1333 : vector<64x128xf32>
    %mul3A_1390 = arith.constant 2.000000e+00 : f32
    %mul3A_1391 = vector.broadcast %mul3A_1390 : f32 to vector<64x128xf32>
    %mul3A_1392 = arith.mulf %mul3A_1391, %sub3A_1361 : vector<64x128xf32>
    %mul3A_1393 = arith.constant 2.000000e+00 : f32
    %mul3A_1394 = vector.broadcast %mul3A_1393 : f32 to vector<64x128xf32>
    %mul3A_1395 = arith.mulf %mul3A_1394, %min3A_33 : vector<64x128xf32>
    %mul3A_1396 = arith.mulf %mul3A_1395, %sub3A_1370 : vector<64x128xf32>
    %add3A_1397 = arith.addf %mul3A_1392, %mul3A_1396 : vector<64x128xf32>
    %sub3A_1398 = arith.subf %add3A_1397, %sub3A_1342 : vector<64x128xf32>
    %slice3A_1399 = vector.extract_strided_slice %mul3A_803 {offsets = [21, 0], sizes = [1, 128], strides = [1, 1]} : vector<64x128xf32> to vector<1x128xf32>
    %broadcast_in_dim3A_1400 = vector.shape_cast %slice3A_1399 : vector<1x128xf32> to vector<1x128xf32>
    %broadcast_in_dim3A_1401 = vector.broadcast %broadcast_in_dim3A_1400 : vector<1x128xf32> to vector<64x128xf32>
    %slice3A_1402 = vector.extract_strided_slice %mul3A_803 {offsets = [53, 0], sizes = [1, 128], strides = [1, 1]} : vector<64x128xf32> to vector<1x128xf32>
    %broadcast_in_dim3A_1403 = vector.shape_cast %slice3A_1402 : vector<1x128xf32> to vector<1x128xf32>
    %broadcast_in_dim3A_1404 = vector.broadcast %broadcast_in_dim3A_1403 : vector<1x128xf32> to vector<64x128xf32>
    %lt3A_1405 = arith.constant 32 : i32
    %lt3A_1406 = vector.broadcast %lt3A_1405 : i32 to vector<64x128xi32>
    %lt3A_1407 = arith.cmpi slt, %iota3A, %lt3A_1406 : vector<64x128xi32>
    %select_n3A_1408 = arith.select %lt3A_1407, %broadcast_in_dim3A_1401, %broadcast_in_dim3A_1404 : vector<64x128xi1>, vector<64x128xf32>
    %mul3A_1409 = arith.mulf %select_n3A_1408, %sub3A_1389 : vector<64x128xf32>
    %add3A_1410 = arith.addf %add3A_1382, %mul3A_1409 : vector<64x128xf32>
    %mul3A_1411 = arith.mulf %select_n3A_1408, %sub3A_1398 : vector<64x128xf32>
    %add3A_1412 = arith.addf %add3A_1384, %mul3A_1411 : vector<64x128xf32>
    %mul3A_1413 = arith.constant 2.000000e+00 : f32
    %mul3A_1414 = vector.broadcast %mul3A_1413 : f32 to vector<64x128xf32>
    %mul3A_1415 = arith.mulf %mul3A_1414, %min3A_33 : vector<64x128xf32>
    %mul3A_1416 = arith.mulf %mul3A_1415, %sub3A_1389 : vector<64x128xf32>
    %sub3A_1417 = arith.subf %mul3A_1416, %sub3A_1361 : vector<64x128xf32>
    %mul3A_1418 = arith.constant 2.000000e+00 : f32
    %mul3A_1419 = vector.broadcast %mul3A_1418 : f32 to vector<64x128xf32>
    %mul3A_1420 = arith.mulf %mul3A_1419, %sub3A_1389 : vector<64x128xf32>
    %mul3A_1421 = arith.constant 2.000000e+00 : f32
    %mul3A_1422 = vector.broadcast %mul3A_1421 : f32 to vector<64x128xf32>
    %mul3A_1423 = arith.mulf %mul3A_1422, %min3A_33 : vector<64x128xf32>
    %mul3A_1424 = arith.mulf %mul3A_1423, %sub3A_1398 : vector<64x128xf32>
    %add3A_1425 = arith.addf %mul3A_1420, %mul3A_1424 : vector<64x128xf32>
    %sub3A_1426 = arith.subf %add3A_1425, %sub3A_1370 : vector<64x128xf32>
    %slice3A_1427 = vector.extract_strided_slice %mul3A_803 {offsets = [22, 0], sizes = [1, 128], strides = [1, 1]} : vector<64x128xf32> to vector<1x128xf32>
    %broadcast_in_dim3A_1428 = vector.shape_cast %slice3A_1427 : vector<1x128xf32> to vector<1x128xf32>
    %broadcast_in_dim3A_1429 = vector.broadcast %broadcast_in_dim3A_1428 : vector<1x128xf32> to vector<64x128xf32>
    %slice3A_1430 = vector.extract_strided_slice %mul3A_803 {offsets = [54, 0], sizes = [1, 128], strides = [1, 1]} : vector<64x128xf32> to vector<1x128xf32>
    %broadcast_in_dim3A_1431 = vector.shape_cast %slice3A_1430 : vector<1x128xf32> to vector<1x128xf32>
    %broadcast_in_dim3A_1432 = vector.broadcast %broadcast_in_dim3A_1431 : vector<1x128xf32> to vector<64x128xf32>
    %lt3A_1433 = arith.constant 32 : i32
    %lt3A_1434 = vector.broadcast %lt3A_1433 : i32 to vector<64x128xi32>
    %lt3A_1435 = arith.cmpi slt, %iota3A, %lt3A_1434 : vector<64x128xi32>
    %select_n3A_1436 = arith.select %lt3A_1435, %broadcast_in_dim3A_1429, %broadcast_in_dim3A_1432 : vector<64x128xi1>, vector<64x128xf32>
    %mul3A_1437 = arith.mulf %select_n3A_1436, %sub3A_1417 : vector<64x128xf32>
    %add3A_1438 = arith.addf %add3A_1410, %mul3A_1437 : vector<64x128xf32>
    %mul3A_1439 = arith.mulf %select_n3A_1436, %sub3A_1426 : vector<64x128xf32>
    %add3A_1440 = arith.addf %add3A_1412, %mul3A_1439 : vector<64x128xf32>
    %mul3A_1441 = arith.constant 2.000000e+00 : f32
    %mul3A_1442 = vector.broadcast %mul3A_1441 : f32 to vector<64x128xf32>
    %mul3A_1443 = arith.mulf %mul3A_1442, %min3A_33 : vector<64x128xf32>
    %mul3A_1444 = arith.mulf %mul3A_1443, %sub3A_1417 : vector<64x128xf32>
    %sub3A_1445 = arith.subf %mul3A_1444, %sub3A_1389 : vector<64x128xf32>
    %mul3A_1446 = arith.constant 2.000000e+00 : f32
    %mul3A_1447 = vector.broadcast %mul3A_1446 : f32 to vector<64x128xf32>
    %mul3A_1448 = arith.mulf %mul3A_1447, %sub3A_1417 : vector<64x128xf32>
    %mul3A_1449 = arith.constant 2.000000e+00 : f32
    %mul3A_1450 = vector.broadcast %mul3A_1449 : f32 to vector<64x128xf32>
    %mul3A_1451 = arith.mulf %mul3A_1450, %min3A_33 : vector<64x128xf32>
    %mul3A_1452 = arith.mulf %mul3A_1451, %sub3A_1426 : vector<64x128xf32>
    %add3A_1453 = arith.addf %mul3A_1448, %mul3A_1452 : vector<64x128xf32>
    %sub3A_1454 = arith.subf %add3A_1453, %sub3A_1398 : vector<64x128xf32>
    %slice3A_1455 = vector.extract_strided_slice %mul3A_803 {offsets = [23, 0], sizes = [1, 128], strides = [1, 1]} : vector<64x128xf32> to vector<1x128xf32>
    %broadcast_in_dim3A_1456 = vector.shape_cast %slice3A_1455 : vector<1x128xf32> to vector<1x128xf32>
    %broadcast_in_dim3A_1457 = vector.broadcast %broadcast_in_dim3A_1456 : vector<1x128xf32> to vector<64x128xf32>
    %slice3A_1458 = vector.extract_strided_slice %mul3A_803 {offsets = [55, 0], sizes = [1, 128], strides = [1, 1]} : vector<64x128xf32> to vector<1x128xf32>
    %broadcast_in_dim3A_1459 = vector.shape_cast %slice3A_1458 : vector<1x128xf32> to vector<1x128xf32>
    %broadcast_in_dim3A_1460 = vector.broadcast %broadcast_in_dim3A_1459 : vector<1x128xf32> to vector<64x128xf32>
    %lt3A_1461 = arith.constant 32 : i32
    %lt3A_1462 = vector.broadcast %lt3A_1461 : i32 to vector<64x128xi32>
    %lt3A_1463 = arith.cmpi slt, %iota3A, %lt3A_1462 : vector<64x128xi32>
    %select_n3A_1464 = arith.select %lt3A_1463, %broadcast_in_dim3A_1457, %broadcast_in_dim3A_1460 : vector<64x128xi1>, vector<64x128xf32>
    %mul3A_1465 = arith.mulf %select_n3A_1464, %sub3A_1445 : vector<64x128xf32>
    %add3A_1466 = arith.addf %add3A_1438, %mul3A_1465 : vector<64x128xf32>
    %mul3A_1467 = arith.mulf %select_n3A_1464, %sub3A_1454 : vector<64x128xf32>
    %add3A_1468 = arith.addf %add3A_1440, %mul3A_1467 : vector<64x128xf32>
    %mul3A_1469 = arith.constant 2.000000e+00 : f32
    %mul3A_1470 = vector.broadcast %mul3A_1469 : f32 to vector<64x128xf32>
    %mul3A_1471 = arith.mulf %mul3A_1470, %min3A_33 : vector<64x128xf32>
    %mul3A_1472 = arith.mulf %mul3A_1471, %sub3A_1445 : vector<64x128xf32>
    %sub3A_1473 = arith.subf %mul3A_1472, %sub3A_1417 : vector<64x128xf32>
    %mul3A_1474 = arith.constant 2.000000e+00 : f32
    %mul3A_1475 = vector.broadcast %mul3A_1474 : f32 to vector<64x128xf32>
    %mul3A_1476 = arith.mulf %mul3A_1475, %sub3A_1445 : vector<64x128xf32>
    %mul3A_1477 = arith.constant 2.000000e+00 : f32
    %mul3A_1478 = vector.broadcast %mul3A_1477 : f32 to vector<64x128xf32>
    %mul3A_1479 = arith.mulf %mul3A_1478, %min3A_33 : vector<64x128xf32>
    %mul3A_1480 = arith.mulf %mul3A_1479, %sub3A_1454 : vector<64x128xf32>
    %add3A_1481 = arith.addf %mul3A_1476, %mul3A_1480 : vector<64x128xf32>
    %sub3A_1482 = arith.subf %add3A_1481, %sub3A_1426 : vector<64x128xf32>
    %slice3A_1483 = vector.extract_strided_slice %mul3A_803 {offsets = [24, 0], sizes = [1, 128], strides = [1, 1]} : vector<64x128xf32> to vector<1x128xf32>
    %broadcast_in_dim3A_1484 = vector.shape_cast %slice3A_1483 : vector<1x128xf32> to vector<1x128xf32>
    %broadcast_in_dim3A_1485 = vector.broadcast %broadcast_in_dim3A_1484 : vector<1x128xf32> to vector<64x128xf32>
    %slice3A_1486 = vector.extract_strided_slice %mul3A_803 {offsets = [56, 0], sizes = [1, 128], strides = [1, 1]} : vector<64x128xf32> to vector<1x128xf32>
    %broadcast_in_dim3A_1487 = vector.shape_cast %slice3A_1486 : vector<1x128xf32> to vector<1x128xf32>
    %broadcast_in_dim3A_1488 = vector.broadcast %broadcast_in_dim3A_1487 : vector<1x128xf32> to vector<64x128xf32>
    %lt3A_1489 = arith.constant 32 : i32
    %lt3A_1490 = vector.broadcast %lt3A_1489 : i32 to vector<64x128xi32>
    %lt3A_1491 = arith.cmpi slt, %iota3A, %lt3A_1490 : vector<64x128xi32>
    %select_n3A_1492 = arith.select %lt3A_1491, %broadcast_in_dim3A_1485, %broadcast_in_dim3A_1488 : vector<64x128xi1>, vector<64x128xf32>
    %mul3A_1493 = arith.mulf %select_n3A_1492, %sub3A_1473 : vector<64x128xf32>
    %add3A_1494 = arith.addf %add3A_1466, %mul3A_1493 : vector<64x128xf32>
    %mul3A_1495 = arith.mulf %select_n3A_1492, %sub3A_1482 : vector<64x128xf32>
    %add3A_1496 = arith.addf %add3A_1468, %mul3A_1495 : vector<64x128xf32>
    %mul3A_1497 = arith.constant 2.000000e+00 : f32
    %mul3A_1498 = vector.broadcast %mul3A_1497 : f32 to vector<64x128xf32>
    %mul3A_1499 = arith.mulf %mul3A_1498, %min3A_33 : vector<64x128xf32>
    %mul3A_1500 = arith.mulf %mul3A_1499, %sub3A_1473 : vector<64x128xf32>
    %sub3A_1501 = arith.subf %mul3A_1500, %sub3A_1445 : vector<64x128xf32>
    %mul3A_1502 = arith.constant 2.000000e+00 : f32
    %mul3A_1503 = vector.broadcast %mul3A_1502 : f32 to vector<64x128xf32>
    %mul3A_1504 = arith.mulf %mul3A_1503, %sub3A_1473 : vector<64x128xf32>
    %mul3A_1505 = arith.constant 2.000000e+00 : f32
    %mul3A_1506 = vector.broadcast %mul3A_1505 : f32 to vector<64x128xf32>
    %mul3A_1507 = arith.mulf %mul3A_1506, %min3A_33 : vector<64x128xf32>
    %mul3A_1508 = arith.mulf %mul3A_1507, %sub3A_1482 : vector<64x128xf32>
    %add3A_1509 = arith.addf %mul3A_1504, %mul3A_1508 : vector<64x128xf32>
    %sub3A_1510 = arith.subf %add3A_1509, %sub3A_1454 : vector<64x128xf32>
    %slice3A_1511 = vector.extract_strided_slice %mul3A_803 {offsets = [25, 0], sizes = [1, 128], strides = [1, 1]} : vector<64x128xf32> to vector<1x128xf32>
    %broadcast_in_dim3A_1512 = vector.shape_cast %slice3A_1511 : vector<1x128xf32> to vector<1x128xf32>
    %broadcast_in_dim3A_1513 = vector.broadcast %broadcast_in_dim3A_1512 : vector<1x128xf32> to vector<64x128xf32>
    %slice3A_1514 = vector.extract_strided_slice %mul3A_803 {offsets = [57, 0], sizes = [1, 128], strides = [1, 1]} : vector<64x128xf32> to vector<1x128xf32>
    %broadcast_in_dim3A_1515 = vector.shape_cast %slice3A_1514 : vector<1x128xf32> to vector<1x128xf32>
    %broadcast_in_dim3A_1516 = vector.broadcast %broadcast_in_dim3A_1515 : vector<1x128xf32> to vector<64x128xf32>
    %lt3A_1517 = arith.constant 32 : i32
    %lt3A_1518 = vector.broadcast %lt3A_1517 : i32 to vector<64x128xi32>
    %lt3A_1519 = arith.cmpi slt, %iota3A, %lt3A_1518 : vector<64x128xi32>
    %select_n3A_1520 = arith.select %lt3A_1519, %broadcast_in_dim3A_1513, %broadcast_in_dim3A_1516 : vector<64x128xi1>, vector<64x128xf32>
    %mul3A_1521 = arith.mulf %select_n3A_1520, %sub3A_1501 : vector<64x128xf32>
    %add3A_1522 = arith.addf %add3A_1494, %mul3A_1521 : vector<64x128xf32>
    %mul3A_1523 = arith.mulf %select_n3A_1520, %sub3A_1510 : vector<64x128xf32>
    %add3A_1524 = arith.addf %add3A_1496, %mul3A_1523 : vector<64x128xf32>
    %mul3A_1525 = arith.constant 2.000000e+00 : f32
    %mul3A_1526 = vector.broadcast %mul3A_1525 : f32 to vector<64x128xf32>
    %mul3A_1527 = arith.mulf %mul3A_1526, %min3A_33 : vector<64x128xf32>
    %mul3A_1528 = arith.mulf %mul3A_1527, %sub3A_1501 : vector<64x128xf32>
    %sub3A_1529 = arith.subf %mul3A_1528, %sub3A_1473 : vector<64x128xf32>
    %mul3A_1530 = arith.constant 2.000000e+00 : f32
    %mul3A_1531 = vector.broadcast %mul3A_1530 : f32 to vector<64x128xf32>
    %mul3A_1532 = arith.mulf %mul3A_1531, %sub3A_1501 : vector<64x128xf32>
    %mul3A_1533 = arith.constant 2.000000e+00 : f32
    %mul3A_1534 = vector.broadcast %mul3A_1533 : f32 to vector<64x128xf32>
    %mul3A_1535 = arith.mulf %mul3A_1534, %min3A_33 : vector<64x128xf32>
    %mul3A_1536 = arith.mulf %mul3A_1535, %sub3A_1510 : vector<64x128xf32>
    %add3A_1537 = arith.addf %mul3A_1532, %mul3A_1536 : vector<64x128xf32>
    %sub3A_1538 = arith.subf %add3A_1537, %sub3A_1482 : vector<64x128xf32>
    %slice3A_1539 = vector.extract_strided_slice %mul3A_803 {offsets = [26, 0], sizes = [1, 128], strides = [1, 1]} : vector<64x128xf32> to vector<1x128xf32>
    %broadcast_in_dim3A_1540 = vector.shape_cast %slice3A_1539 : vector<1x128xf32> to vector<1x128xf32>
    %broadcast_in_dim3A_1541 = vector.broadcast %broadcast_in_dim3A_1540 : vector<1x128xf32> to vector<64x128xf32>
    %slice3A_1542 = vector.extract_strided_slice %mul3A_803 {offsets = [58, 0], sizes = [1, 128], strides = [1, 1]} : vector<64x128xf32> to vector<1x128xf32>
    %broadcast_in_dim3A_1543 = vector.shape_cast %slice3A_1542 : vector<1x128xf32> to vector<1x128xf32>
    %broadcast_in_dim3A_1544 = vector.broadcast %broadcast_in_dim3A_1543 : vector<1x128xf32> to vector<64x128xf32>
    %lt3A_1545 = arith.constant 32 : i32
    %lt3A_1546 = vector.broadcast %lt3A_1545 : i32 to vector<64x128xi32>
    %lt3A_1547 = arith.cmpi slt, %iota3A, %lt3A_1546 : vector<64x128xi32>
    %select_n3A_1548 = arith.select %lt3A_1547, %broadcast_in_dim3A_1541, %broadcast_in_dim3A_1544 : vector<64x128xi1>, vector<64x128xf32>
    %mul3A_1549 = arith.mulf %select_n3A_1548, %sub3A_1529 : vector<64x128xf32>
    %add3A_1550 = arith.addf %add3A_1522, %mul3A_1549 : vector<64x128xf32>
    %mul3A_1551 = arith.mulf %select_n3A_1548, %sub3A_1538 : vector<64x128xf32>
    %add3A_1552 = arith.addf %add3A_1524, %mul3A_1551 : vector<64x128xf32>
    %mul3A_1553 = arith.constant 2.000000e+00 : f32
    %mul3A_1554 = vector.broadcast %mul3A_1553 : f32 to vector<64x128xf32>
    %mul3A_1555 = arith.mulf %mul3A_1554, %min3A_33 : vector<64x128xf32>
    %mul3A_1556 = arith.mulf %mul3A_1555, %sub3A_1529 : vector<64x128xf32>
    %sub3A_1557 = arith.subf %mul3A_1556, %sub3A_1501 : vector<64x128xf32>
    %mul3A_1558 = arith.constant 2.000000e+00 : f32
    %mul3A_1559 = vector.broadcast %mul3A_1558 : f32 to vector<64x128xf32>
    %mul3A_1560 = arith.mulf %mul3A_1559, %sub3A_1529 : vector<64x128xf32>
    %mul3A_1561 = arith.constant 2.000000e+00 : f32
    %mul3A_1562 = vector.broadcast %mul3A_1561 : f32 to vector<64x128xf32>
    %mul3A_1563 = arith.mulf %mul3A_1562, %min3A_33 : vector<64x128xf32>
    %mul3A_1564 = arith.mulf %mul3A_1563, %sub3A_1538 : vector<64x128xf32>
    %add3A_1565 = arith.addf %mul3A_1560, %mul3A_1564 : vector<64x128xf32>
    %sub3A_1566 = arith.subf %add3A_1565, %sub3A_1510 : vector<64x128xf32>
    %slice3A_1567 = vector.extract_strided_slice %mul3A_803 {offsets = [27, 0], sizes = [1, 128], strides = [1, 1]} : vector<64x128xf32> to vector<1x128xf32>
    %broadcast_in_dim3A_1568 = vector.shape_cast %slice3A_1567 : vector<1x128xf32> to vector<1x128xf32>
    %broadcast_in_dim3A_1569 = vector.broadcast %broadcast_in_dim3A_1568 : vector<1x128xf32> to vector<64x128xf32>
    %slice3A_1570 = vector.extract_strided_slice %mul3A_803 {offsets = [59, 0], sizes = [1, 128], strides = [1, 1]} : vector<64x128xf32> to vector<1x128xf32>
    %broadcast_in_dim3A_1571 = vector.shape_cast %slice3A_1570 : vector<1x128xf32> to vector<1x128xf32>
    %broadcast_in_dim3A_1572 = vector.broadcast %broadcast_in_dim3A_1571 : vector<1x128xf32> to vector<64x128xf32>
    %lt3A_1573 = arith.constant 32 : i32
    %lt3A_1574 = vector.broadcast %lt3A_1573 : i32 to vector<64x128xi32>
    %lt3A_1575 = arith.cmpi slt, %iota3A, %lt3A_1574 : vector<64x128xi32>
    %select_n3A_1576 = arith.select %lt3A_1575, %broadcast_in_dim3A_1569, %broadcast_in_dim3A_1572 : vector<64x128xi1>, vector<64x128xf32>
    %mul3A_1577 = arith.mulf %select_n3A_1576, %sub3A_1557 : vector<64x128xf32>
    %add3A_1578 = arith.addf %add3A_1550, %mul3A_1577 : vector<64x128xf32>
    %mul3A_1579 = arith.mulf %select_n3A_1576, %sub3A_1566 : vector<64x128xf32>
    %add3A_1580 = arith.addf %add3A_1552, %mul3A_1579 : vector<64x128xf32>
    %mul3A_1581 = arith.constant 2.000000e+00 : f32
    %mul3A_1582 = vector.broadcast %mul3A_1581 : f32 to vector<64x128xf32>
    %mul3A_1583 = arith.mulf %mul3A_1582, %min3A_33 : vector<64x128xf32>
    %mul3A_1584 = arith.mulf %mul3A_1583, %sub3A_1557 : vector<64x128xf32>
    %sub3A_1585 = arith.subf %mul3A_1584, %sub3A_1529 : vector<64x128xf32>
    %mul3A_1586 = arith.constant 2.000000e+00 : f32
    %mul3A_1587 = vector.broadcast %mul3A_1586 : f32 to vector<64x128xf32>
    %mul3A_1588 = arith.mulf %mul3A_1587, %sub3A_1557 : vector<64x128xf32>
    %mul3A_1589 = arith.constant 2.000000e+00 : f32
    %mul3A_1590 = vector.broadcast %mul3A_1589 : f32 to vector<64x128xf32>
    %mul3A_1591 = arith.mulf %mul3A_1590, %min3A_33 : vector<64x128xf32>
    %mul3A_1592 = arith.mulf %mul3A_1591, %sub3A_1566 : vector<64x128xf32>
    %add3A_1593 = arith.addf %mul3A_1588, %mul3A_1592 : vector<64x128xf32>
    %sub3A_1594 = arith.subf %add3A_1593, %sub3A_1538 : vector<64x128xf32>
    %slice3A_1595 = vector.extract_strided_slice %mul3A_803 {offsets = [28, 0], sizes = [1, 128], strides = [1, 1]} : vector<64x128xf32> to vector<1x128xf32>
    %broadcast_in_dim3A_1596 = vector.shape_cast %slice3A_1595 : vector<1x128xf32> to vector<1x128xf32>
    %broadcast_in_dim3A_1597 = vector.broadcast %broadcast_in_dim3A_1596 : vector<1x128xf32> to vector<64x128xf32>
    %slice3A_1598 = vector.extract_strided_slice %mul3A_803 {offsets = [60, 0], sizes = [1, 128], strides = [1, 1]} : vector<64x128xf32> to vector<1x128xf32>
    %broadcast_in_dim3A_1599 = vector.shape_cast %slice3A_1598 : vector<1x128xf32> to vector<1x128xf32>
    %broadcast_in_dim3A_1600 = vector.broadcast %broadcast_in_dim3A_1599 : vector<1x128xf32> to vector<64x128xf32>
    %lt3A_1601 = arith.constant 32 : i32
    %lt3A_1602 = vector.broadcast %lt3A_1601 : i32 to vector<64x128xi32>
    %lt3A_1603 = arith.cmpi slt, %iota3A, %lt3A_1602 : vector<64x128xi32>
    %select_n3A_1604 = arith.select %lt3A_1603, %broadcast_in_dim3A_1597, %broadcast_in_dim3A_1600 : vector<64x128xi1>, vector<64x128xf32>
    %mul3A_1605 = arith.mulf %select_n3A_1604, %sub3A_1585 : vector<64x128xf32>
    %add3A_1606 = arith.addf %add3A_1578, %mul3A_1605 : vector<64x128xf32>
    %mul3A_1607 = arith.mulf %select_n3A_1604, %sub3A_1594 : vector<64x128xf32>
    %add3A_1608 = arith.addf %add3A_1580, %mul3A_1607 : vector<64x128xf32>
    %mul3A_1609 = arith.constant 2.000000e+00 : f32
    %mul3A_1610 = vector.broadcast %mul3A_1609 : f32 to vector<64x128xf32>
    %mul3A_1611 = arith.mulf %mul3A_1610, %min3A_33 : vector<64x128xf32>
    %mul3A_1612 = arith.mulf %mul3A_1611, %sub3A_1585 : vector<64x128xf32>
    %sub3A_1613 = arith.subf %mul3A_1612, %sub3A_1557 : vector<64x128xf32>
    %mul3A_1614 = arith.constant 2.000000e+00 : f32
    %mul3A_1615 = vector.broadcast %mul3A_1614 : f32 to vector<64x128xf32>
    %mul3A_1616 = arith.mulf %mul3A_1615, %sub3A_1585 : vector<64x128xf32>
    %mul3A_1617 = arith.constant 2.000000e+00 : f32
    %mul3A_1618 = vector.broadcast %mul3A_1617 : f32 to vector<64x128xf32>
    %mul3A_1619 = arith.mulf %mul3A_1618, %min3A_33 : vector<64x128xf32>
    %mul3A_1620 = arith.mulf %mul3A_1619, %sub3A_1594 : vector<64x128xf32>
    %add3A_1621 = arith.addf %mul3A_1616, %mul3A_1620 : vector<64x128xf32>
    %sub3A_1622 = arith.subf %add3A_1621, %sub3A_1566 : vector<64x128xf32>
    %slice3A_1623 = vector.extract_strided_slice %mul3A_803 {offsets = [29, 0], sizes = [1, 128], strides = [1, 1]} : vector<64x128xf32> to vector<1x128xf32>
    %broadcast_in_dim3A_1624 = vector.shape_cast %slice3A_1623 : vector<1x128xf32> to vector<1x128xf32>
    %broadcast_in_dim3A_1625 = vector.broadcast %broadcast_in_dim3A_1624 : vector<1x128xf32> to vector<64x128xf32>
    %slice3A_1626 = vector.extract_strided_slice %mul3A_803 {offsets = [61, 0], sizes = [1, 128], strides = [1, 1]} : vector<64x128xf32> to vector<1x128xf32>
    %broadcast_in_dim3A_1627 = vector.shape_cast %slice3A_1626 : vector<1x128xf32> to vector<1x128xf32>
    %broadcast_in_dim3A_1628 = vector.broadcast %broadcast_in_dim3A_1627 : vector<1x128xf32> to vector<64x128xf32>
    %lt3A_1629 = arith.constant 32 : i32
    %lt3A_1630 = vector.broadcast %lt3A_1629 : i32 to vector<64x128xi32>
    %lt3A_1631 = arith.cmpi slt, %iota3A, %lt3A_1630 : vector<64x128xi32>
    %select_n3A_1632 = arith.select %lt3A_1631, %broadcast_in_dim3A_1625, %broadcast_in_dim3A_1628 : vector<64x128xi1>, vector<64x128xf32>
    %mul3A_1633 = arith.mulf %select_n3A_1632, %sub3A_1613 : vector<64x128xf32>
    %add3A_1634 = arith.addf %add3A_1606, %mul3A_1633 : vector<64x128xf32>
    %mul3A_1635 = arith.mulf %select_n3A_1632, %sub3A_1622 : vector<64x128xf32>
    %add3A_1636 = arith.addf %add3A_1608, %mul3A_1635 : vector<64x128xf32>
    %mul3A_1637 = arith.constant 2.000000e+00 : f32
    %mul3A_1638 = vector.broadcast %mul3A_1637 : f32 to vector<64x128xf32>
    %mul3A_1639 = arith.mulf %mul3A_1638, %min3A_33 : vector<64x128xf32>
    %mul3A_1640 = arith.mulf %mul3A_1639, %sub3A_1613 : vector<64x128xf32>
    %sub3A_1641 = arith.subf %mul3A_1640, %sub3A_1585 : vector<64x128xf32>
    %mul3A_1642 = arith.constant 2.000000e+00 : f32
    %mul3A_1643 = vector.broadcast %mul3A_1642 : f32 to vector<64x128xf32>
    %mul3A_1644 = arith.mulf %mul3A_1643, %sub3A_1613 : vector<64x128xf32>
    %mul3A_1645 = arith.constant 2.000000e+00 : f32
    %mul3A_1646 = vector.broadcast %mul3A_1645 : f32 to vector<64x128xf32>
    %mul3A_1647 = arith.mulf %mul3A_1646, %min3A_33 : vector<64x128xf32>
    %mul3A_1648 = arith.mulf %mul3A_1647, %sub3A_1622 : vector<64x128xf32>
    %add3A_1649 = arith.addf %mul3A_1644, %mul3A_1648 : vector<64x128xf32>
    %sub3A_1650 = arith.subf %add3A_1649, %sub3A_1594 : vector<64x128xf32>
    %slice3A_1651 = vector.extract_strided_slice %mul3A_803 {offsets = [30, 0], sizes = [1, 128], strides = [1, 1]} : vector<64x128xf32> to vector<1x128xf32>
    %broadcast_in_dim3A_1652 = vector.shape_cast %slice3A_1651 : vector<1x128xf32> to vector<1x128xf32>
    %broadcast_in_dim3A_1653 = vector.broadcast %broadcast_in_dim3A_1652 : vector<1x128xf32> to vector<64x128xf32>
    %slice3A_1654 = vector.extract_strided_slice %mul3A_803 {offsets = [62, 0], sizes = [1, 128], strides = [1, 1]} : vector<64x128xf32> to vector<1x128xf32>
    %broadcast_in_dim3A_1655 = vector.shape_cast %slice3A_1654 : vector<1x128xf32> to vector<1x128xf32>
    %broadcast_in_dim3A_1656 = vector.broadcast %broadcast_in_dim3A_1655 : vector<1x128xf32> to vector<64x128xf32>
    %lt3A_1657 = arith.constant 32 : i32
    %lt3A_1658 = vector.broadcast %lt3A_1657 : i32 to vector<64x128xi32>
    %lt3A_1659 = arith.cmpi slt, %iota3A, %lt3A_1658 : vector<64x128xi32>
    %select_n3A_1660 = arith.select %lt3A_1659, %broadcast_in_dim3A_1653, %broadcast_in_dim3A_1656 : vector<64x128xi1>, vector<64x128xf32>
    %mul3A_1661 = arith.mulf %select_n3A_1660, %sub3A_1641 : vector<64x128xf32>
    %add3A_1662 = arith.addf %add3A_1634, %mul3A_1661 : vector<64x128xf32>
    %mul3A_1663 = arith.mulf %select_n3A_1660, %sub3A_1650 : vector<64x128xf32>
    %add3A_1664 = arith.addf %add3A_1636, %mul3A_1663 : vector<64x128xf32>
    %mul3A_1665 = arith.constant 2.000000e+00 : f32
    %mul3A_1666 = vector.broadcast %mul3A_1665 : f32 to vector<64x128xf32>
    %mul3A_1667 = arith.mulf %mul3A_1666, %min3A_33 : vector<64x128xf32>
    %mul3A_1668 = arith.mulf %mul3A_1667, %sub3A_1641 : vector<64x128xf32>
    %sub3A_1669 = arith.subf %mul3A_1668, %sub3A_1613 : vector<64x128xf32>
    %mul3A_1670 = arith.constant 2.000000e+00 : f32
    %mul3A_1671 = vector.broadcast %mul3A_1670 : f32 to vector<64x128xf32>
    %mul3A_1672 = arith.mulf %mul3A_1671, %sub3A_1641 : vector<64x128xf32>
    %mul3A_1673 = arith.constant 2.000000e+00 : f32
    %mul3A_1674 = vector.broadcast %mul3A_1673 : f32 to vector<64x128xf32>
    %mul3A_1675 = arith.mulf %mul3A_1674, %min3A_33 : vector<64x128xf32>
    %mul3A_1676 = arith.mulf %mul3A_1675, %sub3A_1650 : vector<64x128xf32>
    %add3A_1677 = arith.addf %mul3A_1672, %mul3A_1676 : vector<64x128xf32>
    %sub3A_1678 = arith.subf %add3A_1677, %sub3A_1622 : vector<64x128xf32>
    %slice3A_1679 = vector.extract_strided_slice %mul3A_803 {offsets = [31, 0], sizes = [1, 128], strides = [1, 1]} : vector<64x128xf32> to vector<1x128xf32>
    %broadcast_in_dim3A_1680 = vector.shape_cast %slice3A_1679 : vector<1x128xf32> to vector<1x128xf32>
    %broadcast_in_dim3A_1681 = vector.broadcast %broadcast_in_dim3A_1680 : vector<1x128xf32> to vector<64x128xf32>
    %slice3A_1682 = vector.extract_strided_slice %mul3A_803 {offsets = [63, 0], sizes = [1, 128], strides = [1, 1]} : vector<64x128xf32> to vector<1x128xf32>
    %broadcast_in_dim3A_1683 = vector.shape_cast %slice3A_1682 : vector<1x128xf32> to vector<1x128xf32>
    %broadcast_in_dim3A_1684 = vector.broadcast %broadcast_in_dim3A_1683 : vector<1x128xf32> to vector<64x128xf32>
    %lt3A_1685 = arith.constant 32 : i32
    %lt3A_1686 = vector.broadcast %lt3A_1685 : i32 to vector<64x128xi32>
    %lt3A_1687 = arith.cmpi slt, %iota3A, %lt3A_1686 : vector<64x128xi32>
    %select_n3A_1688 = arith.select %lt3A_1687, %broadcast_in_dim3A_1681, %broadcast_in_dim3A_1684 : vector<64x128xi1>, vector<64x128xf32>
    %mul3A_1689 = arith.mulf %select_n3A_1688, %sub3A_1669 : vector<64x128xf32>
    %add3A_1690 = arith.addf %add3A_1662, %mul3A_1689 : vector<64x128xf32>
    %mul3A_1691 = arith.mulf %select_n3A_1688, %sub3A_1678 : vector<64x128xf32>
    %add3A_1692 = arith.addf %add3A_1664, %mul3A_1691 : vector<64x128xf32>
    %mul3A_1693 = arith.constant 3.14159274 : f32
    %mul3A_1694 = vector.broadcast %mul3A_1693 : f32 to vector<64x128xf32>
    %mul3A_1695 = arith.mulf %mul3A_1694, %min3A_44 : vector<64x128xf32>
    %sin3A = math.sin %mul3A_1695 : vector<64x128xf32>
    %mul3A_1696 = arith.constant -1.57079637 : f32
    %mul3A_1697 = vector.broadcast %mul3A_1696 : f32 to vector<64x128xf32>
    %mul3A_1698 = arith.mulf %mul3A_1697, %sin3A : vector<64x128xf32>
    %mul3A_1699 = arith.constant 0.181818187 : f32
    %mul3A_1700 = vector.broadcast %mul3A_1699 : f32 to vector<64x128xf32>
    %mul3A_1701 = arith.mulf %mul3A_1698, %mul3A_1700 : vector<64x128xf32>
    %jit3A_1702 = arith.constant 0.000000e+00 : f32
    %broadcast_in_dim3A_1703 = vector.broadcast %jit3A_1702 : f32 to vector<64x128xf32>
    %select_n3A_1704 = arith.select %and3A, %mul3A_1701, %broadcast_in_dim3A_1703 : vector<64x128xi1>, vector<64x128xf32>
    %mul3A_1705 = arith.constant 0.363636374 : f32
    %mul3A_1706 = vector.broadcast %mul3A_1705 : f32 to vector<64x128xf32>
    %mul3A_1707 = arith.mulf %add3A_1692, %mul3A_1706 : vector<64x128xf32>
    %mul3A_1708 = arith.mulf %mul3A_1707, %convert_element_type3A_38 : vector<64x128xf32>
    %mul3A_1709 = arith.mulf %mul3A_1708, %select_n3A : vector<64x128xf32>
    %mul3A_1710 = arith.mulf %add3A_1690, %select_n3A_1704 : vector<64x128xf32>
    %add3A_1711 = arith.addf %mul3A_1709, %mul3A_1710 : vector<64x128xf32>
    %mul3A_1712 = arith.mulf %add3A_1711, %convert_element_type3A_77 : vector<64x128xf32>
    %div3A = arith.divf %mul3A_1712, %sqrt3A : vector<64x128xf32>
    %mul3A_1713 = arith.mulf %div3A, %get3A_3 : vector<64x128xf32>
    %mul3A_1714 = arith.mulf %div3A, %get3A_8 : vector<64x128xf32>
    %mul3A_1715 = arith.mulf %div3A, %get3A_13 : vector<64x128xf32>
    %swap3A_1716 = arith.constant 0 : index
    %swap3A_1717 = arith.constant 0 : index
    %swap3A_1718 = arith.constant 0 : index
    %swap3A_1719 = vector.load %arg11[%swap3A_1716, %swap3A_1717, %swap3A_1718] : memref<3x64x128xf32, #tpu.memory_space<vmem>>, vector<1x64x128xf32>
    %swap3A_1720 = vector.shape_cast %swap3A_1719 : vector<1x64x128xf32> to vector<64x128xf32>
    %swap3A_1721 = vector.shape_cast %mul3A_1713 : vector<64x128xf32> to vector<1x64x128xf32>
    tpu.vector_store %arg11[%swap3A_1716, %swap3A_1717, %swap3A_1718], %swap3A_1721 {strides = array<i32>} : memref<3x64x128xf32, #tpu.memory_space<vmem>>, vector<1x64x128xf32>,
    %swap3A_1722 = arith.constant 1 : index
    %swap3A_1723 = arith.constant 0 : index
    %swap3A_1724 = arith.constant 0 : index
    %swap3A_1725 = vector.load %arg11[%swap3A_1722, %swap3A_1723, %swap3A_1724] : memref<3x64x128xf32, #tpu.memory_space<vmem>>, vector<1x64x128xf32>
    %swap3A_1726 = vector.shape_cast %swap3A_1725 : vector<1x64x128xf32> to vector<64x128xf32>
    %swap3A_1727 = vector.shape_cast %mul3A_1714 : vector<64x128xf32> to vector<1x64x128xf32>
    tpu.vector_store %arg11[%swap3A_1722, %swap3A_1723, %swap3A_1724], %swap3A_1727 {strides = array<i32>} : memref<3x64x128xf32, #tpu.memory_space<vmem>>, vector<1x64x128xf32>,
    %swap3A_1728 = arith.constant 2 : index
    %swap3A_1729 = arith.constant 0 : index
    %swap3A_1730 = arith.constant 0 : index
    %swap3A_1731 = vector.load %arg11[%swap3A_1728, %swap3A_1729, %swap3A_1730] : memref<3x64x128xf32, #tpu.memory_space<vmem>>, vector<1x64x128xf32>
    %swap3A_1732 = vector.shape_cast %swap3A_1731 : vector<1x64x128xf32> to vector<64x128xf32>
    %swap3A_1733 = vector.shape_cast %mul3A_1715 : vector<64x128xf32> to vector<1x64x128xf32>
    tpu.vector_store %arg11[%swap3A_1728, %swap3A_1729, %swap3A_1730], %swap3A_1733 {strides = array<i32>} : memref<3x64x128xf32, #tpu.memory_space<vmem>>, vector<1x64x128xf32>,
    %reduce_sum3A_1734 = arith.constant dense<0.000000e+00> : vector<128xf32>
    %reduce_sum3A_1735 = vector.multi_reduction <add>, %mul3A_1713, %reduce_sum3A_1734 [0] : vector<64x128xf32> to vector<128xf32>
    %broadcast_in_dim3A_1736 = vector.shape_cast %reduce_sum3A_1735 : vector<128xf32> to vector<1x128xf32>
    %reduce_sum3A_1737 = arith.constant dense<0.000000e+00> : vector<128xf32>
    %reduce_sum3A_1738 = vector.multi_reduction <add>, %mul3A_1714, %reduce_sum3A_1737 [0] : vector<64x128xf32> to vector<128xf32>
    %broadcast_in_dim3A_1739 = vector.shape_cast %reduce_sum3A_1738 : vector<128xf32> to vector<1x128xf32>
    %reduce_sum3A_1740 = arith.constant dense<0.000000e+00> : vector<128xf32>
    %reduce_sum3A_1741 = vector.multi_reduction <add>, %mul3A_1715, %reduce_sum3A_1740 [0] : vector<64x128xf32> to vector<128xf32>
    %broadcast_in_dim3A_1742 = vector.shape_cast %reduce_sum3A_1741 : vector<128xf32> to vector<1x128xf32>
    %broadcast_in_dim3A_1743 = vector.shape_cast %iota3A_804 : vector<1x128xi32> to vector<1x128xi32>
    %broadcast_in_dim3A_1744 = vector.broadcast %broadcast_in_dim3A_1743 : vector<1x128xi32> to vector<64x128xi32>
    %add3A_1745 = arith.constant 10000 : i32
    %add3A_1746 = vector.broadcast %add3A_1745 : i32 to vector<64x128xi32>
    %add3A_1747 = arith.addi %add3A_1746, %broadcast_in_dim3A_1744 : vector<64x128xi32>
    %gt3A_1748 = arith.constant 0.000000e+00 : f32
    %gt3A_1749 = vector.broadcast %gt3A_1748 : f32 to vector<64x128xf32>
    %gt3A_1750 = arith.cmpf ogt, %convert_element_type3A_77, %gt3A_1749 : vector<64x128xf32>
    %get3A_1751 = arith.constant 0 : index
    %get3A_1752 = arith.constant 0 : index
    %get3A_1753 = vector.load %arg3[%get3A_1751, %get3A_1752] : memref<64x128xi32, #tpu.memory_space<vmem>>, vector<64x128xi32>
    %select_n3A_1754 = arith.select %gt3A_1750, %get3A_1753, %add3A_1747 : vector<64x128xi1>, vector<64x128xi32>
    %swap3A_1755 = arith.constant 0 : index
    %swap3A_1756 = arith.constant 0 : index
    %swap3A_1757 = vector.load %arg12[%swap3A_1755, %swap3A_1756] : memref<64x128xi32, #tpu.memory_space<vmem>>, vector<64x128xi32>
    tpu.vector_store %arg12[%swap3A_1755, %swap3A_1756], %select_n3A_1754 {strides = array<i32>} : memref<64x128xi32, #tpu.memory_space<vmem>>, vector<64x128xi32>,
    %swap3A_1758 = arith.constant 0 : index
    %swap3A_1759 = arith.constant 0 : index
    %swap3A_1760 = vector.load %arg10[%swap3A_1758, %swap3A_1759] : memref<8x128xf32, #tpu.memory_space<vmem>>, vector<1x128xf32>
    tpu.vector_store %arg10[%swap3A_1758, %swap3A_1759], %mul3A_814 {strides = array<i32>} : memref<8x128xf32, #tpu.memory_space<vmem>>, vector<1x128xf32>,
    %swap3A_1761 = arith.constant 1 : index
    %swap3A_1762 = arith.constant 0 : index
    %swap3A_1763 = vector.load %arg10[%swap3A_1761, %swap3A_1762] : memref<8x128xf32, #tpu.memory_space<vmem>>, vector<1x128xf32>
    tpu.vector_store %arg10[%swap3A_1761, %swap3A_1762], %broadcast_in_dim3A_1736 {strides = array<i32>} : memref<8x128xf32, #tpu.memory_space<vmem>>, vector<1x128xf32>,
    %swap3A_1764 = arith.constant 2 : index
    %swap3A_1765 = arith.constant 0 : index
    %swap3A_1766 = vector.load %arg10[%swap3A_1764, %swap3A_1765] : memref<8x128xf32, #tpu.memory_space<vmem>>, vector<1x128xf32>
    tpu.vector_store %arg10[%swap3A_1764, %swap3A_1765], %broadcast_in_dim3A_1739 {strides = array<i32>} : memref<8x128xf32, #tpu.memory_space<vmem>>, vector<1x128xf32>,
    %swap3A_1767 = arith.constant 3 : index
    %swap3A_1768 = arith.constant 0 : index
    %swap3A_1769 = vector.load %arg10[%swap3A_1767, %swap3A_1768] : memref<8x128xf32, #tpu.memory_space<vmem>>, vector<1x128xf32>
    tpu.vector_store %arg10[%swap3A_1767, %swap3A_1768], %broadcast_in_dim3A_1742 {strides = array<i32>} : memref<8x128xf32, #tpu.memory_space<vmem>>, vector<1x128xf32>,
    %broadcast_in_dim3A_1770 = arith.constant 0.000000e+00 : f32
    %broadcast_in_dim3A_1771 = vector.broadcast %broadcast_in_dim3A_1770 : f32 to vector<4x128xf32>
    %swap3A_1772 = arith.constant 4 : index
    %swap3A_1773 = arith.constant 0 : index
    %swap3A_1774 = vector.load %arg10[%swap3A_1772, %swap3A_1773] : memref<8x128xf32, #tpu.memory_space<vmem>>, vector<4x128xf32>
    tpu.vector_store %arg10[%swap3A_1772, %swap3A_1773], %broadcast_in_dim3A_1771 {strides = array<i32>} : memref<8x128xf32, #tpu.memory_space<vmem>>, vector<4x128xf32>,
    %eq3A_1775 = arith.constant 0 : i32
    %eq3A_1776 = arith.cmpi eq, %arg0, %eq3A_1775 : i32
    %convert_element_type3A_1777 = arith.extui %eq3A_1776 : i1 to i32
    %cond3A = arith.constant 0 : i32
    %cond3A_1778 = arith.cmpi ne, %convert_element_type3A_1777, %cond3A : i32
    scf.if %cond3A_1778 {
      %broadcast_in_dim3A_1786 = arith.constant 0.000000e+00 : f32
      %broadcast_in_dim3A_1787 = vector.broadcast %broadcast_in_dim3A_1786 : f32 to vector<8x128xf32>
      %swap3A_1788 = arith.constant 0 : index
      %swap3A_1789 = arith.constant 0 : index
      %swap3A_1790 = vector.load %arg13[%swap3A_1788, %swap3A_1789] : memref<8x128xf32, #tpu.memory_space<vmem>>, vector<8x128xf32>
      tpu.vector_store %arg13[%swap3A_1788, %swap3A_1789], %broadcast_in_dim3A_1787 {strides = array<i32>} : memref<8x128xf32, #tpu.memory_space<vmem>>, vector<8x128xf32>,
    } else {
    }
    %get3A_1779 = arith.constant 0 : index
    %get3A_1780 = arith.constant 0 : index
    %get3A_1781 = vector.load %arg13[%get3A_1779, %get3A_1780] : memref<8x128xf32, #tpu.memory_space<vmem>>, vector<1x128xf32>
    %add3A_1782 = arith.addf %get3A_1781, %mul3A_814 : vector<1x128xf32>
    %swap3A_1783 = arith.constant 0 : index
    %swap3A_1784 = arith.constant 0 : index
    %swap3A_1785 = vector.load %arg13[%swap3A_1783, %swap3A_1784] : memref<8x128xf32, #tpu.memory_space<vmem>>, vector<1x128xf32>
    tpu.vector_store %arg13[%swap3A_1783, %swap3A_1784], %add3A_1782 {strides = array<i32>} : memref<8x128xf32, #tpu.memory_space<vmem>>, vector<1x128xf32>,
    return
  }
  func.func @transform_0(%arg0: i32) -> (i32, i32, i32) {
    %c0_i32 = arith.constant 0 : i32
    %c0_i32_0 = arith.constant 0 : i32
    %c0_i32_1 = arith.constant 0 : i32
    return %c0_i32, %c0_i32_0, %arg0 : i32, i32, i32
  }
  func.func @transform_1(%arg0: i32) -> (i32, i32) {
    %c0_i32 = arith.constant 0 : i32
    %c0_i32_0 = arith.constant 0 : i32
    return %c0_i32, %arg0 : i32, i32
  }
  func.func @transform_2(%arg0: i32) -> (i32, i32) {
    %c0_i32 = arith.constant 0 : i32
    %c0_i32_0 = arith.constant 0 : i32
    return %c0_i32, %arg0 : i32, i32
  }
  func.func @transform_3(%arg0: i32) -> (i32, i32) {
    %c0_i32 = arith.constant 0 : i32
    %c0_i32_0 = arith.constant 0 : i32
    %c0_i32_1 = arith.constant 0 : i32
    return %c0_i32, %c0_i32_0 : i32, i32
  }
  func.func @transform_4(%arg0: i32) -> (i32, i32) {
    %c0_i32 = arith.constant 0 : i32
    %c0_i32_0 = arith.constant 0 : i32
    %c0_i32_1 = arith.constant 0 : i32
    return %c0_i32, %c0_i32_0 : i32, i32
  }
  func.func @transform_5(%arg0: i32) -> (i32, i32) {
    %c0_i32 = arith.constant 0 : i32
    %c0_i32_0 = arith.constant 0 : i32
    %c0_i32_1 = arith.constant 0 : i32
    return %c0_i32, %c0_i32_0 : i32, i32
  }
  func.func @transform_6(%arg0: i32) -> (i32, i32) {
    %c0_i32 = arith.constant 0 : i32
    %c0_i32_0 = arith.constant 0 : i32
    %c0_i32_1 = arith.constant 0 : i32
    return %c0_i32, %c0_i32_0 : i32, i32
  }
  func.func @transform_7(%arg0: i32) -> (i32, i32) {
    %c0_i32 = arith.constant 0 : i32
    %c0_i32_0 = arith.constant 0 : i32
    %c0_i32_1 = arith.constant 0 : i32
    return %c0_i32, %c0_i32_0 : i32, i32
  }
  func.func @transform_8(%arg0: i32) -> (i32, i32) {
    %c0_i32 = arith.constant 0 : i32
    %c0_i32_0 = arith.constant 0 : i32
    %c0_i32_1 = arith.constant 0 : i32
    return %c0_i32, %c0_i32_0 : i32, i32
  }
  func.func @transform_9(%arg0: i32) -> (i32, i32) {
    %c0_i32 = arith.constant 0 : i32
    %c0_i32_0 = arith.constant 0 : i32
    return %c0_i32, %arg0 : i32, i32
  }
  func.func @transform_10(%arg0: i32) -> (i32, i32, i32) {
    %c0_i32 = arith.constant 0 : i32
    %c0_i32_0 = arith.constant 0 : i32
    %c0_i32_1 = arith.constant 0 : i32
    return %c0_i32, %c0_i32_0, %arg0 : i32, i32, i32
  }
  func.func @transform_11(%arg0: i32) -> (i32, i32) {
    %c0_i32 = arith.constant 0 : i32
    %c0_i32_0 = arith.constant 0 : i32
    return %c0_i32, %arg0 : i32, i32
  }
  func.func @transform_12(%arg0: i32) -> (i32, i32) {
    %c0_i32 = arith.constant 0 : i32
    %c0_i32_0 = arith.constant 0 : i32
    %c0_i32_1 = arith.constant 0 : i32
    return %c0_i32, %c0_i32_0 : i32, i32
  }
}

</mosaic_0001>

<sc_bundles>
// kernel: kernel.4.cloned.1.call-start
scs
__scs_entry_jumppad:
0x0: {  	(pc) =	sbr.rel $0x88, $3  }
0x1: {  	(tag) =	ssettag $0x0;
	lr =	simm.s32 $0x1  }
0x2: {  	[smem:$0x3F94] =	sst lr;
	_ =	strace $0xD0000000  }
0x3: {  	_ = 	snop  }
0x4: {  	_ = 	snop  }
0x5: {  	_ = 	snop  }
0x6: {  	_ = 	snop  }
0x7: {  	_ = 	snop  }
__scs_overlays_trampoline_lowered:
0x8: {  	[smem:$0x3FA3] =	sst s0  }
0x9: {  	[smem:$0x3FA4] =	sst s1  }
0xa: {  	[smem:$0x3FA5] =	sst s2  }
0xb: {  	[smem:$0x3FA6] =	sst s3  }
0xc: {  	[smem:$0x3FA7] =	sst s4  }
0xd: {  	[smem:$0x3FA8] =	sst s5  }
0xe: {  	[smem:$0x3FA9] =	sst s6  }
0xf: {  	[smem:$0x3FAA] =	sst s7  }
0x10: {  	[smem:$0x3FAB] =	sst s8  }
0x11: {  	[smem:$0x3FAC] =	sst s9;
	s0 =	simm.s32 @!p0 $0x0  }
0x12: {  	s1 =	sld [smem:$0x3F92];
	s0 =	simm.s32 @p0 $0x1  }
0x13: {  	[smem:$0x3FAD] =	sst s0;
	s0 =	simm.s32 @!p1 $0x0  }
0x14: {  	s2 =	sld [smem:$0x3F91];
	s0 =	simm.s32 @p1 $0x1  }
0x15: {  	[smem:$0x3FAE] =	sst s0;
	s0 =	simm.s32 @!p2 $0x0  }
0x16: {  	s3 =	sld [smem:$0x3FDB];
	s0 =	simm.s32 @p2 $0x1  }
0x17: {  	s4 =	simm.s32 $0x1BF5;
	[smem:$0x3FB0] =	sst s0  }
0x18: {  	s0 =	sld [smem:$0x3F93];
	_ =	swait.ge [sflag:s4], $0x0  }
0x19: {  	s7 =	sld [smem:$0x3F94]  }
0x1a: {  	s8 =	sadd.s32 $0xFFFFE003, lr  }
0x1b: {  	s9 =	sadd.s32 $0xFFFFFEF7, lr;
	s5 =	simm.s32 $0xFFFFFFFF;
	p2 =	slt.u32 s8, $0xFFFFF086  }
0x1c: {  	p1 =	slt.u32 s9, $0xF7A;
	s5 =	simm.s32 @!p2 $0x0  }
0x1d: {  	s5 =	simm.s32 @p1 $0x1;
	p0 =	seq.s32 s7, s2  }
0x1e: {  	s7 =	smul.u32 @!p0 $0xF7A, s2;
	p2 =	seq.s32 @!p0 s5, $0x0  }
0x1f: {  	s9 =	smul.u32 $0xF7A, s1;
	s8 =	simm.s32 @!p0 $0x1BF5;
	p2 =	por !p2, p0  }
0x20: {  	[sflag:s8] =	ssyncset.s32 @!p0 $0xFFFFF086;
	s6 =	sadd.s32 @!p0 s3, s7;
	s7 =	simm.s32 @!p0 $0x108  }
0x21: {  	s3 =	sadd.s32 s3, s9;
	s6 =	sadd.s32 @!p0 $0x88, s6;
	s7 =	simm.s32 @p2 $0x1082  }
0x22: {  	[simem:s7], [sflag:s8] =	dma.local @!p0 [hbm:s6], $0xF7A  }
0x23: {  	s9 =	sor.u32 $0xD0000000, s2;
	s6 =	simm.s32 $0x108;
	_ =	swait.ge @!p0 [sflag:s8], $0x0  }
0x24: {  	s3 =	sadd.s32 $0x88, s3;
	s6 =	simm.s32 @!p1 $0x1082;
	[sflag:s4] =	ssyncset.s32 $0xFFFFF086  }
0x25: {  	[simem:s6], [sflag:s4] =	dma.local [hbm:s3], $0xF7A  }
0x26: {  	[smem:$0x3F94] =	sst s1;
	(tag) =	ssettag s2;
	_ =	strace s9  }
0x27: {  	s1 =	sld [smem:$0x3FA4]  }
0x28: {  	s2 =	sld [smem:$0x3FA5]  }
0x29: {  	s4 =	sld [smem:$0x3FA7]  }
0x2a: {  	p0 =	seq.s32 s5, $0x0;
	s5 =	sld [smem:$0x3FA8]  }
0x2b: {  	s6 =	sld [smem:$0x3FA9]  }
0x2c: {  	s7 =	sld [smem:$0x3FAA]  }
0x2d: {  	s3 =	simm.s32 $0x108;
	s8 =	sld [smem:$0x3FAB]  }
0x2e: {  	s3 =	simm.s32 @!p0 $0x1082;
	s9 =	sld [smem:$0x3FAC]  }
0x2f: {  	lr =	sadd.s32 s0, s3;
	s0 =	sld [smem:$0x3FA3]  }
0x30: {  	s3 =	sld [smem:$0x3FA6]  }
0x31: {  	[smem:$0x3FAF] =	sst s10  }
0x32: {  	s10 =	sld [smem:$0x3FAD];
	_ =	sdelay $0x3  }
0x33: {  	p0 =	seq.s32 s10, $0x1;
	s10 =	sld [smem:$0x3FAF];
	_ =	sdelay $0x3  }
0x34: {  	[smem:$0x3FAF] =	sst s10  }
0x35: {  	s10 =	sld [smem:$0x3FAE];
	_ =	sdelay $0x3  }
0x36: {  	p1 =	seq.s32 s10, $0x1;
	s10 =	sld [smem:$0x3FAF];
	_ =	sdelay $0x3  }
0x37: {  	[smem:$0x3FAF] =	sst s10  }
0x38: {  	s10 =	sld [smem:$0x3FB0]  }
0x39: {  	_ = 	snop;
	(pc) =	sbr.ind lr, $3  }
0x3a: {  	_ = 	snop  }
0x3b: {  	_ = 	snop  }
0x3c: {  	p2 =	seq.s32 s10, $0x1;
	s10 =	sld [smem:$0x3FAF]  }
0x3d: {  	_ =	shalt  }
0x3e: {  	_ =	shalt  }
0x3f: {  	_ =	shalt  }
0x40: {  	_ =	shalt  }
0x41: {  	_ =	shalt  }
0x42: {  	_ =	shalt  }
0x43: {  	_ =	shalt  }
0x44: {  	_ =	shalt  }
0x45: {  	_ =	shalt  }
0x46: {  	_ =	shalt  }
0x47: {  	_ =	shalt  }
0x48: {  	_ =	shalt  }
0x49: {  	_ =	shalt  }
0x4a: {  	_ =	shalt  }
0x4b: {  	_ =	shalt  }
0x4c: {  	_ =	shalt  }
0x4d: {  	_ =	shalt  }
0x4e: {  	_ =	shalt  }
0x4f: {  	_ =	shalt  }
0x50: {  	_ =	shalt  }
0x51: {  	_ =	shalt  }
0x52: {  	_ =	shalt  }
0x53: {  	_ =	shalt  }
0x54: {  	_ =	shalt  }
0x55: {  	_ =	shalt  }
0x56: {  	_ =	shalt  }
0x57: {  	_ =	shalt  }
0x58: {  	_ =	shalt  }
0x59: {  	_ =	shalt  }
0x5a: {  	_ =	shalt  }
0x5b: {  	_ =	shalt  }
0x5c: {  	_ =	shalt  }
0x5d: {  	_ =	shalt  }
0x5e: {  	_ =	shalt  }
0x5f: {  	_ =	shalt  }
0x60: {  	_ =	shalt  }
0x61: {  	_ =	shalt  }
0x62: {  	_ =	shalt  }
0x63: {  	_ =	shalt  }
0x64: {  	_ =	shalt  }
0x65: {  	_ =	shalt  }
0x66: {  	_ =	shalt  }
0x67: {  	_ =	shalt  }
0x68: {  	_ =	shalt  }
0x69: {  	_ =	shalt  }
0x6a: {  	_ =	shalt  }
0x6b: {  	_ =	shalt  }
0x6c: {  	_ =	shalt  }
0x6d: {  	_ =	shalt  }
0x6e: {  	_ =	shalt  }
0x6f: {  	_ =	shalt  }
0x70: {  	_ =	shalt  }
0x71: {  	_ =	shalt  }
0x72: {  	_ =	shalt  }
0x73: {  	_ =	shalt  }
0x74: {  	_ =	shalt  }
0x75: {  	_ =	shalt  }
0x76: {  	_ =	shalt  }
0x77: {  	_ =	shalt  }
0x78: {  	_ =	shalt  }
0x79: {  	_ =	shalt  }
0x7a: {  	_ =	shalt  }
0x7b: {  	_ =	shalt  }
0x7c: {  	_ =	shalt  }
0x7d: {  	_ =	shalt  }
0x7e: {  	_ =	shalt  }
0x7f: {  	_ =	shalt  }
0x80: {  	_ =	shalt  }
0x81: {  	_ =	shalt  }
0x82: {  	_ =	shalt  }
0x83: {  	_ =	shalt  }
0x84: {  	_ =	shalt  }
0x85: {  	_ =	shalt  }
0x86: {  	_ =	shalt  }
0x87: {  	_ =	shalt  }
.Lfunc_end0:
.L_simem_size_0:
called_computation_lowered:
.L_overlay_start_0:
0x88: {  	s2 =	sld [smem:$0x3FD9]  }
0x89: {  	s3 =	sld [smem:$0x3FFE];
	_ =	sdelay $0x1  }
0x8a: {  	s1 =	srdreg.scid  }
0x8b: {  	s0 =	sand.u32 $0x1, s1  }
0x8c: {  	s16 =	sshll.u32 s0, $0xA;
	s2 =	sadd.s32 s3, s2  }
0x8d: {  	s2 =	sadd.s32 s2, s16  }
0x8e: {  	[smem:$0x3FBB] =	sst s2  }
0x8f: {  	_ = 	snop  }
0x90: {  	(tm) =	ssettm $0x1  }
0x91: {  	s17 =	sld [smem:$0x3FFB];
	_ =	sdelay $0x3  }
0x92: {  	_ =	strace s17  }
0x93: {  	s2 =	sld [smem:$0x3FFC];
	_ =	sdelay $0x3  }
0x94: {  	_ =	strace s2  }
0x95: {  	s2 =	sld [smem:$0x3FFD];
	_ =	sdelay $0x3  }
0x96: {  	_ =	strace s2  }
0x97: {  	_ =	strace $0x8FFFFFFF  }
0x98: {  	s18 =	sld [smem:$0x3FDB];
	_ =	sdelay $0x1  }
0x99: {  	s19 =	simm.s32 $_scs_section_size  }
0x9a: {  	s4 =	simm.s32 $_size__tile_overlayer_lowered;
	s5 =	simm.s32 $_tile_overlayer_lowered  }
0x9b: {  	s22 =	simm.s32 $0x1BFF;
	s21 =	sshll.u32 s5, $0x1;
	s2 =	sadd.s32 s19, s18  }
0x9c: {  	s6 =	simm.s32 $0x0;
	s20 =	sshll.u32 s4, $0x1;
	s4 =	sadd.s32 s21, s2  }
0x9d: {  	[timem:s6], [sflag:s22] =	dma.local [hbm:s4], s20  }
0x9e: {  	_ =	swait.ge [sflag:s22], s20  }
0x9f: {  	s3 =	ssub.s32 $0x0, s20;
	[sflag:s22] =	ssyncset.done $0x0  }
0xa0: {  	[sflag:s22] =	ssyncadd.s32 s3;
	_ =	sdelay $0x1  }
0xa1: {  	s23 =	simm.s32 $0x1B8B  }
0xa2: {  	_ =	swait.ge [sflag:s23], $0x1  }
0xa3: {  	[sflag:s23] =	ssyncset.done $0x0  }
0xa4: {  	s25 =	simm.s32 $0x1B8E;
	s24 =	sld [smem:$0x3FFE];
	[sflag:s23] =	ssyncadd.s32 $0xFFFFFFFF  }
0xa5: {  	s26 =	simm.s32 $execute0_lowered;
	[smem:$0x3FD2] =	sst s25  }
0xa6: {  	s4 =	sshll.u32 s26, $0x1;
	_ =	strace $0x80000046;
	[dreg:$0x1] =	wrdreg $0xFFFFFFFF  }
0xa7: {  	s28 =	simm.s32 $_size_execute0_lowered;
	s2 =	sadd.s32 s2, s4;
	[dreg:$0x0] =	wrdreg $0x0  }
0xa8: {  	s4 =	sshll.u32 s28, $0x1;
	[dreg:$0x2] =	wrdreg s2  }
0xa9: {  	[dreg:$0x3] =	wrdreg s4  }
0xaa: {  	[dreg:$0x4] =	wrdreg $0xC0  }
0xab: {  	_ =	task [dreg:s6], $0x5FFFF  }
0xac: {  	[dreg:$0x1] =	wrdreg $0xFFFFFFFF  }
0xad: {  	[dreg:$0x0] =	wrdreg $0x60  }
0xae: {  	[dreg:$0x2] =	wrdreg s24  }
0xaf: {  	[dreg:$0x3] =	wrdreg $0x142800  }
0xb0: {  	[dreg:$0x4] =	wrdreg $0x145000  }
0xb1: {  	[dreg:$0x5] =	wrdreg $0x147800  }
0xb2: {  	[dreg:$0x6] =	wrdreg $0x9  }
0xb3: {  	_ =	task.clear_ibuf [dreg:s6], $0x7FFFF;
	_ =	strace $0x90000046  }
0xb4: {  	s29 =	simm.s32 $0x9;
	_ =	strace $0x80000048  }
0xb5: {  	_ =	swait.ge [sflag:s29], $0x1  }
0xb6: {  	[sflag:s29] =	ssyncadd.s32 $0xFFFFFFFF  }
0xb7: {  	_ =	strace $0x90000048  }
0xb8: {  	_ =	sfence  }
0xb9: {  	s30 =	sld [smem:$0x0];
	_ =	sdelay $0x2  }
0xba: {  	s31 =	sshll.u32 s1, $0xD;
	s1 =	sshrl.u32 s1, $0x2  }
0xbb: {  	s3 =	sand.u32 $0x4000, s31;
	s1 =	sadd.s32 s1, s30  }
0xbc: {  	s0 =	sor.u32 s3, s0;
	s1 =	sshll.u32 s1, $0x11  }
0xbd: {  	s0 =	sor.u32 s1, s0  }
0xbe: {  	s0 =	sadd.s32 $0x8F2B, s0  }
0xbf: {  	[sflag:s0] =	ssyncadd.remote.s32 $0x1  }
0xc0: {  	_ =	sfence.sel $0xFFFF  }
0xc1: {  	[dreg:$0x0] =	wrdreg $0xFFFFFFFF;
	(pc) =	sbr.abs _section_cstart, $3  }
0xc2: {  	[dreg:$0x1] =	wrdreg $0xFFFFFFFF  }
0xc3: {  	_ =	task.clear_ibuf [dreg:s6], $0x2FFFF;
	_ =	strace $0x9FFFFFFF  }
0xc4: {  	(tm) =	ssettm $0x7FFFFFFF  }
0xc5: {  	_ =	shalt  }
tec
execute0_lowered:
.L_overlay_start_1:
0x0: {  	(tag) =	ssettag $0x1  }
0x1: {  	s9 =	rddreg [dreg:$0x0]  }
0x2: {  	s1 =	rddreg [dreg:$0x1]  }
0x3: {  	s2 =	rddreg [dreg:$0x2]  }
0x4: {  	s4 =	rddreg [dreg:$0x3]  }
0x5: {  	s0 =	rddreg [dreg:$0x4]  }
0x6: {  	s6 =	srdreg.scid;
	s5 =	simm.s32 $0x0;
	s3 =	stileid.u32  }
0x7: {  	s17 =	simm.s32 $0x100;
	s18 =	simm.s32 $0x400;
	s19 =	simm.s32 $0x2  }
0x8: {  	s20 =	simm.s32 $0x14000;
	s21 =	simm.s32 $0x80;
	s22 =	simm.s32 $0x1  }
0x9: {  	s23 =	simm.s32 $0x0;
	s6 =	sand.u32 $0x1, s6;
	s12 =	smul.u32 $0x280, s3  }
0xa: {  	s8 =	sshll.u32 s3, $0x1;
	[smem:$0x7FF] =	sst s5;
	s28 =	sshll.u32 s3, $0x8  }
0xb: {  	s7 =	sshll.u32 s6, $0x5;
	s10 =	smul.u32 $0x7800, s6;
	s6 =	ssub.s32 $0x2, s6  }
0xc: {  	_ =	strace $0x80000047;
	s7 =	sor.u32 s8, s7;
	s29 =	sshrl.u32 s6, $0x1  }
0xd: {  	s11 =	sadd.s32 s12, s2;
	s7 =	sshrl.u32 s7, $0x3;
	s26 =	sadd.s32 s12, s10  }
0xe: {  	s16 =	ssub.s32 s6, s29;
	s7 =	smul.u32 $0x14000, s7;
	s8 =	sshrl.u32 s26, $0x3  }
0xf: {  	s10 =	sand.u32 $0x300, s28;
	s16 =	smax.u32 s16, $0x1;
	s15 =	sadd.s32 s8, s9  }
0x10: {  	s7 =	sor.u32 s10, s7;
	s13 =	sadd.s32 $0x50000, s15;
	s14 =	sadd.s32 $0x50500, s15  }
0x11: {  	s15 =	sadd.s32 $0x50A00, s15;
	s30 =	sshrl.u32 s7, $0x3;
	s31 =	sadd.s32 $0xA0000, s7  }
0x12: {  	s10 =	sadd.s32 $0x140000, s7;
	s6 =	sadd.s32 s9, s30;
	s8 =	sshrl.u32 s31, $0x3  }
0x13: {  	s10 =	sshrl.u32 s10, $0x3;
	s7 =	sadd.s32 $0x3C000, s6;
	s8 =	sadd.s32 s9, s8  }
0x14: {  	v0 =	vimm.f32 $0.0e+00;
	s9 =	sadd.s32 s9, s10;
	s10 =	sadd.s32 s12, s1;
	s12 =	sadd.s32 s12, s4  }
.LBB2_1:
0x15: {  	[tilespmem:s5], [sflag:$0x2] =	stream.strided.gather [hbm4b:s7+s17], $0x5000, s18, s17, $0x38;
	[tilespmem:$0x14A00] =	vst v63  }
0x16: {  	_ =	swait.ge [sflag:s19], $0x5000  }
0x17: {  	[sflag:s19] =	ssyncset.done $0x0  }
0x18: {  	s24 =	simm.s32 $0x5000;
	[sflag:s19] =	ssyncadd.s32 $0xFFFFB000  }
0x19: {  	[tilespmem:s24], [sflag:$0x2] =	stream.strided.gather [hbm4b:s6+s17], $0x5000, s18, s17, $0x38;
	[tilespmem:$0x14A00] =	vst v63  }
0x1a: {  	_ =	swait.ge [sflag:s19], $0x5000  }
0x1b: {  	[sflag:s19] =	ssyncset.done $0x0  }
0x1c: {  	s25 =	simm.s32 $0xA000;
	[sflag:s19] =	ssyncadd.s32 $0xFFFFB000  }
0x1d: {  	[tilespmem:s25], [sflag:$0x2] =	stream.strided.gather [hbm4b:s8+s17], $0x5000, s18, s17, $0x38;
	[tilespmem:$0x14A00] =	vst v63  }
0x1e: {  	_ =	swait.ge [sflag:s19], $0x5000  }
0x1f: {  	[sflag:s19] =	ssyncset.done $0x0  }
0x20: {  	s26 =	simm.s32 $0xF000;
	[sflag:s19] =	ssyncadd.s32 $0xFFFFB000  }
0x21: {  	[tilespmem:s26], [sflag:$0x2] =	stream.strided.gather [hbm4b:s9+s17], $0x5000, s18, s17, $0x38;
	[tilespmem:$0x14A00] =	vst v63  }
0x22: {  	_ =	swait.ge [sflag:s19], $0x5000  }
0x23: {  	[sflag:s19] =	ssyncset.done $0x0  }
0x24: {  	[sflag:s19] =	ssyncadd.s32 $0xFFFFB000  }
0x25: {  	[tilespmem:$0x14000] =	vst v0  }
0x26: {  	[tilespmem:$0x14010] =	vst v0  }
0x27: {  	[tilespmem:$0x14020] =	vst v0  }
0x28: {  	[tilespmem:$0x14030] =	vst v0  }
0x29: {  	[tilespmem:$0x14040] =	vst v0  }
0x2a: {  	[tilespmem:$0x14050] =	vst v0  }
0x2b: {  	[tilespmem:$0x14060] =	vst v0  }
0x2c: {  	[tilespmem:$0x14070] =	vst v0  }
0x2d: {  	[tilespmem:$0x14080] =	vst v0  }
0x2e: {  	[tilespmem:$0x14090] =	vst v0  }
0x2f: {  	[tilespmem:$0x140A0] =	vst v0  }
0x30: {  	[tilespmem:$0x140B0] =	vst v0  }
0x31: {  	[tilespmem:$0x140C0] =	vst v0  }
0x32: {  	[tilespmem:$0x140D0] =	vst v0  }
0x33: {  	[tilespmem:$0x140E0] =	vst v0  }
0x34: {  	[tilespmem:$0x140F0] =	vst v0  }
0x35: {  	[tilespmem:$0x14100] =	vst v0  }
0x36: {  	[tilespmem:$0x14110] =	vst v0  }
0x37: {  	[tilespmem:$0x14120] =	vst v0  }
0x38: {  	[tilespmem:$0x14130] =	vst v0  }
0x39: {  	[tilespmem:$0x14140] =	vst v0  }
0x3a: {  	[tilespmem:$0x14150] =	vst v0  }
0x3b: {  	[tilespmem:$0x14160] =	vst v0  }
0x3c: {  	[tilespmem:$0x14170] =	vst v0  }
0x3d: {  	[tilespmem:$0x14180] =	vst v0  }
0x3e: {  	[tilespmem:$0x14190] =	vst v0  }
0x3f: {  	[tilespmem:$0x141A0] =	vst v0  }
0x40: {  	[tilespmem:$0x141B0] =	vst v0  }
0x41: {  	[tilespmem:$0x141C0] =	vst v0  }
0x42: {  	[tilespmem:$0x141D0] =	vst v0  }
0x43: {  	[tilespmem:$0x141E0] =	vst v0  }
0x44: {  	[tilespmem:$0x141F0] =	vst v0  }
0x45: {  	[tilespmem:$0x14200] =	vst v0  }
0x46: {  	[tilespmem:$0x14210] =	vst v0  }
0x47: {  	[tilespmem:$0x14220] =	vst v0  }
0x48: {  	[tilespmem:$0x14230] =	vst v0  }
0x49: {  	[tilespmem:$0x14240] =	vst v0  }
0x4a: {  	[tilespmem:$0x14250] =	vst v0  }
0x4b: {  	[tilespmem:$0x14260] =	vst v0  }
0x4c: {  	[tilespmem:$0x14270] =	vst v0  }
0x4d: {  	[spmem:s10] =	stream.linear.scatter [tilespmem:s20], [sflag:$0x2], $0x280, $0x38;
	[tilespmem:$0x14A00] =	vst v63  }
0x4e: {  	_ =	swait.ge [sflag:s19], $0x280  }
0x4f: {  	[sflag:s19] =	ssyncset.done $0x0  }
0x50: {  	[sflag:s19] =	ssyncadd.s32 $0xFFFFFD80  }
0x51: {  	[spmem:s11] =	stream.linear.scatter [tilespmem:s20], [sflag:$0x2], $0x280, $0x38;
	[tilespmem:$0x14A00] =	vst v63  }
0x52: {  	_ =	swait.ge [sflag:s19], $0x280  }
0x53: {  	[sflag:s19] =	ssyncset.done $0x0  }
0x54: {  	[sflag:s19] =	ssyncadd.s32 $0xFFFFFD80  }
0x55: {  	[spmem:s12] =	stream.linear.scatter [tilespmem:s20], [sflag:$0x2], $0x280, $0x38;
	[tilespmem:$0x14A00] =	vst v63  }
0x56: {  	_ =	swait.ge [sflag:s19], $0x280  }
0x57: {  	[sflag:s19] =	ssyncset.done $0x0  }
0x58: {  	[sflag:s19] =	ssyncadd.s32 $0xFFFFFD80  }
0x59: {  	[bflag:$0x0] =	sbarrier.arrive $0xFFFF  }
0x5a: {  	[spmem:s1] =	stream.indirect.scatter.add.f32 [tilespmem:s24], [sflag:$0x1], $0x1, s5, s21, $0xb8;
	[tilespmem:$0x14A00] =	vst v63  }
0x5b: {  	p0 =	por $0x1, $0x1  }
0x5c: {  	[spmem:s2] =	stream.indirect.scatter.add.f32 [tilespmem:s25], [sflag:$0x1], $0x1, s5, s21, $0xb8;
	[tilespmem:$0x14A00] =	vst v63  }
0x5d: {  	s28 =	simm.s32 @!p0 $0x1  }
0x5e: {  	[spmem:s4] =	stream.indirect.scatter.add.f32 [tilespmem:s26], [sflag:$0x1], $0x1, s5, s21, $0xb8;
	[tilespmem:$0x14A00] =	vst v63  }
0x5f: {  	_ =	swait.ge @!p0 [sflag:s28], $0x80  }
0x60: {  	[sflag:s28] =	ssyncset.done @!p0 $0x0  }
0x61: {  	[sflag:s28] =	ssyncadd.s32 @!p0 $0xFFFFFF80  }
0x62: {  	_ =	swait.ge @!p0 [sflag:s28], $0x80  }
0x63: {  	[sflag:s28] =	ssyncset.done @!p0 $0x0  }
0x64: {  	s29 =	simm.s32 $0x100;
	s30 =	simm.s32 $0xA100;
	[sflag:s28] =	ssyncadd.s32 @!p0 $0xFFFFFF80  }
0x65: {  	s25 =	simm.s32 $0x1;
	s26 =	simm.s32 $0xF100;
	_ =	swait.ge @!p0 [sflag:s28], $0x80  }
.LBB2_2:
0x66: {  	[sflag:s28] =	ssyncset.done @!p0 $0x0  }
0x67: {  	s24 =	sadd.s32 $0x100, s24;
	s31 =	smov.u32 s25;
	s25 =	sadd.s32 $0x1, s25  }
0x68: {  	p1 =	sne.s32 s25, $0x50;
	[sflag:s28] =	ssyncadd.s32 @!p0 $0xFFFFFF80  }
0x69: {  	[spmem:s1] =	stream.indirect.scatter.add.f32 [tilespmem:s24], [sflag:$0x1], $0x1, s29, s21, $0xb8;
	[tilespmem:$0x14A00] =	vst v63  }
0x6a: {  	_ = 	snop  }
0x6b: {  	[spmem:s2] =	stream.indirect.scatter.add.f32 [tilespmem:s30], [sflag:$0x1], $0x1, s29, s21, $0xb8;
	[tilespmem:$0x14A00] =	vst v63  }
0x6c: {  	p0 =	slt.u32 s31, $0x8  }
0x6d: {  	[spmem:s4] =	stream.indirect.scatter.add.f32 [tilespmem:s26], [sflag:$0x1], $0x1, s29, s21, $0xb8;
	[tilespmem:$0x14A00] =	vst v63  }
0x6e: {  	s28 =	simm.s32 @!p0 $0x1  }
0x6f: {  	_ =	swait.ge @!p0 [sflag:s28], $0x80  }
0x70: {  	[sflag:s28] =	ssyncset.done @!p0 $0x0  }
.Ltmp0:
0x71: {  	[sflag:s28] =	ssyncadd.s32 @!p0 $0xFFFFFF80;
	(pc) =	sbr.rel @p1 .LBB2_2-.Ltmp0, $4  }
0x72: {  	_ =	swait.ge @!p0 [sflag:s28], $0x80  }
0x73: {  	[sflag:s28] =	ssyncset.done @!p0 $0x0  }
0x74: {  	s26 =	sadd.s32 $0x100, s26;
	[sflag:s28] =	ssyncadd.s32 @!p0 $0xFFFFFF80  }
0x75: {  	s30 =	sadd.s32 $0x100, s30;
	s29 =	sadd.s32 $0x100, s29;
	_ =	swait.ge @!p0 [sflag:s28], $0x80  }
0x76: {  	[sflag:s28] =	ssyncset.done @!p0 $0x0  }
0x77: {  	[sflag:s28] =	ssyncadd.s32 @!p0 $0xFFFFFF80  }
0x78: {  	_ =	swait.ge [sflag:s22], $0x80  }
0x79: {  	[sflag:s22] =	ssyncset.done $0x0  }
0x7a: {  	[sflag:s22] =	ssyncadd.s32 $0xFFFFFF80  }
0x7b: {  	_ =	swait.ge [sflag:s22], $0x80  }
0x7c: {  	[sflag:s22] =	ssyncset.done $0x0  }
0x7d: {  	[sflag:s22] =	ssyncadd.s32 $0xFFFFFF80  }
0x7e: {  	_ =	swait.ge [sflag:s22], $0x80  }
0x7f: {  	[sflag:s22] =	ssyncset.done $0x0  }
0x80: {  	[sflag:s22] =	ssyncadd.s32 $0xFFFFFF80  }
0x81: {  	_ =	swait.ge [sflag:s22], $0x80  }
0x82: {  	[sflag:s22] =	ssyncset.done $0x0  }
0x83: {  	[sflag:s22] =	ssyncadd.s32 $0xFFFFFF80  }
0x84: {  	_ =	swait.ge [sflag:s22], $0x80  }
0x85: {  	[sflag:s22] =	ssyncset.done $0x0  }
0x86: {  	[sflag:s22] =	ssyncadd.s32 $0xFFFFFF80  }
0x87: {  	_ =	swait.ge [sflag:s22], $0x80  }
0x88: {  	[sflag:s22] =	ssyncset.done $0x0  }
0x89: {  	[sflag:s22] =	ssyncadd.s32 $0xFFFFFF80  }
0x8a: {  	_ =	swait.ge [sflag:s22], $0x80  }
0x8b: {  	[sflag:s22] =	ssyncset.done $0x0  }
0x8c: {  	[sflag:s22] =	ssyncadd.s32 $0xFFFFFF80  }
0x8d: {  	_ =	swait.ge [sflag:s22], $0x80  }
0x8e: {  	[sflag:s22] =	ssyncset.done $0x0  }
0x8f: {  	[sflag:s22] =	ssyncadd.s32 $0xFFFFFF80  }
0x90: {  	_ =	swait.ge [sflag:s22], $0x80  }
0x91: {  	[sflag:s22] =	ssyncset.done $0x0  }
0x92: {  	[sflag:s22] =	ssyncadd.s32 $0xFFFFFF80  }
0x93: {  	_ =	swait.ge [sflag:s22], $0x80  }
0x94: {  	[sflag:s22] =	ssyncset.done $0x0  }
0x95: {  	[sflag:s22] =	ssyncadd.s32 $0xFFFFFF80  }
0x96: {  	_ =	swait.ge [sflag:s22], $0x80  }
0x97: {  	[sflag:s22] =	ssyncset.done $0x0  }
0x98: {  	[sflag:s22] =	ssyncadd.s32 $0xFFFFFF80  }
0x99: {  	_ =	swait.ge [sflag:s22], $0x80  }
0x9a: {  	[sflag:s22] =	ssyncset.done $0x0  }
0x9b: {  	[sflag:s22] =	ssyncadd.s32 $0xFFFFFF80  }
0x9c: {  	_ =	swait.ge [sflag:s22], $0x80  }
0x9d: {  	[sflag:s22] =	ssyncset.done $0x0  }
0x9e: {  	[sflag:s22] =	ssyncadd.s32 $0xFFFFFF80  }
0x9f: {  	_ =	swait.ge [sflag:s22], $0x80  }
0xa0: {  	[sflag:s22] =	ssyncset.done $0x0  }
0xa1: {  	[sflag:s22] =	ssyncadd.s32 $0xFFFFFF80  }
0xa2: {  	_ =	swait.ge [sflag:s22], $0x80  }
0xa3: {  	[sflag:s22] =	ssyncset.done $0x0  }
0xa4: {  	[sflag:s22] =	ssyncadd.s32 $0xFFFFFF80  }
0xa5: {  	_ =	swait.ge [sflag:s22], $0x80  }
0xa6: {  	[sflag:s22] =	ssyncset.done $0x0  }
0xa7: {  	[sflag:s22] =	ssyncadd.s32 $0xFFFFFF80  }
0xa8: {  	_ =	swait.ge [sflag:s22], $0x80  }
0xa9: {  	[sflag:s22] =	ssyncset.done $0x0  }
0xaa: {  	[sflag:s22] =	ssyncadd.s32 $0xFFFFFF80  }
0xab: {  	_ =	swait.ge [sflag:s22], $0x80  }
0xac: {  	[sflag:s22] =	ssyncset.done $0x0  }
0xad: {  	[sflag:s22] =	ssyncadd.s32 $0xFFFFFF80  }
0xae: {  	_ =	swait.ge [sflag:s22], $0x80  }
0xaf: {  	[sflag:s22] =	ssyncset.done $0x0  }
0xb0: {  	[sflag:s22] =	ssyncadd.s32 $0xFFFFFF80  }
0xb1: {  	_ =	swait.ge [sflag:s22], $0x80  }
0xb2: {  	[sflag:s22] =	ssyncset.done $0x0  }
0xb3: {  	[sflag:s22] =	ssyncadd.s32 $0xFFFFFF80  }
0xb4: {  	_ =	swait.ge [sflag:s22], $0x80  }
0xb5: {  	[sflag:s22] =	ssyncset.done $0x0  }
0xb6: {  	[sflag:s22] =	ssyncadd.s32 $0xFFFFFF80  }
0xb7: {  	_ =	swait.ge [sflag:s22], $0x80  }
0xb8: {  	[sflag:s22] =	ssyncset.done $0x0  }
0xb9: {  	[sflag:s22] =	ssyncadd.s32 $0xFFFFFF80  }
0xba: {  	_ =	swait.ge [sflag:s22], $0x80  }
0xbb: {  	[sflag:s22] =	ssyncset.done $0x0  }
0xbc: {  	[sflag:s22] =	ssyncadd.s32 $0xFFFFFF80  }
0xbd: {  	_ =	swait.ge [sflag:s22], $0x80  }
0xbe: {  	[sflag:s22] =	ssyncset.done $0x0  }
0xbf: {  	s24 =	simm.s32 $0x5080;
	s25 =	simm.s32 $0x80;
	[sflag:s22] =	ssyncadd.s32 $0xFFFFFF80  }
0xc0: {  	[spmem:s1] =	stream.indirect.scatter.add.f32 [tilespmem:s24], [sflag:$0x1], $0x1, s25, s21, $0xb8;
	[tilespmem:$0x14A00] =	vst v63  }
0xc1: {  	s26 =	simm.s32 $0xA080;
	p0 =	por $0x1, $0x1  }
0xc2: {  	[spmem:s2] =	stream.indirect.scatter.add.f32 [tilespmem:s26], [sflag:$0x1], $0x1, s25, s21, $0xb8;
	[tilespmem:$0x14A00] =	vst v63  }
0xc3: {  	s31 =	simm.s32 $0xF080;
	s28 =	simm.s32 @!p0 $0x1  }
0xc4: {  	[spmem:s4] =	stream.indirect.scatter.add.f32 [tilespmem:s31], [sflag:$0x1], $0x1, s25, s21, $0xb8;
	[tilespmem:$0x14A00] =	vst v63  }
0xc5: {  	_ =	swait.ge @!p0 [sflag:s28], $0x80  }
0xc6: {  	[sflag:s28] =	ssyncset.done @!p0 $0x0  }
0xc7: {  	[sflag:s28] =	ssyncadd.s32 @!p0 $0xFFFFFF80  }
0xc8: {  	_ =	swait.ge @!p0 [sflag:s28], $0x80  }
0xc9: {  	[sflag:s28] =	ssyncset.done @!p0 $0x0  }
0xca: {  	s29 =	simm.s32 $0x180;
	s30 =	simm.s32 $0xA180;
	[sflag:s28] =	ssyncadd.s32 @!p0 $0xFFFFFF80  }
0xcb: {  	s26 =	simm.s32 $0xF180;
	s25 =	simm.s32 $0x1;
	_ =	swait.ge @!p0 [sflag:s28], $0x80  }
.LBB2_4:
0xcc: {  	[sflag:s28] =	ssyncset.done @!p0 $0x0  }
0xcd: {  	s24 =	sadd.s32 $0x100, s24;
	s31 =	smov.u32 s25;
	s25 =	sadd.s32 $0x1, s25  }
0xce: {  	p1 =	sne.s32 s25, $0x50;
	[sflag:s28] =	ssyncadd.s32 @!p0 $0xFFFFFF80  }
0xcf: {  	[spmem:s1] =	stream.indirect.scatter.add.f32 [tilespmem:s24], [sflag:$0x1], $0x1, s29, s21, $0xb8;
	[tilespmem:$0x14A00] =	vst v63  }
0xd0: {  	_ = 	snop  }
0xd1: {  	[spmem:s2] =	stream.indirect.scatter.add.f32 [tilespmem:s30], [sflag:$0x1], $0x1, s29, s21, $0xb8;
	[tilespmem:$0x14A00] =	vst v63  }
0xd2: {  	p0 =	slt.u32 s31, $0x8  }
0xd3: {  	[spmem:s4] =	stream.indirect.scatter.add.f32 [tilespmem:s26], [sflag:$0x1], $0x1, s29, s21, $0xb8;
	[tilespmem:$0x14A00] =	vst v63  }
0xd4: {  	s28 =	simm.s32 @!p0 $0x1  }
0xd5: {  	_ =	swait.ge @!p0 [sflag:s28], $0x80  }
0xd6: {  	[sflag:s28] =	ssyncset.done @!p0 $0x0  }
.Ltmp1:
0xd7: {  	[sflag:s28] =	ssyncadd.s32 @!p0 $0xFFFFFF80;
	(pc) =	sbr.rel @p1 .LBB2_4-.Ltmp1, $4  }
0xd8: {  	_ =	swait.ge @!p0 [sflag:s28], $0x80  }
0xd9: {  	[sflag:s28] =	ssyncset.done @!p0 $0x0  }
0xda: {  	s26 =	sadd.s32 $0x100, s26;
	[sflag:s28] =	ssyncadd.s32 @!p0 $0xFFFFFF80  }
0xdb: {  	s30 =	sadd.s32 $0x100, s30;
	s29 =	sadd.s32 $0x100, s29;
	_ =	swait.ge @!p0 [sflag:s28], $0x80  }
0xdc: {  	[sflag:s28] =	ssyncset.done @!p0 $0x0  }
0xdd: {  	[sflag:s28] =	ssyncadd.s32 @!p0 $0xFFFFFF80  }
0xde: {  	_ =	swait.ge [sflag:s22], $0x80  }
0xdf: {  	[sflag:s22] =	ssyncset.done $0x0  }
0xe0: {  	[sflag:s22] =	ssyncadd.s32 $0xFFFFFF80  }
0xe1: {  	_ =	swait.ge [sflag:s22], $0x80  }
0xe2: {  	[sflag:s22] =	ssyncset.done $0x0  }
0xe3: {  	[sflag:s22] =	ssyncadd.s32 $0xFFFFFF80  }
0xe4: {  	_ =	swait.ge [sflag:s22], $0x80  }
0xe5: {  	[sflag:s22] =	ssyncset.done $0x0  }
0xe6: {  	[sflag:s22] =	ssyncadd.s32 $0xFFFFFF80  }
0xe7: {  	_ =	swait.ge [sflag:s22], $0x80  }
0xe8: {  	[sflag:s22] =	ssyncset.done $0x0  }
0xe9: {  	[sflag:s22] =	ssyncadd.s32 $0xFFFFFF80  }
0xea: {  	_ =	swait.ge [sflag:s22], $0x80  }
0xeb: {  	[sflag:s22] =	ssyncset.done $0x0  }
0xec: {  	[sflag:s22] =	ssyncadd.s32 $0xFFFFFF80  }
0xed: {  	_ =	swait.ge [sflag:s22], $0x80  }
0xee: {  	[sflag:s22] =	ssyncset.done $0x0  }
0xef: {  	[sflag:s22] =	ssyncadd.s32 $0xFFFFFF80  }
0xf0: {  	_ =	swait.ge [sflag:s22], $0x80  }
0xf1: {  	[sflag:s22] =	ssyncset.done $0x0  }
0xf2: {  	[sflag:s22] =	ssyncadd.s32 $0xFFFFFF80  }
0xf3: {  	_ =	swait.ge [sflag:s22], $0x80  }
0xf4: {  	[sflag:s22] =	ssyncset.done $0x0  }
0xf5: {  	[sflag:s22] =	ssyncadd.s32 $0xFFFFFF80  }
0xf6: {  	_ =	swait.ge [sflag:s22], $0x80  }
0xf7: {  	[sflag:s22] =	ssyncset.done $0x0  }
0xf8: {  	[sflag:s22] =	ssyncadd.s32 $0xFFFFFF80  }
0xf9: {  	_ =	swait.ge [sflag:s22], $0x80  }
0xfa: {  	[sflag:s22] =	ssyncset.done $0x0  }
0xfb: {  	[sflag:s22] =	ssyncadd.s32 $0xFFFFFF80  }
0xfc: {  	_ =	swait.ge [sflag:s22], $0x80  }
0xfd: {  	[sflag:s22] =	ssyncset.done $0x0  }
0xfe: {  	[sflag:s22] =	ssyncadd.s32 $0xFFFFFF80  }
0xff: {  	_ =	swait.ge [sflag:s22], $0x80  }
0x100: {  	[sflag:s22] =	ssyncset.done $0x0  }
0x101: {  	[sflag:s22] =	ssyncadd.s32 $0xFFFFFF80  }
0x102: {  	_ =	swait.ge [sflag:s22], $0x80  }
0x103: {  	[sflag:s22] =	ssyncset.done $0x0  }
0x104: {  	[sflag:s22] =	ssyncadd.s32 $0xFFFFFF80  }
0x105: {  	_ =	swait.ge [sflag:s22], $0x80  }
0x106: {  	[sflag:s22] =	ssyncset.done $0x0  }
0x107: {  	[sflag:s22] =	ssyncadd.s32 $0xFFFFFF80  }
0x108: {  	_ =	swait.ge [sflag:s22], $0x80  }
0x109: {  	[sflag:s22] =	ssyncset.done $0x0  }
0x10a: {  	[sflag:s22] =	ssyncadd.s32 $0xFFFFFF80  }
0x10b: {  	_ =	swait.ge [sflag:s22], $0x80  }
0x10c: {  	[sflag:s22] =	ssyncset.done $0x0  }
0x10d: {  	[sflag:s22] =	ssyncadd.s32 $0xFFFFFF80  }
0x10e: {  	_ =	swait.ge [sflag:s22], $0x80  }
0x10f: {  	[sflag:s22] =	ssyncset.done $0x0  }
0x110: {  	[sflag:s22] =	ssyncadd.s32 $0xFFFFFF80  }
0x111: {  	_ =	swait.ge [sflag:s22], $0x80  }
0x112: {  	[sflag:s22] =	ssyncset.done $0x0  }
0x113: {  	[sflag:s22] =	ssyncadd.s32 $0xFFFFFF80  }
0x114: {  	_ =	swait.ge [sflag:s22], $0x80  }
0x115: {  	[sflag:s22] =	ssyncset.done $0x0  }
0x116: {  	[sflag:s22] =	ssyncadd.s32 $0xFFFFFF80  }
0x117: {  	_ =	swait.ge [sflag:s22], $0x80  }
0x118: {  	[sflag:s22] =	ssyncset.done $0x0  }
0x119: {  	[sflag:s22] =	ssyncadd.s32 $0xFFFFFF80  }
0x11a: {  	_ =	swait.ge [sflag:s22], $0x80  }
0x11b: {  	[sflag:s22] =	ssyncset.done $0x0  }
0x11c: {  	[sflag:s22] =	ssyncadd.s32 $0xFFFFFF80  }
0x11d: {  	_ =	swait.ge [sflag:s22], $0x80  }
0x11e: {  	[sflag:s22] =	ssyncset.done $0x0  }
0x11f: {  	[sflag:s22] =	ssyncadd.s32 $0xFFFFFF80  }
0x120: {  	_ =	swait.ge [sflag:s22], $0x80  }
0x121: {  	[sflag:s22] =	ssyncset.done $0x0  }
0x122: {  	[sflag:s22] =	ssyncadd.s32 $0xFFFFFF80  }
0x123: {  	_ =	swait.ge [sflag:s22], $0x80  }
0x124: {  	[sflag:s22] =	ssyncset.done $0x0  }
0x125: {  	s24 =	sshll.u32 s3, $0x6;
	[sflag:s22] =	ssyncadd.s32 $0xFFFFFF80  }
0x126: {  	s25 =	sshrl.u32 s10, $0x3;
	s24 =	sor.u32 $0x1C02, s24;
	[bflag:$0x0] =	sbarrier.arrive $0xFFFF  }
0x127: {  	[hbm:s13], [sflag:s24] =	dma.local [spmem:s25], $0x50  }
0x128: {  	_ =	swait.ge [sflag:s19], $0x50  }
0x129: {  	[sflag:s19] =	ssyncset.done $0x0  }
0x12a: {  	s30 =	sshrl.u32 s11, $0x3;
	[sflag:s19] =	ssyncadd.s32 $0xFFFFFFB0  }
0x12b: {  	[hbm:s14], [sflag:s24] =	dma.local [spmem:s30], $0x50  }
0x12c: {  	s23 =	sadd.s32 $0x1, s23;
	_ =	swait.ge [sflag:s19], $0x50  }
0x12d: {  	p0 =	sne.s32 s23, s16;
	[sflag:s19] =	ssyncset.done $0x0  }
.Ltmp2:
0x12e: {  	s31 =	sshrl.u32 s12, $0x3;
	[sflag:s19] =	ssyncadd.s32 $0xFFFFFFB0;
	(pc) =	sbr.rel @p0 .LBB2_1-.Ltmp2, $4  }
0x12f: {  	[hbm:s15], [sflag:s24] =	dma.local [spmem:s31], $0x50  }
0x130: {  	_ =	swait.ge [sflag:s19], $0x50  }
0x131: {  	[sflag:s19] =	ssyncset.done $0x0  }
0x132: {  	[sflag:s19] =	ssyncadd.s32 $0xFFFFFFB0  }
0x133: {  	_ =	sfence.sel $0x180000  }
0x134: {  	[bflag:$0x0] =	sbarrier.arrive $0xFFFF  }
0x135: {  	p0 =	sne.s32 s3, $0x0;
	_ =	strace $0x90000047  }
0x136: {  	s0 =	sadd.s32 @!p0 $0x100000, s0;
	[bflag:$0x2] =	sbarrier.arrive $0xFFFF  }
0x137: {  	[sflag:s0] =	ssyncadd.tile.s32 @!p0 $0x1;
	_ =	shalt  }
.Lfunc_end2:
_tile_overlayer_lowered:
.L_overlay_start_2:
0x138: {  	(tag) =	ssettag $0x2  }
0x139: {  	s0 =	rddreg [dreg:$0x0];
	s2 =	stileid.u32  }
0x13a: {  	s1 =	rddreg [dreg:$0x1];
	p0 =	sne.s32 s2, $0x0  }
0x13b: {  	s3 =	rddreg [dreg:$0x2];
	[bflag:$0x3] =	sbarrier.arrive $0xFFFF;
	s2 =	simm.s32 @!p0 $0x1C02  }
0x13c: {  	[timem:s3], [sflag:s2] =	dma.local @!p0 [hbm:s0], s1  }
0x13d: {  	s0 =	simm.s32 @!p0 $0x2  }
0x13e: {  	_ =	swait.ge @!p0 [sflag:s0], s1  }
0x13f: {  	s1 =	ssub.s32 @!p0 $0x0, s1;
	[sflag:s0] =	ssyncset.done @!p0 $0x0  }
0x140: {  	[sflag:s0] =	ssyncadd.s32 @!p0 s1  }
0x141: {  	[bflag:$0x3] =	sbarrier.arrive $0xFFFF  }
0x142: {  	_ =	shalt  }

</sc_bundles>
